<compile_context>
chip_gen: v7x
topology: tpu7x:2x2x1
jax: 0.10.2.dev20260603
libtpu: 0.0.44.dev20260713+nightly
codegen_flags: <defaults>
</compile_context>

<pallas_src>
import jax
import jax.numpy as jnp
from jax import lax
from jax.experimental import pallas as pl
from jax.experimental.pallas import tpu as pltpu
from jax.experimental.pallas import tpu_sc as plsc

_B = 16384
_D = 32
_NC = 2
_NS = 16
_NW = _NC * _NS
_BPW = _B // _NW
_L = 16
_G = _BPW // _L


def _sc_body(u_hbm, i_hbm, uemb_hbm, iemb_hbm, out_hbm,
             uidx_v, iidx_v, urows_v, irows_v, out_v,
             sem_idx, *sems):
    wid = lax.axis_index("s") * _NC + lax.axis_index("c")
    base = wid * _BPW

    cp_u = pltpu.async_copy(u_hbm.at[pl.ds(base, _BPW)], uidx_v, sem_idx)
    cp_i = pltpu.async_copy(i_hbm.at[pl.ds(base, _BPW)], iidx_v, sem_idx)
    cp_u.wait()
    cp_i.wait()

    lane = lax.iota(jnp.int32, _L)

    def group_body(g, carry):
        descs = []
        for h in range(2):
            uvec = uidx_v[pl.ds(g * 2 * _L + h * _L, _L)]
            ivec = iidx_v[pl.ds(g * 2 * _L + h * _L, _L)]
            for j in range(_L):
                descs.append(pltpu.async_copy(
                    uemb_hbm.at[pl.ds(uvec[j], 1), :],
                    urows_v.at[pl.ds(h * _L + j, 1), :],
                    sems[(2 * j) % len(sems)]))
                descs.append(pltpu.async_copy(
                    iemb_hbm.at[pl.ds(ivec[j], 1), :],
                    irows_v.at[pl.ds(h * _L + j, 1), :],
                    sems[(2 * j + 1) % len(sems)]))
        for dsc in descs:
            dsc.wait()

        for h in range(2):
            acc = jnp.zeros((_L,), jnp.float32)
            for jr in range(_L):
                r = h * _L + jr
                u0 = urows_v[r, pl.ds(0, _L)]
                u1 = urows_v[r, pl.ds(_L, _L)]
                i0 = irows_v[r, pl.ds(0, _L)]
                i1 = irows_v[r, pl.ds(_L, _L)]
                s = jnp.sum(u0 * i0 + u1 * i1)
                acc = jnp.where(lane == jr, s, acc)
            out_v[pl.ds(g * 2 * _L + h * _L, _L)] = acc
        return carry

    lax.fori_loop(0, _G // 2, group_body, 0)

    pltpu.sync_copy(out_v, out_hbm.at[pl.ds(base, _BPW)])


@jax.jit
def _bprmf_sc(u, i, user_emb, item_emb):
    mesh = plsc.VectorSubcoreMesh(core_axis_name="c", subcore_axis_name="s")
    run = pl.kernel(
        _sc_body,
        out_type=jax.ShapeDtypeStruct((_B,), jnp.float32),
        mesh=mesh,
        scratch_types=[
            pltpu.VMEM((_BPW,), jnp.int32),
            pltpu.VMEM((_BPW,), jnp.int32),
            pltpu.VMEM((2 * _L, _D), jnp.float32),
            pltpu.VMEM((2 * _L, _D), jnp.float32),
            pltpu.VMEM((_BPW,), jnp.float32),
            pltpu.SemaphoreType.DMA,
        ] + [pltpu.SemaphoreType.DMA] * 8,
        compiler_params=pltpu.CompilerParams(needs_layout_passes=False),
    )
    return run(u, i, user_emb, item_emb)


def kernel(u, i, user_emb, item_emb):
    return _bprmf_sc(u.astype(jnp.int32), i.astype(jnp.int32),
                     user_emb, item_emb)

# --- scband reference (transcript-rebuilt; emitter-appended) ---
"""Pipeline reference for scband-bprmf-47261820125597 (READ-ONLY COPY).

The authoritative reference and input builder live on the scoring server;
editing this copy changes nothing except your own understanding.
"""

import jax, jax.numpy as jnp
import numpy as np

NUM_USERS = 1000000
NUM_ITEMS = 1000000
EMBED_DIM = 32
BATCH = 16384


def setup_inputs(seed: int = 0) -> dict:
    key = jax.random.key(seed)
    k1, k2, k3, k4 = jax.random.split(key, 4)
    user_emb = jax.random.normal(k1, (NUM_USERS, EMBED_DIM), dtype=jnp.float32) * 0.01
    item_emb = jax.random.normal(k2, (NUM_ITEMS, EMBED_DIM), dtype=jnp.float32) * 0.01
    u = jax.random.randint(k3, (BATCH,), 0, NUM_USERS)
    i = jax.random.randint(k4, (BATCH,), 0, NUM_ITEMS)
    return {"u": u, "i": i, "user_emb": user_emb, "item_emb": item_emb}


def reference(u, i, user_emb, item_emb):
    # BPRMF.forward: dot product of user and item embeddings
    uvec = jnp.take(user_emb, u, axis=0)   # [B, D] gather
    ivec = jnp.take(item_emb, i, axis=0)   # [B, D] gather
    return jnp.sum(uvec * ivec, axis=-1)   # [B]

if __name__ == "__main__":
    import jax
    _d = setup_inputs()
    print(jax.jit(kernel)(*tuple(_d.values())))

</pallas_src>

<mosaic_0001>
#map = affine_map<(d0, d1) -> (0)>
#map1 = affine_map<(d0, d1) -> (0, 0)>
module attributes {stable_mosaic.version = 14 : i64} {
  func.func @_sc_body(%arg0: i32, %arg1: i32, %arg2: memref<16384xi32, #tpu.memory_space<hbm>>, %arg3: memref<16384xi32, #tpu.memory_space<hbm>>, %arg4: memref<1000000x32xf32, #tpu.memory_space<hbm>>, %arg5: memref<1000000x32xf32, #tpu.memory_space<hbm>>, %arg6: memref<16384xf32, #tpu.memory_space<hbm>>, %arg7: memref<512xi32, #tpu.memory_space<vmem>>, %arg8: memref<512xi32, #tpu.memory_space<vmem>>, %arg9: memref<32x32xf32, #tpu.memory_space<vmem>>, %arg10: memref<32x32xf32, #tpu.memory_space<vmem>>, %arg11: memref<512xf32, #tpu.memory_space<vmem>>, %arg12: memref<!tpu.dma_semaphore, #tpu.memory_space<semaphore_mem>>, %arg13: memref<!tpu.dma_semaphore, #tpu.memory_space<semaphore_mem>>, %arg14: memref<!tpu.dma_semaphore, #tpu.memory_space<semaphore_mem>>, %arg15: memref<!tpu.dma_semaphore, #tpu.memory_space<semaphore_mem>>, %arg16: memref<!tpu.dma_semaphore, #tpu.memory_space<semaphore_mem>>, %arg17: memref<!tpu.dma_semaphore, #tpu.memory_space<semaphore_mem>>, %arg18: memref<!tpu.dma_semaphore, #tpu.memory_space<semaphore_mem>>, %arg19: memref<!tpu.dma_semaphore, #tpu.memory_space<semaphore_mem>>, %arg20: memref<!tpu.dma_semaphore, #tpu.memory_space<semaphore_mem>>) attributes {dimension_semantics = [#tpu.dimension_semantics<core_parallel>, #tpu.dimension_semantics<subcore_parallel>], iteration_bounds = array<i64: 2, 16>, scalar_prefetch = 0 : i64, scratch_operands = 14 : i64, tpu.core_type = #tpu.core_type<sc_vector_subcore>, window_params = [{transform_indices = #map}, {transform_indices = #map}, {transform_indices = #map1}, {transform_indices = #map1}, {transform_indices = #map}]} {
    %mul3A = arith.constant 2 : i32
    %mul3A_0 = arith.muli %arg1, %mul3A : i32
    %add3A = arith.addi %mul3A_0, %arg0 : i32
    %mul3A_1 = arith.constant 512 : i32
    %mul3A_2 = arith.muli %add3A, %mul3A_1 : i32
    %dma_start3A = tpu.memref_slice %arg2[%mul3A_2] : memref<16384xi32, #tpu.memory_space<hbm>> -> memref<512xi32, #tpu.memory_space<hbm>>
    %dma_start3A_3 = tpu.memref_slice %arg2[%mul3A_2] : memref<16384xi32, #tpu.memory_space<hbm>> -> memref<512xi32, #tpu.memory_space<hbm>>
    tpu.enqueue_dma source(%dma_start3A_3 : memref<512xi32, #tpu.memory_space<hbm>>) target(%arg7 : memref<512xi32, #tpu.memory_space<vmem>>) target_semaphore(%arg12 : memref<!tpu.dma_semaphore, #tpu.memory_space<semaphore_mem>>)
    %dma_start3A_4 = tpu.memref_slice %arg3[%mul3A_2] : memref<16384xi32, #tpu.memory_space<hbm>> -> memref<512xi32, #tpu.memory_space<hbm>>
    %dma_start3A_5 = tpu.memref_slice %arg3[%mul3A_2] : memref<16384xi32, #tpu.memory_space<hbm>> -> memref<512xi32, #tpu.memory_space<hbm>>
    tpu.enqueue_dma source(%dma_start3A_5 : memref<512xi32, #tpu.memory_space<hbm>>) target(%arg8 : memref<512xi32, #tpu.memory_space<vmem>>) target_semaphore(%arg12 : memref<!tpu.dma_semaphore, #tpu.memory_space<semaphore_mem>>)
    %dma_wait3A = tpu.memref_slice %arg2[%mul3A_2] : memref<16384xi32, #tpu.memory_space<hbm>> -> memref<512xi32, #tpu.memory_space<hbm>>
    %dma_wait3A_6 = tpu.memref_slice %arg2[%mul3A_2] : memref<16384xi32, #tpu.memory_space<hbm>> -> memref<512xi32, #tpu.memory_space<hbm>>
    tpu.wait_dma2 semaphore(%arg12 : memref<!tpu.dma_semaphore, #tpu.memory_space<semaphore_mem>>) src(%dma_wait3A_6 : memref<512xi32, #tpu.memory_space<hbm>>) dst(%arg7 : memref<512xi32, #tpu.memory_space<vmem>>)
    %dma_wait3A_7 = tpu.memref_slice %arg3[%mul3A_2] : memref<16384xi32, #tpu.memory_space<hbm>> -> memref<512xi32, #tpu.memory_space<hbm>>
    %dma_wait3A_8 = tpu.memref_slice %arg3[%mul3A_2] : memref<16384xi32, #tpu.memory_space<hbm>> -> memref<512xi32, #tpu.memory_space<hbm>>
    tpu.wait_dma2 semaphore(%arg12 : memref<!tpu.dma_semaphore, #tpu.memory_space<semaphore_mem>>) src(%dma_wait3A_8 : memref<512xi32, #tpu.memory_space<hbm>>) dst(%arg8 : memref<512xi32, #tpu.memory_space<vmem>>)
    %iota3A = tpu.iota {dimensions = array<i32: 0>} : vector<16xi32>
    %scan3A = arith.constant 0 : i32
    %scan3A_9 = arith.constant 0 : i32
    %scan3A_10 = arith.constant 16 : i32
    %scan3A_11 = arith.addi %scan3A_9, %scan3A_10 : i32
    %scan3A_12 = arith.constant 1 : i32
    scf.for %scan3A_14 = %scan3A_9 to %scan3A_11 step %scan3A_12  : i32 {
      %mul3A_15 = arith.constant 2 : i32
      %mul3A_16 = arith.muli %scan3A_14, %mul3A_15 : i32
      %mul3A_17 = arith.constant 16 : i32
      %mul3A_18 = arith.muli %mul3A_16, %mul3A_17 : i32
      %add3A_19 = arith.constant 0 : i32
      %add3A_20 = arith.addi %mul3A_18, %add3A_19 : i32
      %get3A = arith.index_cast %add3A_20 : i32 to index
      %get3A_21 = tpu.vector_load %arg7[%get3A] {strides = array<i32>} : memref<512xi32, #tpu.memory_space<vmem>>, vector<16xi32>,
      %mul3A_22 = arith.constant 2 : i32
      %mul3A_23 = arith.muli %scan3A_14, %mul3A_22 : i32
      %mul3A_24 = arith.constant 16 : i32
      %mul3A_25 = arith.muli %mul3A_23, %mul3A_24 : i32
      %add3A_26 = arith.constant 0 : i32
      %add3A_27 = arith.addi %mul3A_25, %add3A_26 : i32
      %get3A_28 = arith.index_cast %add3A_27 : i32 to index
      %get3A_29 = tpu.vector_load %arg8[%get3A_28] {strides = array<i32>} : memref<512xi32, #tpu.memory_space<vmem>>, vector<16xi32>,
      %slice3A = vector.extract_strided_slice %get3A_21 {offsets = [0], sizes = [1], strides = [1]} : vector<16xi32> to vector<1xi32>
      %squeeze3A = vector.extract %slice3A[0] : i32 from vector<1xi32>
      %dma_start3A_30 = arith.constant 0 : i32
      %dma_start3A_31 = arith.constant 0 : i32
      %dma_start3A_32 = tpu.memref_slice %arg9[%dma_start3A_30, %dma_start3A_31] : memref<32x32xf32, #tpu.memory_space<vmem>> -> memref<1x32xf32, #tpu.memory_space<vmem>>
      %dma_start3A_33 = arith.constant 0 : i32
      %dma_start3A_34 = tpu.memref_slice %arg4[%squeeze3A, %dma_start3A_33] : memref<1000000x32xf32, #tpu.memory_space<hbm>> -> memref<1x32xf32, #tpu.memory_space<hbm>>
      %dma_start3A_35 = arith.constant 0 : i32
      %dma_start3A_36 = arith.constant 0 : i32
      %dma_start3A_37 = tpu.memref_slice %arg9[%dma_start3A_35, %dma_start3A_36] : memref<32x32xf32, #tpu.memory_space<vmem>> -> memref<1x32xf32, #tpu.memory_space<vmem>>
      %dma_start3A_38 = arith.constant 0 : i32
      %dma_start3A_39 = tpu.memref_slice %arg4[%squeeze3A, %dma_start3A_38] : memref<1000000x32xf32, #tpu.memory_space<hbm>> -> memref<1x32xf32, #tpu.memory_space<hbm>>
      tpu.enqueue_dma source(%dma_start3A_39 : memref<1x32xf32, #tpu.memory_space<hbm>>) target(%dma_start3A_37 : memref<1x32xf32, #tpu.memory_space<vmem>>) target_semaphore(%arg13 : memref<!tpu.dma_semaphore, #tpu.memory_space<semaphore_mem>>)
      %slice3A_40 = vector.extract_strided_slice %get3A_29 {offsets = [0], sizes = [1], strides = [1]} : vector<16xi32> to vector<1xi32>
      %squeeze3A_41 = vector.extract %slice3A_40[0] : i32 from vector<1xi32>
      %dma_start3A_42 = arith.constant 0 : i32
      %dma_start3A_43 = arith.constant 0 : i32
      %dma_start3A_44 = tpu.memref_slice %arg10[%dma_start3A_42, %dma_start3A_43] : memref<32x32xf32, #tpu.memory_space<vmem>> -> memref<1x32xf32, #tpu.memory_space<vmem>>
      %dma_start3A_45 = arith.constant 0 : i32
      %dma_start3A_46 = tpu.memref_slice %arg5[%squeeze3A_41, %dma_start3A_45] : memref<1000000x32xf32, #tpu.memory_space<hbm>> -> memref<1x32xf32, #tpu.memory_space<hbm>>
      %dma_start3A_47 = arith.constant 0 : i32
      %dma_start3A_48 = arith.constant 0 : i32
      %dma_start3A_49 = tpu.memref_slice %arg10[%dma_start3A_47, %dma_start3A_48] : memref<32x32xf32, #tpu.memory_space<vmem>> -> memref<1x32xf32, #tpu.memory_space<vmem>>
      %dma_start3A_50 = arith.constant 0 : i32
      %dma_start3A_51 = tpu.memref_slice %arg5[%squeeze3A_41, %dma_start3A_50] : memref<1000000x32xf32, #tpu.memory_space<hbm>> -> memref<1x32xf32, #tpu.memory_space<hbm>>
      tpu.enqueue_dma source(%dma_start3A_51 : memref<1x32xf32, #tpu.memory_space<hbm>>) target(%dma_start3A_49 : memref<1x32xf32, #tpu.memory_space<vmem>>) target_semaphore(%arg14 : memref<!tpu.dma_semaphore, #tpu.memory_space<semaphore_mem>>)
      %slice3A_52 = vector.extract_strided_slice %get3A_21 {offsets = [1], sizes = [1], strides = [1]} : vector<16xi32> to vector<1xi32>
      %squeeze3A_53 = vector.extract %slice3A_52[0] : i32 from vector<1xi32>
      %dma_start3A_54 = arith.constant 1 : i32
      %dma_start3A_55 = arith.constant 0 : i32
      %dma_start3A_56 = tpu.memref_slice %arg9[%dma_start3A_54, %dma_start3A_55] : memref<32x32xf32, #tpu.memory_space<vmem>> -> memref<1x32xf32, #tpu.memory_space<vmem>>
      %dma_start3A_57 = arith.constant 0 : i32
      %dma_start3A_58 = tpu.memref_slice %arg4[%squeeze3A_53, %dma_start3A_57] : memref<1000000x32xf32, #tpu.memory_space<hbm>> -> memref<1x32xf32, #tpu.memory_space<hbm>>
      %dma_start3A_59 = arith.constant 1 : i32
      %dma_start3A_60 = arith.constant 0 : i32
      %dma_start3A_61 = tpu.memref_slice %arg9[%dma_start3A_59, %dma_start3A_60] : memref<32x32xf32, #tpu.memory_space<vmem>> -> memref<1x32xf32, #tpu.memory_space<vmem>>
      %dma_start3A_62 = arith.constant 0 : i32
      %dma_start3A_63 = tpu.memref_slice %arg4[%squeeze3A_53, %dma_start3A_62] : memref<1000000x32xf32, #tpu.memory_space<hbm>> -> memref<1x32xf32, #tpu.memory_space<hbm>>
      tpu.enqueue_dma source(%dma_start3A_63 : memref<1x32xf32, #tpu.memory_space<hbm>>) target(%dma_start3A_61 : memref<1x32xf32, #tpu.memory_space<vmem>>) target_semaphore(%arg15 : memref<!tpu.dma_semaphore, #tpu.memory_space<semaphore_mem>>)
      %slice3A_64 = vector.extract_strided_slice %get3A_29 {offsets = [1], sizes = [1], strides = [1]} : vector<16xi32> to vector<1xi32>
      %squeeze3A_65 = vector.extract %slice3A_64[0] : i32 from vector<1xi32>
      %dma_start3A_66 = arith.constant 1 : i32
      %dma_start3A_67 = arith.constant 0 : i32
      %dma_start3A_68 = tpu.memref_slice %arg10[%dma_start3A_66, %dma_start3A_67] : memref<32x32xf32, #tpu.memory_space<vmem>> -> memref<1x32xf32, #tpu.memory_space<vmem>>
      %dma_start3A_69 = arith.constant 0 : i32
      %dma_start3A_70 = tpu.memref_slice %arg5[%squeeze3A_65, %dma_start3A_69] : memref<1000000x32xf32, #tpu.memory_space<hbm>> -> memref<1x32xf32, #tpu.memory_space<hbm>>
      %dma_start3A_71 = arith.constant 1 : i32
      %dma_start3A_72 = arith.constant 0 : i32
      %dma_start3A_73 = tpu.memref_slice %arg10[%dma_start3A_71, %dma_start3A_72] : memref<32x32xf32, #tpu.memory_space<vmem>> -> memref<1x32xf32, #tpu.memory_space<vmem>>
      %dma_start3A_74 = arith.constant 0 : i32
      %dma_start3A_75 = tpu.memref_slice %arg5[%squeeze3A_65, %dma_start3A_74] : memref<1000000x32xf32, #tpu.memory_space<hbm>> -> memref<1x32xf32, #tpu.memory_space<hbm>>
      tpu.enqueue_dma source(%dma_start3A_75 : memref<1x32xf32, #tpu.memory_space<hbm>>) target(%dma_start3A_73 : memref<1x32xf32, #tpu.memory_space<vmem>>) target_semaphore(%arg16 : memref<!tpu.dma_semaphore, #tpu.memory_space<semaphore_mem>>)
      %slice3A_76 = vector.extract_strided_slice %get3A_21 {offsets = [2], sizes = [1], strides = [1]} : vector<16xi32> to vector<1xi32>
      %squeeze3A_77 = vector.extract %slice3A_76[0] : i32 from vector<1xi32>
      %dma_start3A_78 = arith.constant 2 : i32
      %dma_start3A_79 = arith.constant 0 : i32
      %dma_start3A_80 = tpu.memref_slice %arg9[%dma_start3A_78, %dma_start3A_79] : memref<32x32xf32, #tpu.memory_space<vmem>> -> memref<1x32xf32, #tpu.memory_space<vmem>>
      %dma_start3A_81 = arith.constant 0 : i32
      %dma_start3A_82 = tpu.memref_slice %arg4[%squeeze3A_77, %dma_start3A_81] : memref<1000000x32xf32, #tpu.memory_space<hbm>> -> memref<1x32xf32, #tpu.memory_space<hbm>>
      %dma_start3A_83 = arith.constant 2 : i32
      %dma_start3A_84 = arith.constant 0 : i32
      %dma_start3A_85 = tpu.memref_slice %arg9[%dma_start3A_83, %dma_start3A_84] : memref<32x32xf32, #tpu.memory_space<vmem>> -> memref<1x32xf32, #tpu.memory_space<vmem>>
      %dma_start3A_86 = arith.constant 0 : i32
      %dma_start3A_87 = tpu.memref_slice %arg4[%squeeze3A_77, %dma_start3A_86] : memref<1000000x32xf32, #tpu.memory_space<hbm>> -> memref<1x32xf32, #tpu.memory_space<hbm>>
      tpu.enqueue_dma source(%dma_start3A_87 : memref<1x32xf32, #tpu.memory_space<hbm>>) target(%dma_start3A_85 : memref<1x32xf32, #tpu.memory_space<vmem>>) target_semaphore(%arg17 : memref<!tpu.dma_semaphore, #tpu.memory_space<semaphore_mem>>)
      %slice3A_88 = vector.extract_strided_slice %get3A_29 {offsets = [2], sizes = [1], strides = [1]} : vector<16xi32> to vector<1xi32>
      %squeeze3A_89 = vector.extract %slice3A_88[0] : i32 from vector<1xi32>
      %dma_start3A_90 = arith.constant 2 : i32
      %dma_start3A_91 = arith.constant 0 : i32
      %dma_start3A_92 = tpu.memref_slice %arg10[%dma_start3A_90, %dma_start3A_91] : memref<32x32xf32, #tpu.memory_space<vmem>> -> memref<1x32xf32, #tpu.memory_space<vmem>>
      %dma_start3A_93 = arith.constant 0 : i32
      %dma_start3A_94 = tpu.memref_slice %arg5[%squeeze3A_89, %dma_start3A_93] : memref<1000000x32xf32, #tpu.memory_space<hbm>> -> memref<1x32xf32, #tpu.memory_space<hbm>>
      %dma_start3A_95 = arith.constant 2 : i32
      %dma_start3A_96 = arith.constant 0 : i32
      %dma_start3A_97 = tpu.memref_slice %arg10[%dma_start3A_95, %dma_start3A_96] : memref<32x32xf32, #tpu.memory_space<vmem>> -> memref<1x32xf32, #tpu.memory_space<vmem>>
      %dma_start3A_98 = arith.constant 0 : i32
      %dma_start3A_99 = tpu.memref_slice %arg5[%squeeze3A_89, %dma_start3A_98] : memref<1000000x32xf32, #tpu.memory_space<hbm>> -> memref<1x32xf32, #tpu.memory_space<hbm>>
      tpu.enqueue_dma source(%dma_start3A_99 : memref<1x32xf32, #tpu.memory_space<hbm>>) target(%dma_start3A_97 : memref<1x32xf32, #tpu.memory_space<vmem>>) target_semaphore(%arg18 : memref<!tpu.dma_semaphore, #tpu.memory_space<semaphore_mem>>)
      %slice3A_100 = vector.extract_strided_slice %get3A_21 {offsets = [3], sizes = [1], strides = [1]} : vector<16xi32> to vector<1xi32>
      %squeeze3A_101 = vector.extract %slice3A_100[0] : i32 from vector<1xi32>
      %dma_start3A_102 = arith.constant 3 : i32
      %dma_start3A_103 = arith.constant 0 : i32
      %dma_start3A_104 = tpu.memref_slice %arg9[%dma_start3A_102, %dma_start3A_103] : memref<32x32xf32, #tpu.memory_space<vmem>> -> memref<1x32xf32, #tpu.memory_space<vmem>>
      %dma_start3A_105 = arith.constant 0 : i32
      %dma_start3A_106 = tpu.memref_slice %arg4[%squeeze3A_101, %dma_start3A_105] : memref<1000000x32xf32, #tpu.memory_space<hbm>> -> memref<1x32xf32, #tpu.memory_space<hbm>>
      %dma_start3A_107 = arith.constant 3 : i32
      %dma_start3A_108 = arith.constant 0 : i32
      %dma_start3A_109 = tpu.memref_slice %arg9[%dma_start3A_107, %dma_start3A_108] : memref<32x32xf32, #tpu.memory_space<vmem>> -> memref<1x32xf32, #tpu.memory_space<vmem>>
      %dma_start3A_110 = arith.constant 0 : i32
      %dma_start3A_111 = tpu.memref_slice %arg4[%squeeze3A_101, %dma_start3A_110] : memref<1000000x32xf32, #tpu.memory_space<hbm>> -> memref<1x32xf32, #tpu.memory_space<hbm>>
      tpu.enqueue_dma source(%dma_start3A_111 : memref<1x32xf32, #tpu.memory_space<hbm>>) target(%dma_start3A_109 : memref<1x32xf32, #tpu.memory_space<vmem>>) target_semaphore(%arg19 : memref<!tpu.dma_semaphore, #tpu.memory_space<semaphore_mem>>)
      %slice3A_112 = vector.extract_strided_slice %get3A_29 {offsets = [3], sizes = [1], strides = [1]} : vector<16xi32> to vector<1xi32>
      %squeeze3A_113 = vector.extract %slice3A_112[0] : i32 from vector<1xi32>
      %dma_start3A_114 = arith.constant 3 : i32
      %dma_start3A_115 = arith.constant 0 : i32
      %dma_start3A_116 = tpu.memref_slice %arg10[%dma_start3A_114, %dma_start3A_115] : memref<32x32xf32, #tpu.memory_space<vmem>> -> memref<1x32xf32, #tpu.memory_space<vmem>>
      %dma_start3A_117 = arith.constant 0 : i32
      %dma_start3A_118 = tpu.memref_slice %arg5[%squeeze3A_113, %dma_start3A_117] : memref<1000000x32xf32, #tpu.memory_space<hbm>> -> memref<1x32xf32, #tpu.memory_space<hbm>>
      %dma_start3A_119 = arith.constant 3 : i32
      %dma_start3A_120 = arith.constant 0 : i32
      %dma_start3A_121 = tpu.memref_slice %arg10[%dma_start3A_119, %dma_start3A_120] : memref<32x32xf32, #tpu.memory_space<vmem>> -> memref<1x32xf32, #tpu.memory_space<vmem>>
      %dma_start3A_122 = arith.constant 0 : i32
      %dma_start3A_123 = tpu.memref_slice %arg5[%squeeze3A_113, %dma_start3A_122] : memref<1000000x32xf32, #tpu.memory_space<hbm>> -> memref<1x32xf32, #tpu.memory_space<hbm>>
      tpu.enqueue_dma source(%dma_start3A_123 : memref<1x32xf32, #tpu.memory_space<hbm>>) target(%dma_start3A_121 : memref<1x32xf32, #tpu.memory_space<vmem>>) target_semaphore(%arg20 : memref<!tpu.dma_semaphore, #tpu.memory_space<semaphore_mem>>)
      %slice3A_124 = vector.extract_strided_slice %get3A_21 {offsets = [4], sizes = [1], strides = [1]} : vector<16xi32> to vector<1xi32>
      %squeeze3A_125 = vector.extract %slice3A_124[0] : i32 from vector<1xi32>
      %dma_start3A_126 = arith.constant 4 : i32
      %dma_start3A_127 = arith.constant 0 : i32
      %dma_start3A_128 = tpu.memref_slice %arg9[%dma_start3A_126, %dma_start3A_127] : memref<32x32xf32, #tpu.memory_space<vmem>> -> memref<1x32xf32, #tpu.memory_space<vmem>>
      %dma_start3A_129 = arith.constant 0 : i32
      %dma_start3A_130 = tpu.memref_slice %arg4[%squeeze3A_125, %dma_start3A_129] : memref<1000000x32xf32, #tpu.memory_space<hbm>> -> memref<1x32xf32, #tpu.memory_space<hbm>>
      %dma_start3A_131 = arith.constant 4 : i32
      %dma_start3A_132 = arith.constant 0 : i32
      %dma_start3A_133 = tpu.memref_slice %arg9[%dma_start3A_131, %dma_start3A_132] : memref<32x32xf32, #tpu.memory_space<vmem>> -> memref<1x32xf32, #tpu.memory_space<vmem>>
      %dma_start3A_134 = arith.constant 0 : i32
      %dma_start3A_135 = tpu.memref_slice %arg4[%squeeze3A_125, %dma_start3A_134] : memref<1000000x32xf32, #tpu.memory_space<hbm>> -> memref<1x32xf32, #tpu.memory_space<hbm>>
      tpu.enqueue_dma source(%dma_start3A_135 : memref<1x32xf32, #tpu.memory_space<hbm>>) target(%dma_start3A_133 : memref<1x32xf32, #tpu.memory_space<vmem>>) target_semaphore(%arg13 : memref<!tpu.dma_semaphore, #tpu.memory_space<semaphore_mem>>)
      %slice3A_136 = vector.extract_strided_slice %get3A_29 {offsets = [4], sizes = [1], strides = [1]} : vector<16xi32> to vector<1xi32>
      %squeeze3A_137 = vector.extract %slice3A_136[0] : i32 from vector<1xi32>
      %dma_start3A_138 = arith.constant 4 : i32
      %dma_start3A_139 = arith.constant 0 : i32
      %dma_start3A_140 = tpu.memref_slice %arg10[%dma_start3A_138, %dma_start3A_139] : memref<32x32xf32, #tpu.memory_space<vmem>> -> memref<1x32xf32, #tpu.memory_space<vmem>>
      %dma_start3A_141 = arith.constant 0 : i32
      %dma_start3A_142 = tpu.memref_slice %arg5[%squeeze3A_137, %dma_start3A_141] : memref<1000000x32xf32, #tpu.memory_space<hbm>> -> memref<1x32xf32, #tpu.memory_space<hbm>>
      %dma_start3A_143 = arith.constant 4 : i32
      %dma_start3A_144 = arith.constant 0 : i32
      %dma_start3A_145 = tpu.memref_slice %arg10[%dma_start3A_143, %dma_start3A_144] : memref<32x32xf32, #tpu.memory_space<vmem>> -> memref<1x32xf32, #tpu.memory_space<vmem>>
      %dma_start3A_146 = arith.constant 0 : i32
      %dma_start3A_147 = tpu.memref_slice %arg5[%squeeze3A_137, %dma_start3A_146] : memref<1000000x32xf32, #tpu.memory_space<hbm>> -> memref<1x32xf32, #tpu.memory_space<hbm>>
      tpu.enqueue_dma source(%dma_start3A_147 : memref<1x32xf32, #tpu.memory_space<hbm>>) target(%dma_start3A_145 : memref<1x32xf32, #tpu.memory_space<vmem>>) target_semaphore(%arg14 : memref<!tpu.dma_semaphore, #tpu.memory_space<semaphore_mem>>)
      %slice3A_148 = vector.extract_strided_slice %get3A_21 {offsets = [5], sizes = [1], strides = [1]} : vector<16xi32> to vector<1xi32>
      %squeeze3A_149 = vector.extract %slice3A_148[0] : i32 from vector<1xi32>
      %dma_start3A_150 = arith.constant 5 : i32
      %dma_start3A_151 = arith.constant 0 : i32
      %dma_start3A_152 = tpu.memref_slice %arg9[%dma_start3A_150, %dma_start3A_151] : memref<32x32xf32, #tpu.memory_space<vmem>> -> memref<1x32xf32, #tpu.memory_space<vmem>>
      %dma_start3A_153 = arith.constant 0 : i32
      %dma_start3A_154 = tpu.memref_slice %arg4[%squeeze3A_149, %dma_start3A_153] : memref<1000000x32xf32, #tpu.memory_space<hbm>> -> memref<1x32xf32, #tpu.memory_space<hbm>>
      %dma_start3A_155 = arith.constant 5 : i32
      %dma_start3A_156 = arith.constant 0 : i32
      %dma_start3A_157 = tpu.memref_slice %arg9[%dma_start3A_155, %dma_start3A_156] : memref<32x32xf32, #tpu.memory_space<vmem>> -> memref<1x32xf32, #tpu.memory_space<vmem>>
      %dma_start3A_158 = arith.constant 0 : i32
      %dma_start3A_159 = tpu.memref_slice %arg4[%squeeze3A_149, %dma_start3A_158] : memref<1000000x32xf32, #tpu.memory_space<hbm>> -> memref<1x32xf32, #tpu.memory_space<hbm>>
      tpu.enqueue_dma source(%dma_start3A_159 : memref<1x32xf32, #tpu.memory_space<hbm>>) target(%dma_start3A_157 : memref<1x32xf32, #tpu.memory_space<vmem>>) target_semaphore(%arg15 : memref<!tpu.dma_semaphore, #tpu.memory_space<semaphore_mem>>)
      %slice3A_160 = vector.extract_strided_slice %get3A_29 {offsets = [5], sizes = [1], strides = [1]} : vector<16xi32> to vector<1xi32>
      %squeeze3A_161 = vector.extract %slice3A_160[0] : i32 from vector<1xi32>
      %dma_start3A_162 = arith.constant 5 : i32
      %dma_start3A_163 = arith.constant 0 : i32
      %dma_start3A_164 = tpu.memref_slice %arg10[%dma_start3A_162, %dma_start3A_163] : memref<32x32xf32, #tpu.memory_space<vmem>> -> memref<1x32xf32, #tpu.memory_space<vmem>>
      %dma_start3A_165 = arith.constant 0 : i32
      %dma_start3A_166 = tpu.memref_slice %arg5[%squeeze3A_161, %dma_start3A_165] : memref<1000000x32xf32, #tpu.memory_space<hbm>> -> memref<1x32xf32, #tpu.memory_space<hbm>>
      %dma_start3A_167 = arith.constant 5 : i32
      %dma_start3A_168 = arith.constant 0 : i32
      %dma_start3A_169 = tpu.memref_slice %arg10[%dma_start3A_167, %dma_start3A_168] : memref<32x32xf32, #tpu.memory_space<vmem>> -> memref<1x32xf32, #tpu.memory_space<vmem>>
      %dma_start3A_170 = arith.constant 0 : i32
      %dma_start3A_171 = tpu.memref_slice %arg5[%squeeze3A_161, %dma_start3A_170] : memref<1000000x32xf32, #tpu.memory_space<hbm>> -> memref<1x32xf32, #tpu.memory_space<hbm>>
      tpu.enqueue_dma source(%dma_start3A_171 : memref<1x32xf32, #tpu.memory_space<hbm>>) target(%dma_start3A_169 : memref<1x32xf32, #tpu.memory_space<vmem>>) target_semaphore(%arg16 : memref<!tpu.dma_semaphore, #tpu.memory_space<semaphore_mem>>)
      %slice3A_172 = vector.extract_strided_slice %get3A_21 {offsets = [6], sizes = [1], strides = [1]} : vector<16xi32> to vector<1xi32>
      %squeeze3A_173 = vector.extract %slice3A_172[0] : i32 from vector<1xi32>
      %dma_start3A_174 = arith.constant 6 : i32
      %dma_start3A_175 = arith.constant 0 : i32
      %dma_start3A_176 = tpu.memref_slice %arg9[%dma_start3A_174, %dma_start3A_175] : memref<32x32xf32, #tpu.memory_space<vmem>> -> memref<1x32xf32, #tpu.memory_space<vmem>>
      %dma_start3A_177 = arith.constant 0 : i32
      %dma_start3A_178 = tpu.memref_slice %arg4[%squeeze3A_173, %dma_start3A_177] : memref<1000000x32xf32, #tpu.memory_space<hbm>> -> memref<1x32xf32, #tpu.memory_space<hbm>>
      %dma_start3A_179 = arith.constant 6 : i32
      %dma_start3A_180 = arith.constant 0 : i32
      %dma_start3A_181 = tpu.memref_slice %arg9[%dma_start3A_179, %dma_start3A_180] : memref<32x32xf32, #tpu.memory_space<vmem>> -> memref<1x32xf32, #tpu.memory_space<vmem>>
      %dma_start3A_182 = arith.constant 0 : i32
      %dma_start3A_183 = tpu.memref_slice %arg4[%squeeze3A_173, %dma_start3A_182] : memref<1000000x32xf32, #tpu.memory_space<hbm>> -> memref<1x32xf32, #tpu.memory_space<hbm>>
      tpu.enqueue_dma source(%dma_start3A_183 : memref<1x32xf32, #tpu.memory_space<hbm>>) target(%dma_start3A_181 : memref<1x32xf32, #tpu.memory_space<vmem>>) target_semaphore(%arg17 : memref<!tpu.dma_semaphore, #tpu.memory_space<semaphore_mem>>)
      %slice3A_184 = vector.extract_strided_slice %get3A_29 {offsets = [6], sizes = [1], strides = [1]} : vector<16xi32> to vector<1xi32>
      %squeeze3A_185 = vector.extract %slice3A_184[0] : i32 from vector<1xi32>
      %dma_start3A_186 = arith.constant 6 : i32
      %dma_start3A_187 = arith.constant 0 : i32
      %dma_start3A_188 = tpu.memref_slice %arg10[%dma_start3A_186, %dma_start3A_187] : memref<32x32xf32, #tpu.memory_space<vmem>> -> memref<1x32xf32, #tpu.memory_space<vmem>>
      %dma_start3A_189 = arith.constant 0 : i32
      %dma_start3A_190 = tpu.memref_slice %arg5[%squeeze3A_185, %dma_start3A_189] : memref<1000000x32xf32, #tpu.memory_space<hbm>> -> memref<1x32xf32, #tpu.memory_space<hbm>>
      %dma_start3A_191 = arith.constant 6 : i32
      %dma_start3A_192 = arith.constant 0 : i32
      %dma_start3A_193 = tpu.memref_slice %arg10[%dma_start3A_191, %dma_start3A_192] : memref<32x32xf32, #tpu.memory_space<vmem>> -> memref<1x32xf32, #tpu.memory_space<vmem>>
      %dma_start3A_194 = arith.constant 0 : i32
      %dma_start3A_195 = tpu.memref_slice %arg5[%squeeze3A_185, %dma_start3A_194] : memref<1000000x32xf32, #tpu.memory_space<hbm>> -> memref<1x32xf32, #tpu.memory_space<hbm>>
      tpu.enqueue_dma source(%dma_start3A_195 : memref<1x32xf32, #tpu.memory_space<hbm>>) target(%dma_start3A_193 : memref<1x32xf32, #tpu.memory_space<vmem>>) target_semaphore(%arg18 : memref<!tpu.dma_semaphore, #tpu.memory_space<semaphore_mem>>)
      %slice3A_196 = vector.extract_strided_slice %get3A_21 {offsets = [7], sizes = [1], strides = [1]} : vector<16xi32> to vector<1xi32>
      %squeeze3A_197 = vector.extract %slice3A_196[0] : i32 from vector<1xi32>
      %dma_start3A_198 = arith.constant 7 : i32
      %dma_start3A_199 = arith.constant 0 : i32
      %dma_start3A_200 = tpu.memref_slice %arg9[%dma_start3A_198, %dma_start3A_199] : memref<32x32xf32, #tpu.memory_space<vmem>> -> memref<1x32xf32, #tpu.memory_space<vmem>>
      %dma_start3A_201 = arith.constant 0 : i32
      %dma_start3A_202 = tpu.memref_slice %arg4[%squeeze3A_197, %dma_start3A_201] : memref<1000000x32xf32, #tpu.memory_space<hbm>> -> memref<1x32xf32, #tpu.memory_space<hbm>>
      %dma_start3A_203 = arith.constant 7 : i32
      %dma_start3A_204 = arith.constant 0 : i32
      %dma_start3A_205 = tpu.memref_slice %arg9[%dma_start3A_203, %dma_start3A_204] : memref<32x32xf32, #tpu.memory_space<vmem>> -> memref<1x32xf32, #tpu.memory_space<vmem>>
      %dma_start3A_206 = arith.constant 0 : i32
      %dma_start3A_207 = tpu.memref_slice %arg4[%squeeze3A_197, %dma_start3A_206] : memref<1000000x32xf32, #tpu.memory_space<hbm>> -> memref<1x32xf32, #tpu.memory_space<hbm>>
      tpu.enqueue_dma source(%dma_start3A_207 : memref<1x32xf32, #tpu.memory_space<hbm>>) target(%dma_start3A_205 : memref<1x32xf32, #tpu.memory_space<vmem>>) target_semaphore(%arg19 : memref<!tpu.dma_semaphore, #tpu.memory_space<semaphore_mem>>)
      %slice3A_208 = vector.extract_strided_slice %get3A_29 {offsets = [7], sizes = [1], strides = [1]} : vector<16xi32> to vector<1xi32>
      %squeeze3A_209 = vector.extract %slice3A_208[0] : i32 from vector<1xi32>
      %dma_start3A_210 = arith.constant 7 : i32
      %dma_start3A_211 = arith.constant 0 : i32
      %dma_start3A_212 = tpu.memref_slice %arg10[%dma_start3A_210, %dma_start3A_211] : memref<32x32xf32, #tpu.memory_space<vmem>> -> memref<1x32xf32, #tpu.memory_space<vmem>>
      %dma_start3A_213 = arith.constant 0 : i32
      %dma_start3A_214 = tpu.memref_slice %arg5[%squeeze3A_209, %dma_start3A_213] : memref<1000000x32xf32, #tpu.memory_space<hbm>> -> memref<1x32xf32, #tpu.memory_space<hbm>>
      %dma_start3A_215 = arith.constant 7 : i32
      %dma_start3A_216 = arith.constant 0 : i32
      %dma_start3A_217 = tpu.memref_slice %arg10[%dma_start3A_215, %dma_start3A_216] : memref<32x32xf32, #tpu.memory_space<vmem>> -> memref<1x32xf32, #tpu.memory_space<vmem>>
      %dma_start3A_218 = arith.constant 0 : i32
      %dma_start3A_219 = tpu.memref_slice %arg5[%squeeze3A_209, %dma_start3A_218] : memref<1000000x32xf32, #tpu.memory_space<hbm>> -> memref<1x32xf32, #tpu.memory_space<hbm>>
      tpu.enqueue_dma source(%dma_start3A_219 : memref<1x32xf32, #tpu.memory_space<hbm>>) target(%dma_start3A_217 : memref<1x32xf32, #tpu.memory_space<vmem>>) target_semaphore(%arg20 : memref<!tpu.dma_semaphore, #tpu.memory_space<semaphore_mem>>)
      %slice3A_220 = vector.extract_strided_slice %get3A_21 {offsets = [8], sizes = [1], strides = [1]} : vector<16xi32> to vector<1xi32>
      %squeeze3A_221 = vector.extract %slice3A_220[0] : i32 from vector<1xi32>
      %dma_start3A_222 = arith.constant 8 : i32
      %dma_start3A_223 = arith.constant 0 : i32
      %dma_start3A_224 = tpu.memref_slice %arg9[%dma_start3A_222, %dma_start3A_223] : memref<32x32xf32, #tpu.memory_space<vmem>> -> memref<1x32xf32, #tpu.memory_space<vmem>>
      %dma_start3A_225 = arith.constant 0 : i32
      %dma_start3A_226 = tpu.memref_slice %arg4[%squeeze3A_221, %dma_start3A_225] : memref<1000000x32xf32, #tpu.memory_space<hbm>> -> memref<1x32xf32, #tpu.memory_space<hbm>>
      %dma_start3A_227 = arith.constant 8 : i32
      %dma_start3A_228 = arith.constant 0 : i32
      %dma_start3A_229 = tpu.memref_slice %arg9[%dma_start3A_227, %dma_start3A_228] : memref<32x32xf32, #tpu.memory_space<vmem>> -> memref<1x32xf32, #tpu.memory_space<vmem>>
      %dma_start3A_230 = arith.constant 0 : i32
      %dma_start3A_231 = tpu.memref_slice %arg4[%squeeze3A_221, %dma_start3A_230] : memref<1000000x32xf32, #tpu.memory_space<hbm>> -> memref<1x32xf32, #tpu.memory_space<hbm>>
      tpu.enqueue_dma source(%dma_start3A_231 : memref<1x32xf32, #tpu.memory_space<hbm>>) target(%dma_start3A_229 : memref<1x32xf32, #tpu.memory_space<vmem>>) target_semaphore(%arg13 : memref<!tpu.dma_semaphore, #tpu.memory_space<semaphore_mem>>)
      %slice3A_232 = vector.extract_strided_slice %get3A_29 {offsets = [8], sizes = [1], strides = [1]} : vector<16xi32> to vector<1xi32>
      %squeeze3A_233 = vector.extract %slice3A_232[0] : i32 from vector<1xi32>
      %dma_start3A_234 = arith.constant 8 : i32
      %dma_start3A_235 = arith.constant 0 : i32
      %dma_start3A_236 = tpu.memref_slice %arg10[%dma_start3A_234, %dma_start3A_235] : memref<32x32xf32, #tpu.memory_space<vmem>> -> memref<1x32xf32, #tpu.memory_space<vmem>>
      %dma_start3A_237 = arith.constant 0 : i32
      %dma_start3A_238 = tpu.memref_slice %arg5[%squeeze3A_233, %dma_start3A_237] : memref<1000000x32xf32, #tpu.memory_space<hbm>> -> memref<1x32xf32, #tpu.memory_space<hbm>>
      %dma_start3A_239 = arith.constant 8 : i32
      %dma_start3A_240 = arith.constant 0 : i32
      %dma_start3A_241 = tpu.memref_slice %arg10[%dma_start3A_239, %dma_start3A_240] : memref<32x32xf32, #tpu.memory_space<vmem>> -> memref<1x32xf32, #tpu.memory_space<vmem>>
      %dma_start3A_242 = arith.constant 0 : i32
      %dma_start3A_243 = tpu.memref_slice %arg5[%squeeze3A_233, %dma_start3A_242] : memref<1000000x32xf32, #tpu.memory_space<hbm>> -> memref<1x32xf32, #tpu.memory_space<hbm>>
      tpu.enqueue_dma source(%dma_start3A_243 : memref<1x32xf32, #tpu.memory_space<hbm>>) target(%dma_start3A_241 : memref<1x32xf32, #tpu.memory_space<vmem>>) target_semaphore(%arg14 : memref<!tpu.dma_semaphore, #tpu.memory_space<semaphore_mem>>)
      %slice3A_244 = vector.extract_strided_slice %get3A_21 {offsets = [9], sizes = [1], strides = [1]} : vector<16xi32> to vector<1xi32>
      %squeeze3A_245 = vector.extract %slice3A_244[0] : i32 from vector<1xi32>
      %dma_start3A_246 = arith.constant 9 : i32
      %dma_start3A_247 = arith.constant 0 : i32
      %dma_start3A_248 = tpu.memref_slice %arg9[%dma_start3A_246, %dma_start3A_247] : memref<32x32xf32, #tpu.memory_space<vmem>> -> memref<1x32xf32, #tpu.memory_space<vmem>>
      %dma_start3A_249 = arith.constant 0 : i32
      %dma_start3A_250 = tpu.memref_slice %arg4[%squeeze3A_245, %dma_start3A_249] : memref<1000000x32xf32, #tpu.memory_space<hbm>> -> memref<1x32xf32, #tpu.memory_space<hbm>>
      %dma_start3A_251 = arith.constant 9 : i32
      %dma_start3A_252 = arith.constant 0 : i32
      %dma_start3A_253 = tpu.memref_slice %arg9[%dma_start3A_251, %dma_start3A_252] : memref<32x32xf32, #tpu.memory_space<vmem>> -> memref<1x32xf32, #tpu.memory_space<vmem>>
      %dma_start3A_254 = arith.constant 0 : i32
      %dma_start3A_255 = tpu.memref_slice %arg4[%squeeze3A_245, %dma_start3A_254] : memref<1000000x32xf32, #tpu.memory_space<hbm>> -> memref<1x32xf32, #tpu.memory_space<hbm>>
      tpu.enqueue_dma source(%dma_start3A_255 : memref<1x32xf32, #tpu.memory_space<hbm>>) target(%dma_start3A_253 : memref<1x32xf32, #tpu.memory_space<vmem>>) target_semaphore(%arg15 : memref<!tpu.dma_semaphore, #tpu.memory_space<semaphore_mem>>)
      %slice3A_256 = vector.extract_strided_slice %get3A_29 {offsets = [9], sizes = [1], strides = [1]} : vector<16xi32> to vector<1xi32>
      %squeeze3A_257 = vector.extract %slice3A_256[0] : i32 from vector<1xi32>
      %dma_start3A_258 = arith.constant 9 : i32
      %dma_start3A_259 = arith.constant 0 : i32
      %dma_start3A_260 = tpu.memref_slice %arg10[%dma_start3A_258, %dma_start3A_259] : memref<32x32xf32, #tpu.memory_space<vmem>> -> memref<1x32xf32, #tpu.memory_space<vmem>>
      %dma_start3A_261 = arith.constant 0 : i32
      %dma_start3A_262 = tpu.memref_slice %arg5[%squeeze3A_257, %dma_start3A_261] : memref<1000000x32xf32, #tpu.memory_space<hbm>> -> memref<1x32xf32, #tpu.memory_space<hbm>>
      %dma_start3A_263 = arith.constant 9 : i32
      %dma_start3A_264 = arith.constant 0 : i32
      %dma_start3A_265 = tpu.memref_slice %arg10[%dma_start3A_263, %dma_start3A_264] : memref<32x32xf32, #tpu.memory_space<vmem>> -> memref<1x32xf32, #tpu.memory_space<vmem>>
      %dma_start3A_266 = arith.constant 0 : i32
      %dma_start3A_267 = tpu.memref_slice %arg5[%squeeze3A_257, %dma_start3A_266] : memref<1000000x32xf32, #tpu.memory_space<hbm>> -> memref<1x32xf32, #tpu.memory_space<hbm>>
      tpu.enqueue_dma source(%dma_start3A_267 : memref<1x32xf32, #tpu.memory_space<hbm>>) target(%dma_start3A_265 : memref<1x32xf32, #tpu.memory_space<vmem>>) target_semaphore(%arg16 : memref<!tpu.dma_semaphore, #tpu.memory_space<semaphore_mem>>)
      %slice3A_268 = vector.extract_strided_slice %get3A_21 {offsets = [10], sizes = [1], strides = [1]} : vector<16xi32> to vector<1xi32>
      %squeeze3A_269 = vector.extract %slice3A_268[0] : i32 from vector<1xi32>
      %dma_start3A_270 = arith.constant 10 : i32
      %dma_start3A_271 = arith.constant 0 : i32
      %dma_start3A_272 = tpu.memref_slice %arg9[%dma_start3A_270, %dma_start3A_271] : memref<32x32xf32, #tpu.memory_space<vmem>> -> memref<1x32xf32, #tpu.memory_space<vmem>>
      %dma_start3A_273 = arith.constant 0 : i32
      %dma_start3A_274 = tpu.memref_slice %arg4[%squeeze3A_269, %dma_start3A_273] : memref<1000000x32xf32, #tpu.memory_space<hbm>> -> memref<1x32xf32, #tpu.memory_space<hbm>>
      %dma_start3A_275 = arith.constant 10 : i32
      %dma_start3A_276 = arith.constant 0 : i32
      %dma_start3A_277 = tpu.memref_slice %arg9[%dma_start3A_275, %dma_start3A_276] : memref<32x32xf32, #tpu.memory_space<vmem>> -> memref<1x32xf32, #tpu.memory_space<vmem>>
      %dma_start3A_278 = arith.constant 0 : i32
      %dma_start3A_279 = tpu.memref_slice %arg4[%squeeze3A_269, %dma_start3A_278] : memref<1000000x32xf32, #tpu.memory_space<hbm>> -> memref<1x32xf32, #tpu.memory_space<hbm>>
      tpu.enqueue_dma source(%dma_start3A_279 : memref<1x32xf32, #tpu.memory_space<hbm>>) target(%dma_start3A_277 : memref<1x32xf32, #tpu.memory_space<vmem>>) target_semaphore(%arg17 : memref<!tpu.dma_semaphore, #tpu.memory_space<semaphore_mem>>)
      %slice3A_280 = vector.extract_strided_slice %get3A_29 {offsets = [10], sizes = [1], strides = [1]} : vector<16xi32> to vector<1xi32>
      %squeeze3A_281 = vector.extract %slice3A_280[0] : i32 from vector<1xi32>
      %dma_start3A_282 = arith.constant 10 : i32
      %dma_start3A_283 = arith.constant 0 : i32
      %dma_start3A_284 = tpu.memref_slice %arg10[%dma_start3A_282, %dma_start3A_283] : memref<32x32xf32, #tpu.memory_space<vmem>> -> memref<1x32xf32, #tpu.memory_space<vmem>>
      %dma_start3A_285 = arith.constant 0 : i32
      %dma_start3A_286 = tpu.memref_slice %arg5[%squeeze3A_281, %dma_start3A_285] : memref<1000000x32xf32, #tpu.memory_space<hbm>> -> memref<1x32xf32, #tpu.memory_space<hbm>>
      %dma_start3A_287 = arith.constant 10 : i32
      %dma_start3A_288 = arith.constant 0 : i32
      %dma_start3A_289 = tpu.memref_slice %arg10[%dma_start3A_287, %dma_start3A_288] : memref<32x32xf32, #tpu.memory_space<vmem>> -> memref<1x32xf32, #tpu.memory_space<vmem>>
      %dma_start3A_290 = arith.constant 0 : i32
      %dma_start3A_291 = tpu.memref_slice %arg5[%squeeze3A_281, %dma_start3A_290] : memref<1000000x32xf32, #tpu.memory_space<hbm>> -> memref<1x32xf32, #tpu.memory_space<hbm>>
      tpu.enqueue_dma source(%dma_start3A_291 : memref<1x32xf32, #tpu.memory_space<hbm>>) target(%dma_start3A_289 : memref<1x32xf32, #tpu.memory_space<vmem>>) target_semaphore(%arg18 : memref<!tpu.dma_semaphore, #tpu.memory_space<semaphore_mem>>)
      %slice3A_292 = vector.extract_strided_slice %get3A_21 {offsets = [11], sizes = [1], strides = [1]} : vector<16xi32> to vector<1xi32>
      %squeeze3A_293 = vector.extract %slice3A_292[0] : i32 from vector<1xi32>
      %dma_start3A_294 = arith.constant 11 : i32
      %dma_start3A_295 = arith.constant 0 : i32
      %dma_start3A_296 = tpu.memref_slice %arg9[%dma_start3A_294, %dma_start3A_295] : memref<32x32xf32, #tpu.memory_space<vmem>> -> memref<1x32xf32, #tpu.memory_space<vmem>>
      %dma_start3A_297 = arith.constant 0 : i32
      %dma_start3A_298 = tpu.memref_slice %arg4[%squeeze3A_293, %dma_start3A_297] : memref<1000000x32xf32, #tpu.memory_space<hbm>> -> memref<1x32xf32, #tpu.memory_space<hbm>>
      %dma_start3A_299 = arith.constant 11 : i32
      %dma_start3A_300 = arith.constant 0 : i32
      %dma_start3A_301 = tpu.memref_slice %arg9[%dma_start3A_299, %dma_start3A_300] : memref<32x32xf32, #tpu.memory_space<vmem>> -> memref<1x32xf32, #tpu.memory_space<vmem>>
      %dma_start3A_302 = arith.constant 0 : i32
      %dma_start3A_303 = tpu.memref_slice %arg4[%squeeze3A_293, %dma_start3A_302] : memref<1000000x32xf32, #tpu.memory_space<hbm>> -> memref<1x32xf32, #tpu.memory_space<hbm>>
      tpu.enqueue_dma source(%dma_start3A_303 : memref<1x32xf32, #tpu.memory_space<hbm>>) target(%dma_start3A_301 : memref<1x32xf32, #tpu.memory_space<vmem>>) target_semaphore(%arg19 : memref<!tpu.dma_semaphore, #tpu.memory_space<semaphore_mem>>)
      %slice3A_304 = vector.extract_strided_slice %get3A_29 {offsets = [11], sizes = [1], strides = [1]} : vector<16xi32> to vector<1xi32>
      %squeeze3A_305 = vector.extract %slice3A_304[0] : i32 from vector<1xi32>
      %dma_start3A_306 = arith.constant 11 : i32
      %dma_start3A_307 = arith.constant 0 : i32
      %dma_start3A_308 = tpu.memref_slice %arg10[%dma_start3A_306, %dma_start3A_307] : memref<32x32xf32, #tpu.memory_space<vmem>> -> memref<1x32xf32, #tpu.memory_space<vmem>>
      %dma_start3A_309 = arith.constant 0 : i32
      %dma_start3A_310 = tpu.memref_slice %arg5[%squeeze3A_305, %dma_start3A_309] : memref<1000000x32xf32, #tpu.memory_space<hbm>> -> memref<1x32xf32, #tpu.memory_space<hbm>>
      %dma_start3A_311 = arith.constant 11 : i32
      %dma_start3A_312 = arith.constant 0 : i32
      %dma_start3A_313 = tpu.memref_slice %arg10[%dma_start3A_311, %dma_start3A_312] : memref<32x32xf32, #tpu.memory_space<vmem>> -> memref<1x32xf32, #tpu.memory_space<vmem>>
      %dma_start3A_314 = arith.constant 0 : i32
      %dma_start3A_315 = tpu.memref_slice %arg5[%squeeze3A_305, %dma_start3A_314] : memref<1000000x32xf32, #tpu.memory_space<hbm>> -> memref<1x32xf32, #tpu.memory_space<hbm>>
      tpu.enqueue_dma source(%dma_start3A_315 : memref<1x32xf32, #tpu.memory_space<hbm>>) target(%dma_start3A_313 : memref<1x32xf32, #tpu.memory_space<vmem>>) target_semaphore(%arg20 : memref<!tpu.dma_semaphore, #tpu.memory_space<semaphore_mem>>)
      %slice3A_316 = vector.extract_strided_slice %get3A_21 {offsets = [12], sizes = [1], strides = [1]} : vector<16xi32> to vector<1xi32>
      %squeeze3A_317 = vector.extract %slice3A_316[0] : i32 from vector<1xi32>
      %dma_start3A_318 = arith.constant 12 : i32
      %dma_start3A_319 = arith.constant 0 : i32
      %dma_start3A_320 = tpu.memref_slice %arg9[%dma_start3A_318, %dma_start3A_319] : memref<32x32xf32, #tpu.memory_space<vmem>> -> memref<1x32xf32, #tpu.memory_space<vmem>>
      %dma_start3A_321 = arith.constant 0 : i32
      %dma_start3A_322 = tpu.memref_slice %arg4[%squeeze3A_317, %dma_start3A_321] : memref<1000000x32xf32, #tpu.memory_space<hbm>> -> memref<1x32xf32, #tpu.memory_space<hbm>>
      %dma_start3A_323 = arith.constant 12 : i32
      %dma_start3A_324 = arith.constant 0 : i32
      %dma_start3A_325 = tpu.memref_slice %arg9[%dma_start3A_323, %dma_start3A_324] : memref<32x32xf32, #tpu.memory_space<vmem>> -> memref<1x32xf32, #tpu.memory_space<vmem>>
      %dma_start3A_326 = arith.constant 0 : i32
      %dma_start3A_327 = tpu.memref_slice %arg4[%squeeze3A_317, %dma_start3A_326] : memref<1000000x32xf32, #tpu.memory_space<hbm>> -> memref<1x32xf32, #tpu.memory_space<hbm>>
      tpu.enqueue_dma source(%dma_start3A_327 : memref<1x32xf32, #tpu.memory_space<hbm>>) target(%dma_start3A_325 : memref<1x32xf32, #tpu.memory_space<vmem>>) target_semaphore(%arg13 : memref<!tpu.dma_semaphore, #tpu.memory_space<semaphore_mem>>)
      %slice3A_328 = vector.extract_strided_slice %get3A_29 {offsets = [12], sizes = [1], strides = [1]} : vector<16xi32> to vector<1xi32>
      %squeeze3A_329 = vector.extract %slice3A_328[0] : i32 from vector<1xi32>
      %dma_start3A_330 = arith.constant 12 : i32
      %dma_start3A_331 = arith.constant 0 : i32
      %dma_start3A_332 = tpu.memref_slice %arg10[%dma_start3A_330, %dma_start3A_331] : memref<32x32xf32, #tpu.memory_space<vmem>> -> memref<1x32xf32, #tpu.memory_space<vmem>>
      %dma_start3A_333 = arith.constant 0 : i32
      %dma_start3A_334 = tpu.memref_slice %arg5[%squeeze3A_329, %dma_start3A_333] : memref<1000000x32xf32, #tpu.memory_space<hbm>> -> memref<1x32xf32, #tpu.memory_space<hbm>>
      %dma_start3A_335 = arith.constant 12 : i32
      %dma_start3A_336 = arith.constant 0 : i32
      %dma_start3A_337 = tpu.memref_slice %arg10[%dma_start3A_335, %dma_start3A_336] : memref<32x32xf32, #tpu.memory_space<vmem>> -> memref<1x32xf32, #tpu.memory_space<vmem>>
      %dma_start3A_338 = arith.constant 0 : i32
      %dma_start3A_339 = tpu.memref_slice %arg5[%squeeze3A_329, %dma_start3A_338] : memref<1000000x32xf32, #tpu.memory_space<hbm>> -> memref<1x32xf32, #tpu.memory_space<hbm>>
      tpu.enqueue_dma source(%dma_start3A_339 : memref<1x32xf32, #tpu.memory_space<hbm>>) target(%dma_start3A_337 : memref<1x32xf32, #tpu.memory_space<vmem>>) target_semaphore(%arg14 : memref<!tpu.dma_semaphore, #tpu.memory_space<semaphore_mem>>)
      %slice3A_340 = vector.extract_strided_slice %get3A_21 {offsets = [13], sizes = [1], strides = [1]} : vector<16xi32> to vector<1xi32>
      %squeeze3A_341 = vector.extract %slice3A_340[0] : i32 from vector<1xi32>
      %dma_start3A_342 = arith.constant 13 : i32
      %dma_start3A_343 = arith.constant 0 : i32
      %dma_start3A_344 = tpu.memref_slice %arg9[%dma_start3A_342, %dma_start3A_343] : memref<32x32xf32, #tpu.memory_space<vmem>> -> memref<1x32xf32, #tpu.memory_space<vmem>>
      %dma_start3A_345 = arith.constant 0 : i32
      %dma_start3A_346 = tpu.memref_slice %arg4[%squeeze3A_341, %dma_start3A_345] : memref<1000000x32xf32, #tpu.memory_space<hbm>> -> memref<1x32xf32, #tpu.memory_space<hbm>>
      %dma_start3A_347 = arith.constant 13 : i32
      %dma_start3A_348 = arith.constant 0 : i32
      %dma_start3A_349 = tpu.memref_slice %arg9[%dma_start3A_347, %dma_start3A_348] : memref<32x32xf32, #tpu.memory_space<vmem>> -> memref<1x32xf32, #tpu.memory_space<vmem>>
      %dma_start3A_350 = arith.constant 0 : i32
      %dma_start3A_351 = tpu.memref_slice %arg4[%squeeze3A_341, %dma_start3A_350] : memref<1000000x32xf32, #tpu.memory_space<hbm>> -> memref<1x32xf32, #tpu.memory_space<hbm>>
      tpu.enqueue_dma source(%dma_start3A_351 : memref<1x32xf32, #tpu.memory_space<hbm>>) target(%dma_start3A_349 : memref<1x32xf32, #tpu.memory_space<vmem>>) target_semaphore(%arg15 : memref<!tpu.dma_semaphore, #tpu.memory_space<semaphore_mem>>)
      %slice3A_352 = vector.extract_strided_slice %get3A_29 {offsets = [13], sizes = [1], strides = [1]} : vector<16xi32> to vector<1xi32>
      %squeeze3A_353 = vector.extract %slice3A_352[0] : i32 from vector<1xi32>
      %dma_start3A_354 = arith.constant 13 : i32
      %dma_start3A_355 = arith.constant 0 : i32
      %dma_start3A_356 = tpu.memref_slice %arg10[%dma_start3A_354, %dma_start3A_355] : memref<32x32xf32, #tpu.memory_space<vmem>> -> memref<1x32xf32, #tpu.memory_space<vmem>>
      %dma_start3A_357 = arith.constant 0 : i32
      %dma_start3A_358 = tpu.memref_slice %arg5[%squeeze3A_353, %dma_start3A_357] : memref<1000000x32xf32, #tpu.memory_space<hbm>> -> memref<1x32xf32, #tpu.memory_space<hbm>>
      %dma_start3A_359 = arith.constant 13 : i32
      %dma_start3A_360 = arith.constant 0 : i32
      %dma_start3A_361 = tpu.memref_slice %arg10[%dma_start3A_359, %dma_start3A_360] : memref<32x32xf32, #tpu.memory_space<vmem>> -> memref<1x32xf32, #tpu.memory_space<vmem>>
      %dma_start3A_362 = arith.constant 0 : i32
      %dma_start3A_363 = tpu.memref_slice %arg5[%squeeze3A_353, %dma_start3A_362] : memref<1000000x32xf32, #tpu.memory_space<hbm>> -> memref<1x32xf32, #tpu.memory_space<hbm>>
      tpu.enqueue_dma source(%dma_start3A_363 : memref<1x32xf32, #tpu.memory_space<hbm>>) target(%dma_start3A_361 : memref<1x32xf32, #tpu.memory_space<vmem>>) target_semaphore(%arg16 : memref<!tpu.dma_semaphore, #tpu.memory_space<semaphore_mem>>)
      %slice3A_364 = vector.extract_strided_slice %get3A_21 {offsets = [14], sizes = [1], strides = [1]} : vector<16xi32> to vector<1xi32>
      %squeeze3A_365 = vector.extract %slice3A_364[0] : i32 from vector<1xi32>
      %dma_start3A_366 = arith.constant 14 : i32
      %dma_start3A_367 = arith.constant 0 : i32
      %dma_start3A_368 = tpu.memref_slice %arg9[%dma_start3A_366, %dma_start3A_367] : memref<32x32xf32, #tpu.memory_space<vmem>> -> memref<1x32xf32, #tpu.memory_space<vmem>>
      %dma_start3A_369 = arith.constant 0 : i32
      %dma_start3A_370 = tpu.memref_slice %arg4[%squeeze3A_365, %dma_start3A_369] : memref<1000000x32xf32, #tpu.memory_space<hbm>> -> memref<1x32xf32, #tpu.memory_space<hbm>>
      %dma_start3A_371 = arith.constant 14 : i32
      %dma_start3A_372 = arith.constant 0 : i32
      %dma_start3A_373 = tpu.memref_slice %arg9[%dma_start3A_371, %dma_start3A_372] : memref<32x32xf32, #tpu.memory_space<vmem>> -> memref<1x32xf32, #tpu.memory_space<vmem>>
      %dma_start3A_374 = arith.constant 0 : i32
      %dma_start3A_375 = tpu.memref_slice %arg4[%squeeze3A_365, %dma_start3A_374] : memref<1000000x32xf32, #tpu.memory_space<hbm>> -> memref<1x32xf32, #tpu.memory_space<hbm>>
      tpu.enqueue_dma source(%dma_start3A_375 : memref<1x32xf32, #tpu.memory_space<hbm>>) target(%dma_start3A_373 : memref<1x32xf32, #tpu.memory_space<vmem>>) target_semaphore(%arg17 : memref<!tpu.dma_semaphore, #tpu.memory_space<semaphore_mem>>)
      %slice3A_376 = vector.extract_strided_slice %get3A_29 {offsets = [14], sizes = [1], strides = [1]} : vector<16xi32> to vector<1xi32>
      %squeeze3A_377 = vector.extract %slice3A_376[0] : i32 from vector<1xi32>
      %dma_start3A_378 = arith.constant 14 : i32
      %dma_start3A_379 = arith.constant 0 : i32
      %dma_start3A_380 = tpu.memref_slice %arg10[%dma_start3A_378, %dma_start3A_379] : memref<32x32xf32, #tpu.memory_space<vmem>> -> memref<1x32xf32, #tpu.memory_space<vmem>>
      %dma_start3A_381 = arith.constant 0 : i32
      %dma_start3A_382 = tpu.memref_slice %arg5[%squeeze3A_377, %dma_start3A_381] : memref<1000000x32xf32, #tpu.memory_space<hbm>> -> memref<1x32xf32, #tpu.memory_space<hbm>>
      %dma_start3A_383 = arith.constant 14 : i32
      %dma_start3A_384 = arith.constant 0 : i32
      %dma_start3A_385 = tpu.memref_slice %arg10[%dma_start3A_383, %dma_start3A_384] : memref<32x32xf32, #tpu.memory_space<vmem>> -> memref<1x32xf32, #tpu.memory_space<vmem>>
      %dma_start3A_386 = arith.constant 0 : i32
      %dma_start3A_387 = tpu.memref_slice %arg5[%squeeze3A_377, %dma_start3A_386] : memref<1000000x32xf32, #tpu.memory_space<hbm>> -> memref<1x32xf32, #tpu.memory_space<hbm>>
      tpu.enqueue_dma source(%dma_start3A_387 : memref<1x32xf32, #tpu.memory_space<hbm>>) target(%dma_start3A_385 : memref<1x32xf32, #tpu.memory_space<vmem>>) target_semaphore(%arg18 : memref<!tpu.dma_semaphore, #tpu.memory_space<semaphore_mem>>)
      %slice3A_388 = vector.extract_strided_slice %get3A_21 {offsets = [15], sizes = [1], strides = [1]} : vector<16xi32> to vector<1xi32>
      %squeeze3A_389 = vector.extract %slice3A_388[0] : i32 from vector<1xi32>
      %dma_start3A_390 = arith.constant 15 : i32
      %dma_start3A_391 = arith.constant 0 : i32
      %dma_start3A_392 = tpu.memref_slice %arg9[%dma_start3A_390, %dma_start3A_391] : memref<32x32xf32, #tpu.memory_space<vmem>> -> memref<1x32xf32, #tpu.memory_space<vmem>>
      %dma_start3A_393 = arith.constant 0 : i32
      %dma_start3A_394 = tpu.memref_slice %arg4[%squeeze3A_389, %dma_start3A_393] : memref<1000000x32xf32, #tpu.memory_space<hbm>> -> memref<1x32xf32, #tpu.memory_space<hbm>>
      %dma_start3A_395 = arith.constant 15 : i32
      %dma_start3A_396 = arith.constant 0 : i32
      %dma_start3A_397 = tpu.memref_slice %arg9[%dma_start3A_395, %dma_start3A_396] : memref<32x32xf32, #tpu.memory_space<vmem>> -> memref<1x32xf32, #tpu.memory_space<vmem>>
      %dma_start3A_398 = arith.constant 0 : i32
      %dma_start3A_399 = tpu.memref_slice %arg4[%squeeze3A_389, %dma_start3A_398] : memref<1000000x32xf32, #tpu.memory_space<hbm>> -> memref<1x32xf32, #tpu.memory_space<hbm>>
      tpu.enqueue_dma source(%dma_start3A_399 : memref<1x32xf32, #tpu.memory_space<hbm>>) target(%dma_start3A_397 : memref<1x32xf32, #tpu.memory_space<vmem>>) target_semaphore(%arg19 : memref<!tpu.dma_semaphore, #tpu.memory_space<semaphore_mem>>)
      %slice3A_400 = vector.extract_strided_slice %get3A_29 {offsets = [15], sizes = [1], strides = [1]} : vector<16xi32> to vector<1xi32>
      %squeeze3A_401 = vector.extract %slice3A_400[0] : i32 from vector<1xi32>
      %dma_start3A_402 = arith.constant 15 : i32
      %dma_start3A_403 = arith.constant 0 : i32
      %dma_start3A_404 = tpu.memref_slice %arg10[%dma_start3A_402, %dma_start3A_403] : memref<32x32xf32, #tpu.memory_space<vmem>> -> memref<1x32xf32, #tpu.memory_space<vmem>>
      %dma_start3A_405 = arith.constant 0 : i32
      %dma_start3A_406 = tpu.memref_slice %arg5[%squeeze3A_401, %dma_start3A_405] : memref<1000000x32xf32, #tpu.memory_space<hbm>> -> memref<1x32xf32, #tpu.memory_space<hbm>>
      %dma_start3A_407 = arith.constant 15 : i32
      %dma_start3A_408 = arith.constant 0 : i32
      %dma_start3A_409 = tpu.memref_slice %arg10[%dma_start3A_407, %dma_start3A_408] : memref<32x32xf32, #tpu.memory_space<vmem>> -> memref<1x32xf32, #tpu.memory_space<vmem>>
      %dma_start3A_410 = arith.constant 0 : i32
      %dma_start3A_411 = tpu.memref_slice %arg5[%squeeze3A_401, %dma_start3A_410] : memref<1000000x32xf32, #tpu.memory_space<hbm>> -> memref<1x32xf32, #tpu.memory_space<hbm>>
      tpu.enqueue_dma source(%dma_start3A_411 : memref<1x32xf32, #tpu.memory_space<hbm>>) target(%dma_start3A_409 : memref<1x32xf32, #tpu.memory_space<vmem>>) target_semaphore(%arg20 : memref<!tpu.dma_semaphore, #tpu.memory_space<semaphore_mem>>)
      %mul3A_412 = arith.constant 2 : i32
      %mul3A_413 = arith.muli %scan3A_14, %mul3A_412 : i32
      %mul3A_414 = arith.constant 16 : i32
      %mul3A_415 = arith.muli %mul3A_413, %mul3A_414 : i32
      %add3A_416 = arith.constant 16 : i32
      %add3A_417 = arith.addi %mul3A_415, %add3A_416 : i32
      %get3A_418 = arith.index_cast %add3A_417 : i32 to index
      %get3A_419 = tpu.vector_load %arg7[%get3A_418] {strides = array<i32>} : memref<512xi32, #tpu.memory_space<vmem>>, vector<16xi32>,
      %mul3A_420 = arith.constant 2 : i32
      %mul3A_421 = arith.muli %scan3A_14, %mul3A_420 : i32
      %mul3A_422 = arith.constant 16 : i32
      %mul3A_423 = arith.muli %mul3A_421, %mul3A_422 : i32
      %add3A_424 = arith.constant 16 : i32
      %add3A_425 = arith.addi %mul3A_423, %add3A_424 : i32
      %get3A_426 = arith.index_cast %add3A_425 : i32 to index
      %get3A_427 = tpu.vector_load %arg8[%get3A_426] {strides = array<i32>} : memref<512xi32, #tpu.memory_space<vmem>>, vector<16xi32>,
      %slice3A_428 = vector.extract_strided_slice %get3A_419 {offsets = [0], sizes = [1], strides = [1]} : vector<16xi32> to vector<1xi32>
      %squeeze3A_429 = vector.extract %slice3A_428[0] : i32 from vector<1xi32>
      %dma_start3A_430 = arith.constant 16 : i32
      %dma_start3A_431 = arith.constant 0 : i32
      %dma_start3A_432 = tpu.memref_slice %arg9[%dma_start3A_430, %dma_start3A_431] : memref<32x32xf32, #tpu.memory_space<vmem>> -> memref<1x32xf32, #tpu.memory_space<vmem>>
      %dma_start3A_433 = arith.constant 0 : i32
      %dma_start3A_434 = tpu.memref_slice %arg4[%squeeze3A_429, %dma_start3A_433] : memref<1000000x32xf32, #tpu.memory_space<hbm>> -> memref<1x32xf32, #tpu.memory_space<hbm>>
      %dma_start3A_435 = arith.constant 16 : i32
      %dma_start3A_436 = arith.constant 0 : i32
      %dma_start3A_437 = tpu.memref_slice %arg9[%dma_start3A_435, %dma_start3A_436] : memref<32x32xf32, #tpu.memory_space<vmem>> -> memref<1x32xf32, #tpu.memory_space<vmem>>
      %dma_start3A_438 = arith.constant 0 : i32
      %dma_start3A_439 = tpu.memref_slice %arg4[%squeeze3A_429, %dma_start3A_438] : memref<1000000x32xf32, #tpu.memory_space<hbm>> -> memref<1x32xf32, #tpu.memory_space<hbm>>
      tpu.enqueue_dma source(%dma_start3A_439 : memref<1x32xf32, #tpu.memory_space<hbm>>) target(%dma_start3A_437 : memref<1x32xf32, #tpu.memory_space<vmem>>) target_semaphore(%arg13 : memref<!tpu.dma_semaphore, #tpu.memory_space<semaphore_mem>>)
      %slice3A_440 = vector.extract_strided_slice %get3A_427 {offsets = [0], sizes = [1], strides = [1]} : vector<16xi32> to vector<1xi32>
      %squeeze3A_441 = vector.extract %slice3A_440[0] : i32 from vector<1xi32>
      %dma_start3A_442 = arith.constant 16 : i32
      %dma_start3A_443 = arith.constant 0 : i32
      %dma_start3A_444 = tpu.memref_slice %arg10[%dma_start3A_442, %dma_start3A_443] : memref<32x32xf32, #tpu.memory_space<vmem>> -> memref<1x32xf32, #tpu.memory_space<vmem>>
      %dma_start3A_445 = arith.constant 0 : i32
      %dma_start3A_446 = tpu.memref_slice %arg5[%squeeze3A_441, %dma_start3A_445] : memref<1000000x32xf32, #tpu.memory_space<hbm>> -> memref<1x32xf32, #tpu.memory_space<hbm>>
      %dma_start3A_447 = arith.constant 16 : i32
      %dma_start3A_448 = arith.constant 0 : i32
      %dma_start3A_449 = tpu.memref_slice %arg10[%dma_start3A_447, %dma_start3A_448] : memref<32x32xf32, #tpu.memory_space<vmem>> -> memref<1x32xf32, #tpu.memory_space<vmem>>
      %dma_start3A_450 = arith.constant 0 : i32
      %dma_start3A_451 = tpu.memref_slice %arg5[%squeeze3A_441, %dma_start3A_450] : memref<1000000x32xf32, #tpu.memory_space<hbm>> -> memref<1x32xf32, #tpu.memory_space<hbm>>
      tpu.enqueue_dma source(%dma_start3A_451 : memref<1x32xf32, #tpu.memory_space<hbm>>) target(%dma_start3A_449 : memref<1x32xf32, #tpu.memory_space<vmem>>) target_semaphore(%arg14 : memref<!tpu.dma_semaphore, #tpu.memory_space<semaphore_mem>>)
      %slice3A_452 = vector.extract_strided_slice %get3A_419 {offsets = [1], sizes = [1], strides = [1]} : vector<16xi32> to vector<1xi32>
      %squeeze3A_453 = vector.extract %slice3A_452[0] : i32 from vector<1xi32>
      %dma_start3A_454 = arith.constant 17 : i32
      %dma_start3A_455 = arith.constant 0 : i32
      %dma_start3A_456 = tpu.memref_slice %arg9[%dma_start3A_454, %dma_start3A_455] : memref<32x32xf32, #tpu.memory_space<vmem>> -> memref<1x32xf32, #tpu.memory_space<vmem>>
      %dma_start3A_457 = arith.constant 0 : i32
      %dma_start3A_458 = tpu.memref_slice %arg4[%squeeze3A_453, %dma_start3A_457] : memref<1000000x32xf32, #tpu.memory_space<hbm>> -> memref<1x32xf32, #tpu.memory_space<hbm>>
      %dma_start3A_459 = arith.constant 17 : i32
      %dma_start3A_460 = arith.constant 0 : i32
      %dma_start3A_461 = tpu.memref_slice %arg9[%dma_start3A_459, %dma_start3A_460] : memref<32x32xf32, #tpu.memory_space<vmem>> -> memref<1x32xf32, #tpu.memory_space<vmem>>
      %dma_start3A_462 = arith.constant 0 : i32
      %dma_start3A_463 = tpu.memref_slice %arg4[%squeeze3A_453, %dma_start3A_462] : memref<1000000x32xf32, #tpu.memory_space<hbm>> -> memref<1x32xf32, #tpu.memory_space<hbm>>
      tpu.enqueue_dma source(%dma_start3A_463 : memref<1x32xf32, #tpu.memory_space<hbm>>) target(%dma_start3A_461 : memref<1x32xf32, #tpu.memory_space<vmem>>) target_semaphore(%arg15 : memref<!tpu.dma_semaphore, #tpu.memory_space<semaphore_mem>>)
      %slice3A_464 = vector.extract_strided_slice %get3A_427 {offsets = [1], sizes = [1], strides = [1]} : vector<16xi32> to vector<1xi32>
      %squeeze3A_465 = vector.extract %slice3A_464[0] : i32 from vector<1xi32>
      %dma_start3A_466 = arith.constant 17 : i32
      %dma_start3A_467 = arith.constant 0 : i32
      %dma_start3A_468 = tpu.memref_slice %arg10[%dma_start3A_466, %dma_start3A_467] : memref<32x32xf32, #tpu.memory_space<vmem>> -> memref<1x32xf32, #tpu.memory_space<vmem>>
      %dma_start3A_469 = arith.constant 0 : i32
      %dma_start3A_470 = tpu.memref_slice %arg5[%squeeze3A_465, %dma_start3A_469] : memref<1000000x32xf32, #tpu.memory_space<hbm>> -> memref<1x32xf32, #tpu.memory_space<hbm>>
      %dma_start3A_471 = arith.constant 17 : i32
      %dma_start3A_472 = arith.constant 0 : i32
      %dma_start3A_473 = tpu.memref_slice %arg10[%dma_start3A_471, %dma_start3A_472] : memref<32x32xf32, #tpu.memory_space<vmem>> -> memref<1x32xf32, #tpu.memory_space<vmem>>
      %dma_start3A_474 = arith.constant 0 : i32
      %dma_start3A_475 = tpu.memref_slice %arg5[%squeeze3A_465, %dma_start3A_474] : memref<1000000x32xf32, #tpu.memory_space<hbm>> -> memref<1x32xf32, #tpu.memory_space<hbm>>
      tpu.enqueue_dma source(%dma_start3A_475 : memref<1x32xf32, #tpu.memory_space<hbm>>) target(%dma_start3A_473 : memref<1x32xf32, #tpu.memory_space<vmem>>) target_semaphore(%arg16 : memref<!tpu.dma_semaphore, #tpu.memory_space<semaphore_mem>>)
      %slice3A_476 = vector.extract_strided_slice %get3A_419 {offsets = [2], sizes = [1], strides = [1]} : vector<16xi32> to vector<1xi32>
      %squeeze3A_477 = vector.extract %slice3A_476[0] : i32 from vector<1xi32>
      %dma_start3A_478 = arith.constant 18 : i32
      %dma_start3A_479 = arith.constant 0 : i32
      %dma_start3A_480 = tpu.memref_slice %arg9[%dma_start3A_478, %dma_start3A_479] : memref<32x32xf32, #tpu.memory_space<vmem>> -> memref<1x32xf32, #tpu.memory_space<vmem>>
      %dma_start3A_481 = arith.constant 0 : i32
      %dma_start3A_482 = tpu.memref_slice %arg4[%squeeze3A_477, %dma_start3A_481] : memref<1000000x32xf32, #tpu.memory_space<hbm>> -> memref<1x32xf32, #tpu.memory_space<hbm>>
      %dma_start3A_483 = arith.constant 18 : i32
      %dma_start3A_484 = arith.constant 0 : i32
      %dma_start3A_485 = tpu.memref_slice %arg9[%dma_start3A_483, %dma_start3A_484] : memref<32x32xf32, #tpu.memory_space<vmem>> -> memref<1x32xf32, #tpu.memory_space<vmem>>
      %dma_start3A_486 = arith.constant 0 : i32
      %dma_start3A_487 = tpu.memref_slice %arg4[%squeeze3A_477, %dma_start3A_486] : memref<1000000x32xf32, #tpu.memory_space<hbm>> -> memref<1x32xf32, #tpu.memory_space<hbm>>
      tpu.enqueue_dma source(%dma_start3A_487 : memref<1x32xf32, #tpu.memory_space<hbm>>) target(%dma_start3A_485 : memref<1x32xf32, #tpu.memory_space<vmem>>) target_semaphore(%arg17 : memref<!tpu.dma_semaphore, #tpu.memory_space<semaphore_mem>>)
      %slice3A_488 = vector.extract_strided_slice %get3A_427 {offsets = [2], sizes = [1], strides = [1]} : vector<16xi32> to vector<1xi32>
      %squeeze3A_489 = vector.extract %slice3A_488[0] : i32 from vector<1xi32>
      %dma_start3A_490 = arith.constant 18 : i32
      %dma_start3A_491 = arith.constant 0 : i32
      %dma_start3A_492 = tpu.memref_slice %arg10[%dma_start3A_490, %dma_start3A_491] : memref<32x32xf32, #tpu.memory_space<vmem>> -> memref<1x32xf32, #tpu.memory_space<vmem>>
      %dma_start3A_493 = arith.constant 0 : i32
      %dma_start3A_494 = tpu.memref_slice %arg5[%squeeze3A_489, %dma_start3A_493] : memref<1000000x32xf32, #tpu.memory_space<hbm>> -> memref<1x32xf32, #tpu.memory_space<hbm>>
      %dma_start3A_495 = arith.constant 18 : i32
      %dma_start3A_496 = arith.constant 0 : i32
      %dma_start3A_497 = tpu.memref_slice %arg10[%dma_start3A_495, %dma_start3A_496] : memref<32x32xf32, #tpu.memory_space<vmem>> -> memref<1x32xf32, #tpu.memory_space<vmem>>
      %dma_start3A_498 = arith.constant 0 : i32
      %dma_start3A_499 = tpu.memref_slice %arg5[%squeeze3A_489, %dma_start3A_498] : memref<1000000x32xf32, #tpu.memory_space<hbm>> -> memref<1x32xf32, #tpu.memory_space<hbm>>
      tpu.enqueue_dma source(%dma_start3A_499 : memref<1x32xf32, #tpu.memory_space<hbm>>) target(%dma_start3A_497 : memref<1x32xf32, #tpu.memory_space<vmem>>) target_semaphore(%arg18 : memref<!tpu.dma_semaphore, #tpu.memory_space<semaphore_mem>>)
      %slice3A_500 = vector.extract_strided_slice %get3A_419 {offsets = [3], sizes = [1], strides = [1]} : vector<16xi32> to vector<1xi32>
      %squeeze3A_501 = vector.extract %slice3A_500[0] : i32 from vector<1xi32>
      %dma_start3A_502 = arith.constant 19 : i32
      %dma_start3A_503 = arith.constant 0 : i32
      %dma_start3A_504 = tpu.memref_slice %arg9[%dma_start3A_502, %dma_start3A_503] : memref<32x32xf32, #tpu.memory_space<vmem>> -> memref<1x32xf32, #tpu.memory_space<vmem>>
      %dma_start3A_505 = arith.constant 0 : i32
      %dma_start3A_506 = tpu.memref_slice %arg4[%squeeze3A_501, %dma_start3A_505] : memref<1000000x32xf32, #tpu.memory_space<hbm>> -> memref<1x32xf32, #tpu.memory_space<hbm>>
      %dma_start3A_507 = arith.constant 19 : i32
      %dma_start3A_508 = arith.constant 0 : i32
      %dma_start3A_509 = tpu.memref_slice %arg9[%dma_start3A_507, %dma_start3A_508] : memref<32x32xf32, #tpu.memory_space<vmem>> -> memref<1x32xf32, #tpu.memory_space<vmem>>
      %dma_start3A_510 = arith.constant 0 : i32
      %dma_start3A_511 = tpu.memref_slice %arg4[%squeeze3A_501, %dma_start3A_510] : memref<1000000x32xf32, #tpu.memory_space<hbm>> -> memref<1x32xf32, #tpu.memory_space<hbm>>
      tpu.enqueue_dma source(%dma_start3A_511 : memref<1x32xf32, #tpu.memory_space<hbm>>) target(%dma_start3A_509 : memref<1x32xf32, #tpu.memory_space<vmem>>) target_semaphore(%arg19 : memref<!tpu.dma_semaphore, #tpu.memory_space<semaphore_mem>>)
      %slice3A_512 = vector.extract_strided_slice %get3A_427 {offsets = [3], sizes = [1], strides = [1]} : vector<16xi32> to vector<1xi32>
      %squeeze3A_513 = vector.extract %slice3A_512[0] : i32 from vector<1xi32>
      %dma_start3A_514 = arith.constant 19 : i32
      %dma_start3A_515 = arith.constant 0 : i32
      %dma_start3A_516 = tpu.memref_slice %arg10[%dma_start3A_514, %dma_start3A_515] : memref<32x32xf32, #tpu.memory_space<vmem>> -> memref<1x32xf32, #tpu.memory_space<vmem>>
      %dma_start3A_517 = arith.constant 0 : i32
      %dma_start3A_518 = tpu.memref_slice %arg5[%squeeze3A_513, %dma_start3A_517] : memref<1000000x32xf32, #tpu.memory_space<hbm>> -> memref<1x32xf32, #tpu.memory_space<hbm>>
      %dma_start3A_519 = arith.constant 19 : i32
      %dma_start3A_520 = arith.constant 0 : i32
      %dma_start3A_521 = tpu.memref_slice %arg10[%dma_start3A_519, %dma_start3A_520] : memref<32x32xf32, #tpu.memory_space<vmem>> -> memref<1x32xf32, #tpu.memory_space<vmem>>
      %dma_start3A_522 = arith.constant 0 : i32
      %dma_start3A_523 = tpu.memref_slice %arg5[%squeeze3A_513, %dma_start3A_522] : memref<1000000x32xf32, #tpu.memory_space<hbm>> -> memref<1x32xf32, #tpu.memory_space<hbm>>
      tpu.enqueue_dma source(%dma_start3A_523 : memref<1x32xf32, #tpu.memory_space<hbm>>) target(%dma_start3A_521 : memref<1x32xf32, #tpu.memory_space<vmem>>) target_semaphore(%arg20 : memref<!tpu.dma_semaphore, #tpu.memory_space<semaphore_mem>>)
      %slice3A_524 = vector.extract_strided_slice %get3A_419 {offsets = [4], sizes = [1], strides = [1]} : vector<16xi32> to vector<1xi32>
      %squeeze3A_525 = vector.extract %slice3A_524[0] : i32 from vector<1xi32>
      %dma_start3A_526 = arith.constant 20 : i32
      %dma_start3A_527 = arith.constant 0 : i32
      %dma_start3A_528 = tpu.memref_slice %arg9[%dma_start3A_526, %dma_start3A_527] : memref<32x32xf32, #tpu.memory_space<vmem>> -> memref<1x32xf32, #tpu.memory_space<vmem>>
      %dma_start3A_529 = arith.constant 0 : i32
      %dma_start3A_530 = tpu.memref_slice %arg4[%squeeze3A_525, %dma_start3A_529] : memref<1000000x32xf32, #tpu.memory_space<hbm>> -> memref<1x32xf32, #tpu.memory_space<hbm>>
      %dma_start3A_531 = arith.constant 20 : i32
      %dma_start3A_532 = arith.constant 0 : i32
      %dma_start3A_533 = tpu.memref_slice %arg9[%dma_start3A_531, %dma_start3A_532] : memref<32x32xf32, #tpu.memory_space<vmem>> -> memref<1x32xf32, #tpu.memory_space<vmem>>
      %dma_start3A_534 = arith.constant 0 : i32
      %dma_start3A_535 = tpu.memref_slice %arg4[%squeeze3A_525, %dma_start3A_534] : memref<1000000x32xf32, #tpu.memory_space<hbm>> -> memref<1x32xf32, #tpu.memory_space<hbm>>
      tpu.enqueue_dma source(%dma_start3A_535 : memref<1x32xf32, #tpu.memory_space<hbm>>) target(%dma_start3A_533 : memref<1x32xf32, #tpu.memory_space<vmem>>) target_semaphore(%arg13 : memref<!tpu.dma_semaphore, #tpu.memory_space<semaphore_mem>>)
      %slice3A_536 = vector.extract_strided_slice %get3A_427 {offsets = [4], sizes = [1], strides = [1]} : vector<16xi32> to vector<1xi32>
      %squeeze3A_537 = vector.extract %slice3A_536[0] : i32 from vector<1xi32>
      %dma_start3A_538 = arith.constant 20 : i32
      %dma_start3A_539 = arith.constant 0 : i32
      %dma_start3A_540 = tpu.memref_slice %arg10[%dma_start3A_538, %dma_start3A_539] : memref<32x32xf32, #tpu.memory_space<vmem>> -> memref<1x32xf32, #tpu.memory_space<vmem>>
      %dma_start3A_541 = arith.constant 0 : i32
      %dma_start3A_542 = tpu.memref_slice %arg5[%squeeze3A_537, %dma_start3A_541] : memref<1000000x32xf32, #tpu.memory_space<hbm>> -> memref<1x32xf32, #tpu.memory_space<hbm>>
      %dma_start3A_543 = arith.constant 20 : i32
      %dma_start3A_544 = arith.constant 0 : i32
      %dma_start3A_545 = tpu.memref_slice %arg10[%dma_start3A_543, %dma_start3A_544] : memref<32x32xf32, #tpu.memory_space<vmem>> -> memref<1x32xf32, #tpu.memory_space<vmem>>
      %dma_start3A_546 = arith.constant 0 : i32
      %dma_start3A_547 = tpu.memref_slice %arg5[%squeeze3A_537, %dma_start3A_546] : memref<1000000x32xf32, #tpu.memory_space<hbm>> -> memref<1x32xf32, #tpu.memory_space<hbm>>
      tpu.enqueue_dma source(%dma_start3A_547 : memref<1x32xf32, #tpu.memory_space<hbm>>) target(%dma_start3A_545 : memref<1x32xf32, #tpu.memory_space<vmem>>) target_semaphore(%arg14 : memref<!tpu.dma_semaphore, #tpu.memory_space<semaphore_mem>>)
      %slice3A_548 = vector.extract_strided_slice %get3A_419 {offsets = [5], sizes = [1], strides = [1]} : vector<16xi32> to vector<1xi32>
      %squeeze3A_549 = vector.extract %slice3A_548[0] : i32 from vector<1xi32>
      %dma_start3A_550 = arith.constant 21 : i32
      %dma_start3A_551 = arith.constant 0 : i32
      %dma_start3A_552 = tpu.memref_slice %arg9[%dma_start3A_550, %dma_start3A_551] : memref<32x32xf32, #tpu.memory_space<vmem>> -> memref<1x32xf32, #tpu.memory_space<vmem>>
      %dma_start3A_553 = arith.constant 0 : i32
      %dma_start3A_554 = tpu.memref_slice %arg4[%squeeze3A_549, %dma_start3A_553] : memref<1000000x32xf32, #tpu.memory_space<hbm>> -> memref<1x32xf32, #tpu.memory_space<hbm>>
      %dma_start3A_555 = arith.constant 21 : i32
      %dma_start3A_556 = arith.constant 0 : i32
      %dma_start3A_557 = tpu.memref_slice %arg9[%dma_start3A_555, %dma_start3A_556] : memref<32x32xf32, #tpu.memory_space<vmem>> -> memref<1x32xf32, #tpu.memory_space<vmem>>
      %dma_start3A_558 = arith.constant 0 : i32
      %dma_start3A_559 = tpu.memref_slice %arg4[%squeeze3A_549, %dma_start3A_558] : memref<1000000x32xf32, #tpu.memory_space<hbm>> -> memref<1x32xf32, #tpu.memory_space<hbm>>
      tpu.enqueue_dma source(%dma_start3A_559 : memref<1x32xf32, #tpu.memory_space<hbm>>) target(%dma_start3A_557 : memref<1x32xf32, #tpu.memory_space<vmem>>) target_semaphore(%arg15 : memref<!tpu.dma_semaphore, #tpu.memory_space<semaphore_mem>>)
      %slice3A_560 = vector.extract_strided_slice %get3A_427 {offsets = [5], sizes = [1], strides = [1]} : vector<16xi32> to vector<1xi32>
      %squeeze3A_561 = vector.extract %slice3A_560[0] : i32 from vector<1xi32>
      %dma_start3A_562 = arith.constant 21 : i32
      %dma_start3A_563 = arith.constant 0 : i32
      %dma_start3A_564 = tpu.memref_slice %arg10[%dma_start3A_562, %dma_start3A_563] : memref<32x32xf32, #tpu.memory_space<vmem>> -> memref<1x32xf32, #tpu.memory_space<vmem>>
      %dma_start3A_565 = arith.constant 0 : i32
      %dma_start3A_566 = tpu.memref_slice %arg5[%squeeze3A_561, %dma_start3A_565] : memref<1000000x32xf32, #tpu.memory_space<hbm>> -> memref<1x32xf32, #tpu.memory_space<hbm>>
      %dma_start3A_567 = arith.constant 21 : i32
      %dma_start3A_568 = arith.constant 0 : i32
      %dma_start3A_569 = tpu.memref_slice %arg10[%dma_start3A_567, %dma_start3A_568] : memref<32x32xf32, #tpu.memory_space<vmem>> -> memref<1x32xf32, #tpu.memory_space<vmem>>
      %dma_start3A_570 = arith.constant 0 : i32
      %dma_start3A_571 = tpu.memref_slice %arg5[%squeeze3A_561, %dma_start3A_570] : memref<1000000x32xf32, #tpu.memory_space<hbm>> -> memref<1x32xf32, #tpu.memory_space<hbm>>
      tpu.enqueue_dma source(%dma_start3A_571 : memref<1x32xf32, #tpu.memory_space<hbm>>) target(%dma_start3A_569 : memref<1x32xf32, #tpu.memory_space<vmem>>) target_semaphore(%arg16 : memref<!tpu.dma_semaphore, #tpu.memory_space<semaphore_mem>>)
      %slice3A_572 = vector.extract_strided_slice %get3A_419 {offsets = [6], sizes = [1], strides = [1]} : vector<16xi32> to vector<1xi32>
      %squeeze3A_573 = vector.extract %slice3A_572[0] : i32 from vector<1xi32>
      %dma_start3A_574 = arith.constant 22 : i32
      %dma_start3A_575 = arith.constant 0 : i32
      %dma_start3A_576 = tpu.memref_slice %arg9[%dma_start3A_574, %dma_start3A_575] : memref<32x32xf32, #tpu.memory_space<vmem>> -> memref<1x32xf32, #tpu.memory_space<vmem>>
      %dma_start3A_577 = arith.constant 0 : i32
      %dma_start3A_578 = tpu.memref_slice %arg4[%squeeze3A_573, %dma_start3A_577] : memref<1000000x32xf32, #tpu.memory_space<hbm>> -> memref<1x32xf32, #tpu.memory_space<hbm>>
      %dma_start3A_579 = arith.constant 22 : i32
      %dma_start3A_580 = arith.constant 0 : i32
      %dma_start3A_581 = tpu.memref_slice %arg9[%dma_start3A_579, %dma_start3A_580] : memref<32x32xf32, #tpu.memory_space<vmem>> -> memref<1x32xf32, #tpu.memory_space<vmem>>
      %dma_start3A_582 = arith.constant 0 : i32
      %dma_start3A_583 = tpu.memref_slice %arg4[%squeeze3A_573, %dma_start3A_582] : memref<1000000x32xf32, #tpu.memory_space<hbm>> -> memref<1x32xf32, #tpu.memory_space<hbm>>
      tpu.enqueue_dma source(%dma_start3A_583 : memref<1x32xf32, #tpu.memory_space<hbm>>) target(%dma_start3A_581 : memref<1x32xf32, #tpu.memory_space<vmem>>) target_semaphore(%arg17 : memref<!tpu.dma_semaphore, #tpu.memory_space<semaphore_mem>>)
      %slice3A_584 = vector.extract_strided_slice %get3A_427 {offsets = [6], sizes = [1], strides = [1]} : vector<16xi32> to vector<1xi32>
      %squeeze3A_585 = vector.extract %slice3A_584[0] : i32 from vector<1xi32>
      %dma_start3A_586 = arith.constant 22 : i32
      %dma_start3A_587 = arith.constant 0 : i32
      %dma_start3A_588 = tpu.memref_slice %arg10[%dma_start3A_586, %dma_start3A_587] : memref<32x32xf32, #tpu.memory_space<vmem>> -> memref<1x32xf32, #tpu.memory_space<vmem>>
      %dma_start3A_589 = arith.constant 0 : i32
      %dma_start3A_590 = tpu.memref_slice %arg5[%squeeze3A_585, %dma_start3A_589] : memref<1000000x32xf32, #tpu.memory_space<hbm>> -> memref<1x32xf32, #tpu.memory_space<hbm>>
      %dma_start3A_591 = arith.constant 22 : i32
      %dma_start3A_592 = arith.constant 0 : i32
      %dma_start3A_593 = tpu.memref_slice %arg10[%dma_start3A_591, %dma_start3A_592] : memref<32x32xf32, #tpu.memory_space<vmem>> -> memref<1x32xf32, #tpu.memory_space<vmem>>
      %dma_start3A_594 = arith.constant 0 : i32
      %dma_start3A_595 = tpu.memref_slice %arg5[%squeeze3A_585, %dma_start3A_594] : memref<1000000x32xf32, #tpu.memory_space<hbm>> -> memref<1x32xf32, #tpu.memory_space<hbm>>
      tpu.enqueue_dma source(%dma_start3A_595 : memref<1x32xf32, #tpu.memory_space<hbm>>) target(%dma_start3A_593 : memref<1x32xf32, #tpu.memory_space<vmem>>) target_semaphore(%arg18 : memref<!tpu.dma_semaphore, #tpu.memory_space<semaphore_mem>>)
      %slice3A_596 = vector.extract_strided_slice %get3A_419 {offsets = [7], sizes = [1], strides = [1]} : vector<16xi32> to vector<1xi32>
      %squeeze3A_597 = vector.extract %slice3A_596[0] : i32 from vector<1xi32>
      %dma_start3A_598 = arith.constant 23 : i32
      %dma_start3A_599 = arith.constant 0 : i32
      %dma_start3A_600 = tpu.memref_slice %arg9[%dma_start3A_598, %dma_start3A_599] : memref<32x32xf32, #tpu.memory_space<vmem>> -> memref<1x32xf32, #tpu.memory_space<vmem>>
      %dma_start3A_601 = arith.constant 0 : i32
      %dma_start3A_602 = tpu.memref_slice %arg4[%squeeze3A_597, %dma_start3A_601] : memref<1000000x32xf32, #tpu.memory_space<hbm>> -> memref<1x32xf32, #tpu.memory_space<hbm>>
      %dma_start3A_603 = arith.constant 23 : i32
      %dma_start3A_604 = arith.constant 0 : i32
      %dma_start3A_605 = tpu.memref_slice %arg9[%dma_start3A_603, %dma_start3A_604] : memref<32x32xf32, #tpu.memory_space<vmem>> -> memref<1x32xf32, #tpu.memory_space<vmem>>
      %dma_start3A_606 = arith.constant 0 : i32
      %dma_start3A_607 = tpu.memref_slice %arg4[%squeeze3A_597, %dma_start3A_606] : memref<1000000x32xf32, #tpu.memory_space<hbm>> -> memref<1x32xf32, #tpu.memory_space<hbm>>
      tpu.enqueue_dma source(%dma_start3A_607 : memref<1x32xf32, #tpu.memory_space<hbm>>) target(%dma_start3A_605 : memref<1x32xf32, #tpu.memory_space<vmem>>) target_semaphore(%arg19 : memref<!tpu.dma_semaphore, #tpu.memory_space<semaphore_mem>>)
      %slice3A_608 = vector.extract_strided_slice %get3A_427 {offsets = [7], sizes = [1], strides = [1]} : vector<16xi32> to vector<1xi32>
      %squeeze3A_609 = vector.extract %slice3A_608[0] : i32 from vector<1xi32>
      %dma_start3A_610 = arith.constant 23 : i32
      %dma_start3A_611 = arith.constant 0 : i32
      %dma_start3A_612 = tpu.memref_slice %arg10[%dma_start3A_610, %dma_start3A_611] : memref<32x32xf32, #tpu.memory_space<vmem>> -> memref<1x32xf32, #tpu.memory_space<vmem>>
      %dma_start3A_613 = arith.constant 0 : i32
      %dma_start3A_614 = tpu.memref_slice %arg5[%squeeze3A_609, %dma_start3A_613] : memref<1000000x32xf32, #tpu.memory_space<hbm>> -> memref<1x32xf32, #tpu.memory_space<hbm>>
      %dma_start3A_615 = arith.constant 23 : i32
      %dma_start3A_616 = arith.constant 0 : i32
      %dma_start3A_617 = tpu.memref_slice %arg10[%dma_start3A_615, %dma_start3A_616] : memref<32x32xf32, #tpu.memory_space<vmem>> -> memref<1x32xf32, #tpu.memory_space<vmem>>
      %dma_start3A_618 = arith.constant 0 : i32
      %dma_start3A_619 = tpu.memref_slice %arg5[%squeeze3A_609, %dma_start3A_618] : memref<1000000x32xf32, #tpu.memory_space<hbm>> -> memref<1x32xf32, #tpu.memory_space<hbm>>
      tpu.enqueue_dma source(%dma_start3A_619 : memref<1x32xf32, #tpu.memory_space<hbm>>) target(%dma_start3A_617 : memref<1x32xf32, #tpu.memory_space<vmem>>) target_semaphore(%arg20 : memref<!tpu.dma_semaphore, #tpu.memory_space<semaphore_mem>>)
      %slice3A_620 = vector.extract_strided_slice %get3A_419 {offsets = [8], sizes = [1], strides = [1]} : vector<16xi32> to vector<1xi32>
      %squeeze3A_621 = vector.extract %slice3A_620[0] : i32 from vector<1xi32>
      %dma_start3A_622 = arith.constant 24 : i32
      %dma_start3A_623 = arith.constant 0 : i32
      %dma_start3A_624 = tpu.memref_slice %arg9[%dma_start3A_622, %dma_start3A_623] : memref<32x32xf32, #tpu.memory_space<vmem>> -> memref<1x32xf32, #tpu.memory_space<vmem>>
      %dma_start3A_625 = arith.constant 0 : i32
      %dma_start3A_626 = tpu.memref_slice %arg4[%squeeze3A_621, %dma_start3A_625] : memref<1000000x32xf32, #tpu.memory_space<hbm>> -> memref<1x32xf32, #tpu.memory_space<hbm>>
      %dma_start3A_627 = arith.constant 24 : i32
      %dma_start3A_628 = arith.constant 0 : i32
      %dma_start3A_629 = tpu.memref_slice %arg9[%dma_start3A_627, %dma_start3A_628] : memref<32x32xf32, #tpu.memory_space<vmem>> -> memref<1x32xf32, #tpu.memory_space<vmem>>
      %dma_start3A_630 = arith.constant 0 : i32
      %dma_start3A_631 = tpu.memref_slice %arg4[%squeeze3A_621, %dma_start3A_630] : memref<1000000x32xf32, #tpu.memory_space<hbm>> -> memref<1x32xf32, #tpu.memory_space<hbm>>
      tpu.enqueue_dma source(%dma_start3A_631 : memref<1x32xf32, #tpu.memory_space<hbm>>) target(%dma_start3A_629 : memref<1x32xf32, #tpu.memory_space<vmem>>) target_semaphore(%arg13 : memref<!tpu.dma_semaphore, #tpu.memory_space<semaphore_mem>>)
      %slice3A_632 = vector.extract_strided_slice %get3A_427 {offsets = [8], sizes = [1], strides = [1]} : vector<16xi32> to vector<1xi32>
      %squeeze3A_633 = vector.extract %slice3A_632[0] : i32 from vector<1xi32>
      %dma_start3A_634 = arith.constant 24 : i32
      %dma_start3A_635 = arith.constant 0 : i32
      %dma_start3A_636 = tpu.memref_slice %arg10[%dma_start3A_634, %dma_start3A_635] : memref<32x32xf32, #tpu.memory_space<vmem>> -> memref<1x32xf32, #tpu.memory_space<vmem>>
      %dma_start3A_637 = arith.constant 0 : i32
      %dma_start3A_638 = tpu.memref_slice %arg5[%squeeze3A_633, %dma_start3A_637] : memref<1000000x32xf32, #tpu.memory_space<hbm>> -> memref<1x32xf32, #tpu.memory_space<hbm>>
      %dma_start3A_639 = arith.constant 24 : i32
      %dma_start3A_640 = arith.constant 0 : i32
      %dma_start3A_641 = tpu.memref_slice %arg10[%dma_start3A_639, %dma_start3A_640] : memref<32x32xf32, #tpu.memory_space<vmem>> -> memref<1x32xf32, #tpu.memory_space<vmem>>
      %dma_start3A_642 = arith.constant 0 : i32
      %dma_start3A_643 = tpu.memref_slice %arg5[%squeeze3A_633, %dma_start3A_642] : memref<1000000x32xf32, #tpu.memory_space<hbm>> -> memref<1x32xf32, #tpu.memory_space<hbm>>
      tpu.enqueue_dma source(%dma_start3A_643 : memref<1x32xf32, #tpu.memory_space<hbm>>) target(%dma_start3A_641 : memref<1x32xf32, #tpu.memory_space<vmem>>) target_semaphore(%arg14 : memref<!tpu.dma_semaphore, #tpu.memory_space<semaphore_mem>>)
      %slice3A_644 = vector.extract_strided_slice %get3A_419 {offsets = [9], sizes = [1], strides = [1]} : vector<16xi32> to vector<1xi32>
      %squeeze3A_645 = vector.extract %slice3A_644[0] : i32 from vector<1xi32>
      %dma_start3A_646 = arith.constant 25 : i32
      %dma_start3A_647 = arith.constant 0 : i32
      %dma_start3A_648 = tpu.memref_slice %arg9[%dma_start3A_646, %dma_start3A_647] : memref<32x32xf32, #tpu.memory_space<vmem>> -> memref<1x32xf32, #tpu.memory_space<vmem>>
      %dma_start3A_649 = arith.constant 0 : i32
      %dma_start3A_650 = tpu.memref_slice %arg4[%squeeze3A_645, %dma_start3A_649] : memref<1000000x32xf32, #tpu.memory_space<hbm>> -> memref<1x32xf32, #tpu.memory_space<hbm>>
      %dma_start3A_651 = arith.constant 25 : i32
      %dma_start3A_652 = arith.constant 0 : i32
      %dma_start3A_653 = tpu.memref_slice %arg9[%dma_start3A_651, %dma_start3A_652] : memref<32x32xf32, #tpu.memory_space<vmem>> -> memref<1x32xf32, #tpu.memory_space<vmem>>
      %dma_start3A_654 = arith.constant 0 : i32
      %dma_start3A_655 = tpu.memref_slice %arg4[%squeeze3A_645, %dma_start3A_654] : memref<1000000x32xf32, #tpu.memory_space<hbm>> -> memref<1x32xf32, #tpu.memory_space<hbm>>
      tpu.enqueue_dma source(%dma_start3A_655 : memref<1x32xf32, #tpu.memory_space<hbm>>) target(%dma_start3A_653 : memref<1x32xf32, #tpu.memory_space<vmem>>) target_semaphore(%arg15 : memref<!tpu.dma_semaphore, #tpu.memory_space<semaphore_mem>>)
      %slice3A_656 = vector.extract_strided_slice %get3A_427 {offsets = [9], sizes = [1], strides = [1]} : vector<16xi32> to vector<1xi32>
      %squeeze3A_657 = vector.extract %slice3A_656[0] : i32 from vector<1xi32>
      %dma_start3A_658 = arith.constant 25 : i32
      %dma_start3A_659 = arith.constant 0 : i32
      %dma_start3A_660 = tpu.memref_slice %arg10[%dma_start3A_658, %dma_start3A_659] : memref<32x32xf32, #tpu.memory_space<vmem>> -> memref<1x32xf32, #tpu.memory_space<vmem>>
      %dma_start3A_661 = arith.constant 0 : i32
      %dma_start3A_662 = tpu.memref_slice %arg5[%squeeze3A_657, %dma_start3A_661] : memref<1000000x32xf32, #tpu.memory_space<hbm>> -> memref<1x32xf32, #tpu.memory_space<hbm>>
      %dma_start3A_663 = arith.constant 25 : i32
      %dma_start3A_664 = arith.constant 0 : i32
      %dma_start3A_665 = tpu.memref_slice %arg10[%dma_start3A_663, %dma_start3A_664] : memref<32x32xf32, #tpu.memory_space<vmem>> -> memref<1x32xf32, #tpu.memory_space<vmem>>
      %dma_start3A_666 = arith.constant 0 : i32
      %dma_start3A_667 = tpu.memref_slice %arg5[%squeeze3A_657, %dma_start3A_666] : memref<1000000x32xf32, #tpu.memory_space<hbm>> -> memref<1x32xf32, #tpu.memory_space<hbm>>
      tpu.enqueue_dma source(%dma_start3A_667 : memref<1x32xf32, #tpu.memory_space<hbm>>) target(%dma_start3A_665 : memref<1x32xf32, #tpu.memory_space<vmem>>) target_semaphore(%arg16 : memref<!tpu.dma_semaphore, #tpu.memory_space<semaphore_mem>>)
      %slice3A_668 = vector.extract_strided_slice %get3A_419 {offsets = [10], sizes = [1], strides = [1]} : vector<16xi32> to vector<1xi32>
      %squeeze3A_669 = vector.extract %slice3A_668[0] : i32 from vector<1xi32>
      %dma_start3A_670 = arith.constant 26 : i32
      %dma_start3A_671 = arith.constant 0 : i32
      %dma_start3A_672 = tpu.memref_slice %arg9[%dma_start3A_670, %dma_start3A_671] : memref<32x32xf32, #tpu.memory_space<vmem>> -> memref<1x32xf32, #tpu.memory_space<vmem>>
      %dma_start3A_673 = arith.constant 0 : i32
      %dma_start3A_674 = tpu.memref_slice %arg4[%squeeze3A_669, %dma_start3A_673] : memref<1000000x32xf32, #tpu.memory_space<hbm>> -> memref<1x32xf32, #tpu.memory_space<hbm>>
      %dma_start3A_675 = arith.constant 26 : i32
      %dma_start3A_676 = arith.constant 0 : i32
      %dma_start3A_677 = tpu.memref_slice %arg9[%dma_start3A_675, %dma_start3A_676] : memref<32x32xf32, #tpu.memory_space<vmem>> -> memref<1x32xf32, #tpu.memory_space<vmem>>
      %dma_start3A_678 = arith.constant 0 : i32
      %dma_start3A_679 = tpu.memref_slice %arg4[%squeeze3A_669, %dma_start3A_678] : memref<1000000x32xf32, #tpu.memory_space<hbm>> -> memref<1x32xf32, #tpu.memory_space<hbm>>
      tpu.enqueue_dma source(%dma_start3A_679 : memref<1x32xf32, #tpu.memory_space<hbm>>) target(%dma_start3A_677 : memref<1x32xf32, #tpu.memory_space<vmem>>) target_semaphore(%arg17 : memref<!tpu.dma_semaphore, #tpu.memory_space<semaphore_mem>>)
      %slice3A_680 = vector.extract_strided_slice %get3A_427 {offsets = [10], sizes = [1], strides = [1]} : vector<16xi32> to vector<1xi32>
      %squeeze3A_681 = vector.extract %slice3A_680[0] : i32 from vector<1xi32>
      %dma_start3A_682 = arith.constant 26 : i32
      %dma_start3A_683 = arith.constant 0 : i32
      %dma_start3A_684 = tpu.memref_slice %arg10[%dma_start3A_682, %dma_start3A_683] : memref<32x32xf32, #tpu.memory_space<vmem>> -> memref<1x32xf32, #tpu.memory_space<vmem>>
      %dma_start3A_685 = arith.constant 0 : i32
      %dma_start3A_686 = tpu.memref_slice %arg5[%squeeze3A_681, %dma_start3A_685] : memref<1000000x32xf32, #tpu.memory_space<hbm>> -> memref<1x32xf32, #tpu.memory_space<hbm>>
      %dma_start3A_687 = arith.constant 26 : i32
      %dma_start3A_688 = arith.constant 0 : i32
      %dma_start3A_689 = tpu.memref_slice %arg10[%dma_start3A_687, %dma_start3A_688] : memref<32x32xf32, #tpu.memory_space<vmem>> -> memref<1x32xf32, #tpu.memory_space<vmem>>
      %dma_start3A_690 = arith.constant 0 : i32
      %dma_start3A_691 = tpu.memref_slice %arg5[%squeeze3A_681, %dma_start3A_690] : memref<1000000x32xf32, #tpu.memory_space<hbm>> -> memref<1x32xf32, #tpu.memory_space<hbm>>
      tpu.enqueue_dma source(%dma_start3A_691 : memref<1x32xf32, #tpu.memory_space<hbm>>) target(%dma_start3A_689 : memref<1x32xf32, #tpu.memory_space<vmem>>) target_semaphore(%arg18 : memref<!tpu.dma_semaphore, #tpu.memory_space<semaphore_mem>>)
      %slice3A_692 = vector.extract_strided_slice %get3A_419 {offsets = [11], sizes = [1], strides = [1]} : vector<16xi32> to vector<1xi32>
      %squeeze3A_693 = vector.extract %slice3A_692[0] : i32 from vector<1xi32>
      %dma_start3A_694 = arith.constant 27 : i32
      %dma_start3A_695 = arith.constant 0 : i32
      %dma_start3A_696 = tpu.memref_slice %arg9[%dma_start3A_694, %dma_start3A_695] : memref<32x32xf32, #tpu.memory_space<vmem>> -> memref<1x32xf32, #tpu.memory_space<vmem>>
      %dma_start3A_697 = arith.constant 0 : i32
      %dma_start3A_698 = tpu.memref_slice %arg4[%squeeze3A_693, %dma_start3A_697] : memref<1000000x32xf32, #tpu.memory_space<hbm>> -> memref<1x32xf32, #tpu.memory_space<hbm>>
      %dma_start3A_699 = arith.constant 27 : i32
      %dma_start3A_700 = arith.constant 0 : i32
      %dma_start3A_701 = tpu.memref_slice %arg9[%dma_start3A_699, %dma_start3A_700] : memref<32x32xf32, #tpu.memory_space<vmem>> -> memref<1x32xf32, #tpu.memory_space<vmem>>
      %dma_start3A_702 = arith.constant 0 : i32
      %dma_start3A_703 = tpu.memref_slice %arg4[%squeeze3A_693, %dma_start3A_702] : memref<1000000x32xf32, #tpu.memory_space<hbm>> -> memref<1x32xf32, #tpu.memory_space<hbm>>
      tpu.enqueue_dma source(%dma_start3A_703 : memref<1x32xf32, #tpu.memory_space<hbm>>) target(%dma_start3A_701 : memref<1x32xf32, #tpu.memory_space<vmem>>) target_semaphore(%arg19 : memref<!tpu.dma_semaphore, #tpu.memory_space<semaphore_mem>>)
      %slice3A_704 = vector.extract_strided_slice %get3A_427 {offsets = [11], sizes = [1], strides = [1]} : vector<16xi32> to vector<1xi32>
      %squeeze3A_705 = vector.extract %slice3A_704[0] : i32 from vector<1xi32>
      %dma_start3A_706 = arith.constant 27 : i32
      %dma_start3A_707 = arith.constant 0 : i32
      %dma_start3A_708 = tpu.memref_slice %arg10[%dma_start3A_706, %dma_start3A_707] : memref<32x32xf32, #tpu.memory_space<vmem>> -> memref<1x32xf32, #tpu.memory_space<vmem>>
      %dma_start3A_709 = arith.constant 0 : i32
      %dma_start3A_710 = tpu.memref_slice %arg5[%squeeze3A_705, %dma_start3A_709] : memref<1000000x32xf32, #tpu.memory_space<hbm>> -> memref<1x32xf32, #tpu.memory_space<hbm>>
      %dma_start3A_711 = arith.constant 27 : i32
      %dma_start3A_712 = arith.constant 0 : i32
      %dma_start3A_713 = tpu.memref_slice %arg10[%dma_start3A_711, %dma_start3A_712] : memref<32x32xf32, #tpu.memory_space<vmem>> -> memref<1x32xf32, #tpu.memory_space<vmem>>
      %dma_start3A_714 = arith.constant 0 : i32
      %dma_start3A_715 = tpu.memref_slice %arg5[%squeeze3A_705, %dma_start3A_714] : memref<1000000x32xf32, #tpu.memory_space<hbm>> -> memref<1x32xf32, #tpu.memory_space<hbm>>
      tpu.enqueue_dma source(%dma_start3A_715 : memref<1x32xf32, #tpu.memory_space<hbm>>) target(%dma_start3A_713 : memref<1x32xf32, #tpu.memory_space<vmem>>) target_semaphore(%arg20 : memref<!tpu.dma_semaphore, #tpu.memory_space<semaphore_mem>>)
      %slice3A_716 = vector.extract_strided_slice %get3A_419 {offsets = [12], sizes = [1], strides = [1]} : vector<16xi32> to vector<1xi32>
      %squeeze3A_717 = vector.extract %slice3A_716[0] : i32 from vector<1xi32>
      %dma_start3A_718 = arith.constant 28 : i32
      %dma_start3A_719 = arith.constant 0 : i32
      %dma_start3A_720 = tpu.memref_slice %arg9[%dma_start3A_718, %dma_start3A_719] : memref<32x32xf32, #tpu.memory_space<vmem>> -> memref<1x32xf32, #tpu.memory_space<vmem>>
      %dma_start3A_721 = arith.constant 0 : i32
      %dma_start3A_722 = tpu.memref_slice %arg4[%squeeze3A_717, %dma_start3A_721] : memref<1000000x32xf32, #tpu.memory_space<hbm>> -> memref<1x32xf32, #tpu.memory_space<hbm>>
      %dma_start3A_723 = arith.constant 28 : i32
      %dma_start3A_724 = arith.constant 0 : i32
      %dma_start3A_725 = tpu.memref_slice %arg9[%dma_start3A_723, %dma_start3A_724] : memref<32x32xf32, #tpu.memory_space<vmem>> -> memref<1x32xf32, #tpu.memory_space<vmem>>
      %dma_start3A_726 = arith.constant 0 : i32
      %dma_start3A_727 = tpu.memref_slice %arg4[%squeeze3A_717, %dma_start3A_726] : memref<1000000x32xf32, #tpu.memory_space<hbm>> -> memref<1x32xf32, #tpu.memory_space<hbm>>
      tpu.enqueue_dma source(%dma_start3A_727 : memref<1x32xf32, #tpu.memory_space<hbm>>) target(%dma_start3A_725 : memref<1x32xf32, #tpu.memory_space<vmem>>) target_semaphore(%arg13 : memref<!tpu.dma_semaphore, #tpu.memory_space<semaphore_mem>>)
      %slice3A_728 = vector.extract_strided_slice %get3A_427 {offsets = [12], sizes = [1], strides = [1]} : vector<16xi32> to vector<1xi32>
      %squeeze3A_729 = vector.extract %slice3A_728[0] : i32 from vector<1xi32>
      %dma_start3A_730 = arith.constant 28 : i32
      %dma_start3A_731 = arith.constant 0 : i32
      %dma_start3A_732 = tpu.memref_slice %arg10[%dma_start3A_730, %dma_start3A_731] : memref<32x32xf32, #tpu.memory_space<vmem>> -> memref<1x32xf32, #tpu.memory_space<vmem>>
      %dma_start3A_733 = arith.constant 0 : i32
      %dma_start3A_734 = tpu.memref_slice %arg5[%squeeze3A_729, %dma_start3A_733] : memref<1000000x32xf32, #tpu.memory_space<hbm>> -> memref<1x32xf32, #tpu.memory_space<hbm>>
      %dma_start3A_735 = arith.constant 28 : i32
      %dma_start3A_736 = arith.constant 0 : i32
      %dma_start3A_737 = tpu.memref_slice %arg10[%dma_start3A_735, %dma_start3A_736] : memref<32x32xf32, #tpu.memory_space<vmem>> -> memref<1x32xf32, #tpu.memory_space<vmem>>
      %dma_start3A_738 = arith.constant 0 : i32
      %dma_start3A_739 = tpu.memref_slice %arg5[%squeeze3A_729, %dma_start3A_738] : memref<1000000x32xf32, #tpu.memory_space<hbm>> -> memref<1x32xf32, #tpu.memory_space<hbm>>
      tpu.enqueue_dma source(%dma_start3A_739 : memref<1x32xf32, #tpu.memory_space<hbm>>) target(%dma_start3A_737 : memref<1x32xf32, #tpu.memory_space<vmem>>) target_semaphore(%arg14 : memref<!tpu.dma_semaphore, #tpu.memory_space<semaphore_mem>>)
      %slice3A_740 = vector.extract_strided_slice %get3A_419 {offsets = [13], sizes = [1], strides = [1]} : vector<16xi32> to vector<1xi32>
      %squeeze3A_741 = vector.extract %slice3A_740[0] : i32 from vector<1xi32>
      %dma_start3A_742 = arith.constant 29 : i32
      %dma_start3A_743 = arith.constant 0 : i32
      %dma_start3A_744 = tpu.memref_slice %arg9[%dma_start3A_742, %dma_start3A_743] : memref<32x32xf32, #tpu.memory_space<vmem>> -> memref<1x32xf32, #tpu.memory_space<vmem>>
      %dma_start3A_745 = arith.constant 0 : i32
      %dma_start3A_746 = tpu.memref_slice %arg4[%squeeze3A_741, %dma_start3A_745] : memref<1000000x32xf32, #tpu.memory_space<hbm>> -> memref<1x32xf32, #tpu.memory_space<hbm>>
      %dma_start3A_747 = arith.constant 29 : i32
      %dma_start3A_748 = arith.constant 0 : i32
      %dma_start3A_749 = tpu.memref_slice %arg9[%dma_start3A_747, %dma_start3A_748] : memref<32x32xf32, #tpu.memory_space<vmem>> -> memref<1x32xf32, #tpu.memory_space<vmem>>
      %dma_start3A_750 = arith.constant 0 : i32
      %dma_start3A_751 = tpu.memref_slice %arg4[%squeeze3A_741, %dma_start3A_750] : memref<1000000x32xf32, #tpu.memory_space<hbm>> -> memref<1x32xf32, #tpu.memory_space<hbm>>
      tpu.enqueue_dma source(%dma_start3A_751 : memref<1x32xf32, #tpu.memory_space<hbm>>) target(%dma_start3A_749 : memref<1x32xf32, #tpu.memory_space<vmem>>) target_semaphore(%arg15 : memref<!tpu.dma_semaphore, #tpu.memory_space<semaphore_mem>>)
      %slice3A_752 = vector.extract_strided_slice %get3A_427 {offsets = [13], sizes = [1], strides = [1]} : vector<16xi32> to vector<1xi32>
      %squeeze3A_753 = vector.extract %slice3A_752[0] : i32 from vector<1xi32>
      %dma_start3A_754 = arith.constant 29 : i32
      %dma_start3A_755 = arith.constant 0 : i32
      %dma_start3A_756 = tpu.memref_slice %arg10[%dma_start3A_754, %dma_start3A_755] : memref<32x32xf32, #tpu.memory_space<vmem>> -> memref<1x32xf32, #tpu.memory_space<vmem>>
      %dma_start3A_757 = arith.constant 0 : i32
      %dma_start3A_758 = tpu.memref_slice %arg5[%squeeze3A_753, %dma_start3A_757] : memref<1000000x32xf32, #tpu.memory_space<hbm>> -> memref<1x32xf32, #tpu.memory_space<hbm>>
      %dma_start3A_759 = arith.constant 29 : i32
      %dma_start3A_760 = arith.constant 0 : i32
      %dma_start3A_761 = tpu.memref_slice %arg10[%dma_start3A_759, %dma_start3A_760] : memref<32x32xf32, #tpu.memory_space<vmem>> -> memref<1x32xf32, #tpu.memory_space<vmem>>
      %dma_start3A_762 = arith.constant 0 : i32
      %dma_start3A_763 = tpu.memref_slice %arg5[%squeeze3A_753, %dma_start3A_762] : memref<1000000x32xf32, #tpu.memory_space<hbm>> -> memref<1x32xf32, #tpu.memory_space<hbm>>
      tpu.enqueue_dma source(%dma_start3A_763 : memref<1x32xf32, #tpu.memory_space<hbm>>) target(%dma_start3A_761 : memref<1x32xf32, #tpu.memory_space<vmem>>) target_semaphore(%arg16 : memref<!tpu.dma_semaphore, #tpu.memory_space<semaphore_mem>>)
      %slice3A_764 = vector.extract_strided_slice %get3A_419 {offsets = [14], sizes = [1], strides = [1]} : vector<16xi32> to vector<1xi32>
      %squeeze3A_765 = vector.extract %slice3A_764[0] : i32 from vector<1xi32>
      %dma_start3A_766 = arith.constant 30 : i32
      %dma_start3A_767 = arith.constant 0 : i32
      %dma_start3A_768 = tpu.memref_slice %arg9[%dma_start3A_766, %dma_start3A_767] : memref<32x32xf32, #tpu.memory_space<vmem>> -> memref<1x32xf32, #tpu.memory_space<vmem>>
      %dma_start3A_769 = arith.constant 0 : i32
      %dma_start3A_770 = tpu.memref_slice %arg4[%squeeze3A_765, %dma_start3A_769] : memref<1000000x32xf32, #tpu.memory_space<hbm>> -> memref<1x32xf32, #tpu.memory_space<hbm>>
      %dma_start3A_771 = arith.constant 30 : i32
      %dma_start3A_772 = arith.constant 0 : i32
      %dma_start3A_773 = tpu.memref_slice %arg9[%dma_start3A_771, %dma_start3A_772] : memref<32x32xf32, #tpu.memory_space<vmem>> -> memref<1x32xf32, #tpu.memory_space<vmem>>
      %dma_start3A_774 = arith.constant 0 : i32
      %dma_start3A_775 = tpu.memref_slice %arg4[%squeeze3A_765, %dma_start3A_774] : memref<1000000x32xf32, #tpu.memory_space<hbm>> -> memref<1x32xf32, #tpu.memory_space<hbm>>
      tpu.enqueue_dma source(%dma_start3A_775 : memref<1x32xf32, #tpu.memory_space<hbm>>) target(%dma_start3A_773 : memref<1x32xf32, #tpu.memory_space<vmem>>) target_semaphore(%arg17 : memref<!tpu.dma_semaphore, #tpu.memory_space<semaphore_mem>>)
      %slice3A_776 = vector.extract_strided_slice %get3A_427 {offsets = [14], sizes = [1], strides = [1]} : vector<16xi32> to vector<1xi32>
      %squeeze3A_777 = vector.extract %slice3A_776[0] : i32 from vector<1xi32>
      %dma_start3A_778 = arith.constant 30 : i32
      %dma_start3A_779 = arith.constant 0 : i32
      %dma_start3A_780 = tpu.memref_slice %arg10[%dma_start3A_778, %dma_start3A_779] : memref<32x32xf32, #tpu.memory_space<vmem>> -> memref<1x32xf32, #tpu.memory_space<vmem>>
      %dma_start3A_781 = arith.constant 0 : i32
      %dma_start3A_782 = tpu.memref_slice %arg5[%squeeze3A_777, %dma_start3A_781] : memref<1000000x32xf32, #tpu.memory_space<hbm>> -> memref<1x32xf32, #tpu.memory_space<hbm>>
      %dma_start3A_783 = arith.constant 30 : i32
      %dma_start3A_784 = arith.constant 0 : i32
      %dma_start3A_785 = tpu.memref_slice %arg10[%dma_start3A_783, %dma_start3A_784] : memref<32x32xf32, #tpu.memory_space<vmem>> -> memref<1x32xf32, #tpu.memory_space<vmem>>
      %dma_start3A_786 = arith.constant 0 : i32
      %dma_start3A_787 = tpu.memref_slice %arg5[%squeeze3A_777, %dma_start3A_786] : memref<1000000x32xf32, #tpu.memory_space<hbm>> -> memref<1x32xf32, #tpu.memory_space<hbm>>
      tpu.enqueue_dma source(%dma_start3A_787 : memref<1x32xf32, #tpu.memory_space<hbm>>) target(%dma_start3A_785 : memref<1x32xf32, #tpu.memory_space<vmem>>) target_semaphore(%arg18 : memref<!tpu.dma_semaphore, #tpu.memory_space<semaphore_mem>>)
      %slice3A_788 = vector.extract_strided_slice %get3A_419 {offsets = [15], sizes = [1], strides = [1]} : vector<16xi32> to vector<1xi32>
      %squeeze3A_789 = vector.extract %slice3A_788[0] : i32 from vector<1xi32>
      %dma_start3A_790 = arith.constant 31 : i32
      %dma_start3A_791 = arith.constant 0 : i32
      %dma_start3A_792 = tpu.memref_slice %arg9[%dma_start3A_790, %dma_start3A_791] : memref<32x32xf32, #tpu.memory_space<vmem>> -> memref<1x32xf32, #tpu.memory_space<vmem>>
      %dma_start3A_793 = arith.constant 0 : i32
      %dma_start3A_794 = tpu.memref_slice %arg4[%squeeze3A_789, %dma_start3A_793] : memref<1000000x32xf32, #tpu.memory_space<hbm>> -> memref<1x32xf32, #tpu.memory_space<hbm>>
      %dma_start3A_795 = arith.constant 31 : i32
      %dma_start3A_796 = arith.constant 0 : i32
      %dma_start3A_797 = tpu.memref_slice %arg9[%dma_start3A_795, %dma_start3A_796] : memref<32x32xf32, #tpu.memory_space<vmem>> -> memref<1x32xf32, #tpu.memory_space<vmem>>
      %dma_start3A_798 = arith.constant 0 : i32
      %dma_start3A_799 = tpu.memref_slice %arg4[%squeeze3A_789, %dma_start3A_798] : memref<1000000x32xf32, #tpu.memory_space<hbm>> -> memref<1x32xf32, #tpu.memory_space<hbm>>
      tpu.enqueue_dma source(%dma_start3A_799 : memref<1x32xf32, #tpu.memory_space<hbm>>) target(%dma_start3A_797 : memref<1x32xf32, #tpu.memory_space<vmem>>) target_semaphore(%arg19 : memref<!tpu.dma_semaphore, #tpu.memory_space<semaphore_mem>>)
      %slice3A_800 = vector.extract_strided_slice %get3A_427 {offsets = [15], sizes = [1], strides = [1]} : vector<16xi32> to vector<1xi32>
      %squeeze3A_801 = vector.extract %slice3A_800[0] : i32 from vector<1xi32>
      %dma_start3A_802 = arith.constant 31 : i32
      %dma_start3A_803 = arith.constant 0 : i32
      %dma_start3A_804 = tpu.memref_slice %arg10[%dma_start3A_802, %dma_start3A_803] : memref<32x32xf32, #tpu.memory_space<vmem>> -> memref<1x32xf32, #tpu.memory_space<vmem>>
      %dma_start3A_805 = arith.constant 0 : i32
      %dma_start3A_806 = tpu.memref_slice %arg5[%squeeze3A_801, %dma_start3A_805] : memref<1000000x32xf32, #tpu.memory_space<hbm>> -> memref<1x32xf32, #tpu.memory_space<hbm>>
      %dma_start3A_807 = arith.constant 31 : i32
      %dma_start3A_808 = arith.constant 0 : i32
      %dma_start3A_809 = tpu.memref_slice %arg10[%dma_start3A_807, %dma_start3A_808] : memref<32x32xf32, #tpu.memory_space<vmem>> -> memref<1x32xf32, #tpu.memory_space<vmem>>
      %dma_start3A_810 = arith.constant 0 : i32
      %dma_start3A_811 = tpu.memref_slice %arg5[%squeeze3A_801, %dma_start3A_810] : memref<1000000x32xf32, #tpu.memory_space<hbm>> -> memref<1x32xf32, #tpu.memory_space<hbm>>
      tpu.enqueue_dma source(%dma_start3A_811 : memref<1x32xf32, #tpu.memory_space<hbm>>) target(%dma_start3A_809 : memref<1x32xf32, #tpu.memory_space<vmem>>) target_semaphore(%arg20 : memref<!tpu.dma_semaphore, #tpu.memory_space<semaphore_mem>>)
      %dma_wait3A_812 = arith.constant 0 : i32
      %dma_wait3A_813 = arith.constant 0 : i32
      %dma_wait3A_814 = tpu.memref_slice %arg9[%dma_wait3A_812, %dma_wait3A_813] : memref<32x32xf32, #tpu.memory_space<vmem>> -> memref<1x32xf32, #tpu.memory_space<vmem>>
      %dma_wait3A_815 = arith.constant 0 : i32
      %dma_wait3A_816 = tpu.memref_slice %arg4[%squeeze3A, %dma_wait3A_815] : memref<1000000x32xf32, #tpu.memory_space<hbm>> -> memref<1x32xf32, #tpu.memory_space<hbm>>
      %dma_wait3A_817 = arith.constant 0 : i32
      %dma_wait3A_818 = arith.constant 0 : i32
      %dma_wait3A_819 = tpu.memref_slice %arg9[%dma_wait3A_817, %dma_wait3A_818] : memref<32x32xf32, #tpu.memory_space<vmem>> -> memref<1x32xf32, #tpu.memory_space<vmem>>
      %dma_wait3A_820 = arith.constant 0 : i32
      %dma_wait3A_821 = tpu.memref_slice %arg4[%squeeze3A, %dma_wait3A_820] : memref<1000000x32xf32, #tpu.memory_space<hbm>> -> memref<1x32xf32, #tpu.memory_space<hbm>>
      tpu.wait_dma2 semaphore(%arg13 : memref<!tpu.dma_semaphore, #tpu.memory_space<semaphore_mem>>) src(%dma_wait3A_821 : memref<1x32xf32, #tpu.memory_space<hbm>>) dst(%dma_wait3A_819 : memref<1x32xf32, #tpu.memory_space<vmem>>)
      %dma_wait3A_822 = arith.constant 0 : i32
      %dma_wait3A_823 = arith.constant 0 : i32
      %dma_wait3A_824 = tpu.memref_slice %arg10[%dma_wait3A_822, %dma_wait3A_823] : memref<32x32xf32, #tpu.memory_space<vmem>> -> memref<1x32xf32, #tpu.memory_space<vmem>>
      %dma_wait3A_825 = arith.constant 0 : i32
      %dma_wait3A_826 = tpu.memref_slice %arg5[%squeeze3A_41, %dma_wait3A_825] : memref<1000000x32xf32, #tpu.memory_space<hbm>> -> memref<1x32xf32, #tpu.memory_space<hbm>>
      %dma_wait3A_827 = arith.constant 0 : i32
      %dma_wait3A_828 = arith.constant 0 : i32
      %dma_wait3A_829 = tpu.memref_slice %arg10[%dma_wait3A_827, %dma_wait3A_828] : memref<32x32xf32, #tpu.memory_space<vmem>> -> memref<1x32xf32, #tpu.memory_space<vmem>>
      %dma_wait3A_830 = arith.constant 0 : i32
      %dma_wait3A_831 = tpu.memref_slice %arg5[%squeeze3A_41, %dma_wait3A_830] : memref<1000000x32xf32, #tpu.memory_space<hbm>> -> memref<1x32xf32, #tpu.memory_space<hbm>>
      tpu.wait_dma2 semaphore(%arg14 : memref<!tpu.dma_semaphore, #tpu.memory_space<semaphore_mem>>) src(%dma_wait3A_831 : memref<1x32xf32, #tpu.memory_space<hbm>>) dst(%dma_wait3A_829 : memref<1x32xf32, #tpu.memory_space<vmem>>)
      %dma_wait3A_832 = arith.constant 1 : i32
      %dma_wait3A_833 = arith.constant 0 : i32
      %dma_wait3A_834 = tpu.memref_slice %arg9[%dma_wait3A_832, %dma_wait3A_833] : memref<32x32xf32, #tpu.memory_space<vmem>> -> memref<1x32xf32, #tpu.memory_space<vmem>>
      %dma_wait3A_835 = arith.constant 0 : i32
      %dma_wait3A_836 = tpu.memref_slice %arg4[%squeeze3A_53, %dma_wait3A_835] : memref<1000000x32xf32, #tpu.memory_space<hbm>> -> memref<1x32xf32, #tpu.memory_space<hbm>>
      %dma_wait3A_837 = arith.constant 1 : i32
      %dma_wait3A_838 = arith.constant 0 : i32
      %dma_wait3A_839 = tpu.memref_slice %arg9[%dma_wait3A_837, %dma_wait3A_838] : memref<32x32xf32, #tpu.memory_space<vmem>> -> memref<1x32xf32, #tpu.memory_space<vmem>>
      %dma_wait3A_840 = arith.constant 0 : i32
      %dma_wait3A_841 = tpu.memref_slice %arg4[%squeeze3A_53, %dma_wait3A_840] : memref<1000000x32xf32, #tpu.memory_space<hbm>> -> memref<1x32xf32, #tpu.memory_space<hbm>>
      tpu.wait_dma2 semaphore(%arg15 : memref<!tpu.dma_semaphore, #tpu.memory_space<semaphore_mem>>) src(%dma_wait3A_841 : memref<1x32xf32, #tpu.memory_space<hbm>>) dst(%dma_wait3A_839 : memref<1x32xf32, #tpu.memory_space<vmem>>)
      %dma_wait3A_842 = arith.constant 1 : i32
      %dma_wait3A_843 = arith.constant 0 : i32
      %dma_wait3A_844 = tpu.memref_slice %arg10[%dma_wait3A_842, %dma_wait3A_843] : memref<32x32xf32, #tpu.memory_space<vmem>> -> memref<1x32xf32, #tpu.memory_space<vmem>>
      %dma_wait3A_845 = arith.constant 0 : i32
      %dma_wait3A_846 = tpu.memref_slice %arg5[%squeeze3A_65, %dma_wait3A_845] : memref<1000000x32xf32, #tpu.memory_space<hbm>> -> memref<1x32xf32, #tpu.memory_space<hbm>>
      %dma_wait3A_847 = arith.constant 1 : i32
      %dma_wait3A_848 = arith.constant 0 : i32
      %dma_wait3A_849 = tpu.memref_slice %arg10[%dma_wait3A_847, %dma_wait3A_848] : memref<32x32xf32, #tpu.memory_space<vmem>> -> memref<1x32xf32, #tpu.memory_space<vmem>>
      %dma_wait3A_850 = arith.constant 0 : i32
      %dma_wait3A_851 = tpu.memref_slice %arg5[%squeeze3A_65, %dma_wait3A_850] : memref<1000000x32xf32, #tpu.memory_space<hbm>> -> memref<1x32xf32, #tpu.memory_space<hbm>>
      tpu.wait_dma2 semaphore(%arg16 : memref<!tpu.dma_semaphore, #tpu.memory_space<semaphore_mem>>) src(%dma_wait3A_851 : memref<1x32xf32, #tpu.memory_space<hbm>>) dst(%dma_wait3A_849 : memref<1x32xf32, #tpu.memory_space<vmem>>)
      %dma_wait3A_852 = arith.constant 2 : i32
      %dma_wait3A_853 = arith.constant 0 : i32
      %dma_wait3A_854 = tpu.memref_slice %arg9[%dma_wait3A_852, %dma_wait3A_853] : memref<32x32xf32, #tpu.memory_space<vmem>> -> memref<1x32xf32, #tpu.memory_space<vmem>>
      %dma_wait3A_855 = arith.constant 0 : i32
      %dma_wait3A_856 = tpu.memref_slice %arg4[%squeeze3A_77, %dma_wait3A_855] : memref<1000000x32xf32, #tpu.memory_space<hbm>> -> memref<1x32xf32, #tpu.memory_space<hbm>>
      %dma_wait3A_857 = arith.constant 2 : i32
      %dma_wait3A_858 = arith.constant 0 : i32
      %dma_wait3A_859 = tpu.memref_slice %arg9[%dma_wait3A_857, %dma_wait3A_858] : memref<32x32xf32, #tpu.memory_space<vmem>> -> memref<1x32xf32, #tpu.memory_space<vmem>>
      %dma_wait3A_860 = arith.constant 0 : i32
      %dma_wait3A_861 = tpu.memref_slice %arg4[%squeeze3A_77, %dma_wait3A_860] : memref<1000000x32xf32, #tpu.memory_space<hbm>> -> memref<1x32xf32, #tpu.memory_space<hbm>>
      tpu.wait_dma2 semaphore(%arg17 : memref<!tpu.dma_semaphore, #tpu.memory_space<semaphore_mem>>) src(%dma_wait3A_861 : memref<1x32xf32, #tpu.memory_space<hbm>>) dst(%dma_wait3A_859 : memref<1x32xf32, #tpu.memory_space<vmem>>)
      %dma_wait3A_862 = arith.constant 2 : i32
      %dma_wait3A_863 = arith.constant 0 : i32
      %dma_wait3A_864 = tpu.memref_slice %arg10[%dma_wait3A_862, %dma_wait3A_863] : memref<32x32xf32, #tpu.memory_space<vmem>> -> memref<1x32xf32, #tpu.memory_space<vmem>>
      %dma_wait3A_865 = arith.constant 0 : i32
      %dma_wait3A_866 = tpu.memref_slice %arg5[%squeeze3A_89, %dma_wait3A_865] : memref<1000000x32xf32, #tpu.memory_space<hbm>> -> memref<1x32xf32, #tpu.memory_space<hbm>>
      %dma_wait3A_867 = arith.constant 2 : i32
      %dma_wait3A_868 = arith.constant 0 : i32
      %dma_wait3A_869 = tpu.memref_slice %arg10[%dma_wait3A_867, %dma_wait3A_868] : memref<32x32xf32, #tpu.memory_space<vmem>> -> memref<1x32xf32, #tpu.memory_space<vmem>>
      %dma_wait3A_870 = arith.constant 0 : i32
      %dma_wait3A_871 = tpu.memref_slice %arg5[%squeeze3A_89, %dma_wait3A_870] : memref<1000000x32xf32, #tpu.memory_space<hbm>> -> memref<1x32xf32, #tpu.memory_space<hbm>>
      tpu.wait_dma2 semaphore(%arg18 : memref<!tpu.dma_semaphore, #tpu.memory_space<semaphore_mem>>) src(%dma_wait3A_871 : memref<1x32xf32, #tpu.memory_space<hbm>>) dst(%dma_wait3A_869 : memref<1x32xf32, #tpu.memory_space<vmem>>)
      %dma_wait3A_872 = arith.constant 3 : i32
      %dma_wait3A_873 = arith.constant 0 : i32
      %dma_wait3A_874 = tpu.memref_slice %arg9[%dma_wait3A_872, %dma_wait3A_873] : memref<32x32xf32, #tpu.memory_space<vmem>> -> memref<1x32xf32, #tpu.memory_space<vmem>>
      %dma_wait3A_875 = arith.constant 0 : i32
      %dma_wait3A_876 = tpu.memref_slice %arg4[%squeeze3A_101, %dma_wait3A_875] : memref<1000000x32xf32, #tpu.memory_space<hbm>> -> memref<1x32xf32, #tpu.memory_space<hbm>>
      %dma_wait3A_877 = arith.constant 3 : i32
      %dma_wait3A_878 = arith.constant 0 : i32
      %dma_wait3A_879 = tpu.memref_slice %arg9[%dma_wait3A_877, %dma_wait3A_878] : memref<32x32xf32, #tpu.memory_space<vmem>> -> memref<1x32xf32, #tpu.memory_space<vmem>>
      %dma_wait3A_880 = arith.constant 0 : i32
      %dma_wait3A_881 = tpu.memref_slice %arg4[%squeeze3A_101, %dma_wait3A_880] : memref<1000000x32xf32, #tpu.memory_space<hbm>> -> memref<1x32xf32, #tpu.memory_space<hbm>>
      tpu.wait_dma2 semaphore(%arg19 : memref<!tpu.dma_semaphore, #tpu.memory_space<semaphore_mem>>) src(%dma_wait3A_881 : memref<1x32xf32, #tpu.memory_space<hbm>>) dst(%dma_wait3A_879 : memref<1x32xf32, #tpu.memory_space<vmem>>)
      %dma_wait3A_882 = arith.constant 3 : i32
      %dma_wait3A_883 = arith.constant 0 : i32
      %dma_wait3A_884 = tpu.memref_slice %arg10[%dma_wait3A_882, %dma_wait3A_883] : memref<32x32xf32, #tpu.memory_space<vmem>> -> memref<1x32xf32, #tpu.memory_space<vmem>>
      %dma_wait3A_885 = arith.constant 0 : i32
      %dma_wait3A_886 = tpu.memref_slice %arg5[%squeeze3A_113, %dma_wait3A_885] : memref<1000000x32xf32, #tpu.memory_space<hbm>> -> memref<1x32xf32, #tpu.memory_space<hbm>>
      %dma_wait3A_887 = arith.constant 3 : i32
      %dma_wait3A_888 = arith.constant 0 : i32
      %dma_wait3A_889 = tpu.memref_slice %arg10[%dma_wait3A_887, %dma_wait3A_888] : memref<32x32xf32, #tpu.memory_space<vmem>> -> memref<1x32xf32, #tpu.memory_space<vmem>>
      %dma_wait3A_890 = arith.constant 0 : i32
      %dma_wait3A_891 = tpu.memref_slice %arg5[%squeeze3A_113, %dma_wait3A_890] : memref<1000000x32xf32, #tpu.memory_space<hbm>> -> memref<1x32xf32, #tpu.memory_space<hbm>>
      tpu.wait_dma2 semaphore(%arg20 : memref<!tpu.dma_semaphore, #tpu.memory_space<semaphore_mem>>) src(%dma_wait3A_891 : memref<1x32xf32, #tpu.memory_space<hbm>>) dst(%dma_wait3A_889 : memref<1x32xf32, #tpu.memory_space<vmem>>)
      %dma_wait3A_892 = arith.constant 4 : i32
      %dma_wait3A_893 = arith.constant 0 : i32
      %dma_wait3A_894 = tpu.memref_slice %arg9[%dma_wait3A_892, %dma_wait3A_893] : memref<32x32xf32, #tpu.memory_space<vmem>> -> memref<1x32xf32, #tpu.memory_space<vmem>>
      %dma_wait3A_895 = arith.constant 0 : i32
      %dma_wait3A_896 = tpu.memref_slice %arg4[%squeeze3A_125, %dma_wait3A_895] : memref<1000000x32xf32, #tpu.memory_space<hbm>> -> memref<1x32xf32, #tpu.memory_space<hbm>>
      %dma_wait3A_897 = arith.constant 4 : i32
      %dma_wait3A_898 = arith.constant 0 : i32
      %dma_wait3A_899 = tpu.memref_slice %arg9[%dma_wait3A_897, %dma_wait3A_898] : memref<32x32xf32, #tpu.memory_space<vmem>> -> memref<1x32xf32, #tpu.memory_space<vmem>>
      %dma_wait3A_900 = arith.constant 0 : i32
      %dma_wait3A_901 = tpu.memref_slice %arg4[%squeeze3A_125, %dma_wait3A_900] : memref<1000000x32xf32, #tpu.memory_space<hbm>> -> memref<1x32xf32, #tpu.memory_space<hbm>>
      tpu.wait_dma2 semaphore(%arg13 : memref<!tpu.dma_semaphore, #tpu.memory_space<semaphore_mem>>) src(%dma_wait3A_901 : memref<1x32xf32, #tpu.memory_space<hbm>>) dst(%dma_wait3A_899 : memref<1x32xf32, #tpu.memory_space<vmem>>)
      %dma_wait3A_902 = arith.constant 4 : i32
      %dma_wait3A_903 = arith.constant 0 : i32
      %dma_wait3A_904 = tpu.memref_slice %arg10[%dma_wait3A_902, %dma_wait3A_903] : memref<32x32xf32, #tpu.memory_space<vmem>> -> memref<1x32xf32, #tpu.memory_space<vmem>>
      %dma_wait3A_905 = arith.constant 0 : i32
      %dma_wait3A_906 = tpu.memref_slice %arg5[%squeeze3A_137, %dma_wait3A_905] : memref<1000000x32xf32, #tpu.memory_space<hbm>> -> memref<1x32xf32, #tpu.memory_space<hbm>>
      %dma_wait3A_907 = arith.constant 4 : i32
      %dma_wait3A_908 = arith.constant 0 : i32
      %dma_wait3A_909 = tpu.memref_slice %arg10[%dma_wait3A_907, %dma_wait3A_908] : memref<32x32xf32, #tpu.memory_space<vmem>> -> memref<1x32xf32, #tpu.memory_space<vmem>>
      %dma_wait3A_910 = arith.constant 0 : i32
      %dma_wait3A_911 = tpu.memref_slice %arg5[%squeeze3A_137, %dma_wait3A_910] : memref<1000000x32xf32, #tpu.memory_space<hbm>> -> memref<1x32xf32, #tpu.memory_space<hbm>>
      tpu.wait_dma2 semaphore(%arg14 : memref<!tpu.dma_semaphore, #tpu.memory_space<semaphore_mem>>) src(%dma_wait3A_911 : memref<1x32xf32, #tpu.memory_space<hbm>>) dst(%dma_wait3A_909 : memref<1x32xf32, #tpu.memory_space<vmem>>)
      %dma_wait3A_912 = arith.constant 5 : i32
      %dma_wait3A_913 = arith.constant 0 : i32
      %dma_wait3A_914 = tpu.memref_slice %arg9[%dma_wait3A_912, %dma_wait3A_913] : memref<32x32xf32, #tpu.memory_space<vmem>> -> memref<1x32xf32, #tpu.memory_space<vmem>>
      %dma_wait3A_915 = arith.constant 0 : i32
      %dma_wait3A_916 = tpu.memref_slice %arg4[%squeeze3A_149, %dma_wait3A_915] : memref<1000000x32xf32, #tpu.memory_space<hbm>> -> memref<1x32xf32, #tpu.memory_space<hbm>>
      %dma_wait3A_917 = arith.constant 5 : i32
      %dma_wait3A_918 = arith.constant 0 : i32
      %dma_wait3A_919 = tpu.memref_slice %arg9[%dma_wait3A_917, %dma_wait3A_918] : memref<32x32xf32, #tpu.memory_space<vmem>> -> memref<1x32xf32, #tpu.memory_space<vmem>>
      %dma_wait3A_920 = arith.constant 0 : i32
      %dma_wait3A_921 = tpu.memref_slice %arg4[%squeeze3A_149, %dma_wait3A_920] : memref<1000000x32xf32, #tpu.memory_space<hbm>> -> memref<1x32xf32, #tpu.memory_space<hbm>>
      tpu.wait_dma2 semaphore(%arg15 : memref<!tpu.dma_semaphore, #tpu.memory_space<semaphore_mem>>) src(%dma_wait3A_921 : memref<1x32xf32, #tpu.memory_space<hbm>>) dst(%dma_wait3A_919 : memref<1x32xf32, #tpu.memory_space<vmem>>)
      %dma_wait3A_922 = arith.constant 5 : i32
      %dma_wait3A_923 = arith.constant 0 : i32
      %dma_wait3A_924 = tpu.memref_slice %arg10[%dma_wait3A_922, %dma_wait3A_923] : memref<32x32xf32, #tpu.memory_space<vmem>> -> memref<1x32xf32, #tpu.memory_space<vmem>>
      %dma_wait3A_925 = arith.constant 0 : i32
      %dma_wait3A_926 = tpu.memref_slice %arg5[%squeeze3A_161, %dma_wait3A_925] : memref<1000000x32xf32, #tpu.memory_space<hbm>> -> memref<1x32xf32, #tpu.memory_space<hbm>>
      %dma_wait3A_927 = arith.constant 5 : i32
      %dma_wait3A_928 = arith.constant 0 : i32
      %dma_wait3A_929 = tpu.memref_slice %arg10[%dma_wait3A_927, %dma_wait3A_928] : memref<32x32xf32, #tpu.memory_space<vmem>> -> memref<1x32xf32, #tpu.memory_space<vmem>>
      %dma_wait3A_930 = arith.constant 0 : i32
      %dma_wait3A_931 = tpu.memref_slice %arg5[%squeeze3A_161, %dma_wait3A_930] : memref<1000000x32xf32, #tpu.memory_space<hbm>> -> memref<1x32xf32, #tpu.memory_space<hbm>>
      tpu.wait_dma2 semaphore(%arg16 : memref<!tpu.dma_semaphore, #tpu.memory_space<semaphore_mem>>) src(%dma_wait3A_931 : memref<1x32xf32, #tpu.memory_space<hbm>>) dst(%dma_wait3A_929 : memref<1x32xf32, #tpu.memory_space<vmem>>)
      %dma_wait3A_932 = arith.constant 6 : i32
      %dma_wait3A_933 = arith.constant 0 : i32
      %dma_wait3A_934 = tpu.memref_slice %arg9[%dma_wait3A_932, %dma_wait3A_933] : memref<32x32xf32, #tpu.memory_space<vmem>> -> memref<1x32xf32, #tpu.memory_space<vmem>>
      %dma_wait3A_935 = arith.constant 0 : i32
      %dma_wait3A_936 = tpu.memref_slice %arg4[%squeeze3A_173, %dma_wait3A_935] : memref<1000000x32xf32, #tpu.memory_space<hbm>> -> memref<1x32xf32, #tpu.memory_space<hbm>>
      %dma_wait3A_937 = arith.constant 6 : i32
      %dma_wait3A_938 = arith.constant 0 : i32
      %dma_wait3A_939 = tpu.memref_slice %arg9[%dma_wait3A_937, %dma_wait3A_938] : memref<32x32xf32, #tpu.memory_space<vmem>> -> memref<1x32xf32, #tpu.memory_space<vmem>>
      %dma_wait3A_940 = arith.constant 0 : i32
      %dma_wait3A_941 = tpu.memref_slice %arg4[%squeeze3A_173, %dma_wait3A_940] : memref<1000000x32xf32, #tpu.memory_space<hbm>> -> memref<1x32xf32, #tpu.memory_space<hbm>>
      tpu.wait_dma2 semaphore(%arg17 : memref<!tpu.dma_semaphore, #tpu.memory_space<semaphore_mem>>) src(%dma_wait3A_941 : memref<1x32xf32, #tpu.memory_space<hbm>>) dst(%dma_wait3A_939 : memref<1x32xf32, #tpu.memory_space<vmem>>)
      %dma_wait3A_942 = arith.constant 6 : i32
      %dma_wait3A_943 = arith.constant 0 : i32
      %dma_wait3A_944 = tpu.memref_slice %arg10[%dma_wait3A_942, %dma_wait3A_943] : memref<32x32xf32, #tpu.memory_space<vmem>> -> memref<1x32xf32, #tpu.memory_space<vmem>>
      %dma_wait3A_945 = arith.constant 0 : i32
      %dma_wait3A_946 = tpu.memref_slice %arg5[%squeeze3A_185, %dma_wait3A_945] : memref<1000000x32xf32, #tpu.memory_space<hbm>> -> memref<1x32xf32, #tpu.memory_space<hbm>>
      %dma_wait3A_947 = arith.constant 6 : i32
      %dma_wait3A_948 = arith.constant 0 : i32
      %dma_wait3A_949 = tpu.memref_slice %arg10[%dma_wait3A_947, %dma_wait3A_948] : memref<32x32xf32, #tpu.memory_space<vmem>> -> memref<1x32xf32, #tpu.memory_space<vmem>>
      %dma_wait3A_950 = arith.constant 0 : i32
      %dma_wait3A_951 = tpu.memref_slice %arg5[%squeeze3A_185, %dma_wait3A_950] : memref<1000000x32xf32, #tpu.memory_space<hbm>> -> memref<1x32xf32, #tpu.memory_space<hbm>>
      tpu.wait_dma2 semaphore(%arg18 : memref<!tpu.dma_semaphore, #tpu.memory_space<semaphore_mem>>) src(%dma_wait3A_951 : memref<1x32xf32, #tpu.memory_space<hbm>>) dst(%dma_wait3A_949 : memref<1x32xf32, #tpu.memory_space<vmem>>)
      %dma_wait3A_952 = arith.constant 7 : i32
      %dma_wait3A_953 = arith.constant 0 : i32
      %dma_wait3A_954 = tpu.memref_slice %arg9[%dma_wait3A_952, %dma_wait3A_953] : memref<32x32xf32, #tpu.memory_space<vmem>> -> memref<1x32xf32, #tpu.memory_space<vmem>>
      %dma_wait3A_955 = arith.constant 0 : i32
      %dma_wait3A_956 = tpu.memref_slice %arg4[%squeeze3A_197, %dma_wait3A_955] : memref<1000000x32xf32, #tpu.memory_space<hbm>> -> memref<1x32xf32, #tpu.memory_space<hbm>>
      %dma_wait3A_957 = arith.constant 7 : i32
      %dma_wait3A_958 = arith.constant 0 : i32
      %dma_wait3A_959 = tpu.memref_slice %arg9[%dma_wait3A_957, %dma_wait3A_958] : memref<32x32xf32, #tpu.memory_space<vmem>> -> memref<1x32xf32, #tpu.memory_space<vmem>>
      %dma_wait3A_960 = arith.constant 0 : i32
      %dma_wait3A_961 = tpu.memref_slice %arg4[%squeeze3A_197, %dma_wait3A_960] : memref<1000000x32xf32, #tpu.memory_space<hbm>> -> memref<1x32xf32, #tpu.memory_space<hbm>>
      tpu.wait_dma2 semaphore(%arg19 : memref<!tpu.dma_semaphore, #tpu.memory_space<semaphore_mem>>) src(%dma_wait3A_961 : memref<1x32xf32, #tpu.memory_space<hbm>>) dst(%dma_wait3A_959 : memref<1x32xf32, #tpu.memory_space<vmem>>)
      %dma_wait3A_962 = arith.constant 7 : i32
      %dma_wait3A_963 = arith.constant 0 : i32
      %dma_wait3A_964 = tpu.memref_slice %arg10[%dma_wait3A_962, %dma_wait3A_963] : memref<32x32xf32, #tpu.memory_space<vmem>> -> memref<1x32xf32, #tpu.memory_space<vmem>>
      %dma_wait3A_965 = arith.constant 0 : i32
      %dma_wait3A_966 = tpu.memref_slice %arg5[%squeeze3A_209, %dma_wait3A_965] : memref<1000000x32xf32, #tpu.memory_space<hbm>> -> memref<1x32xf32, #tpu.memory_space<hbm>>
      %dma_wait3A_967 = arith.constant 7 : i32
      %dma_wait3A_968 = arith.constant 0 : i32
      %dma_wait3A_969 = tpu.memref_slice %arg10[%dma_wait3A_967, %dma_wait3A_968] : memref<32x32xf32, #tpu.memory_space<vmem>> -> memref<1x32xf32, #tpu.memory_space<vmem>>
      %dma_wait3A_970 = arith.constant 0 : i32
      %dma_wait3A_971 = tpu.memref_slice %arg5[%squeeze3A_209, %dma_wait3A_970] : memref<1000000x32xf32, #tpu.memory_space<hbm>> -> memref<1x32xf32, #tpu.memory_space<hbm>>
      tpu.wait_dma2 semaphore(%arg20 : memref<!tpu.dma_semaphore, #tpu.memory_space<semaphore_mem>>) src(%dma_wait3A_971 : memref<1x32xf32, #tpu.memory_space<hbm>>) dst(%dma_wait3A_969 : memref<1x32xf32, #tpu.memory_space<vmem>>)
      %dma_wait3A_972 = arith.constant 8 : i32
      %dma_wait3A_973 = arith.constant 0 : i32
      %dma_wait3A_974 = tpu.memref_slice %arg9[%dma_wait3A_972, %dma_wait3A_973] : memref<32x32xf32, #tpu.memory_space<vmem>> -> memref<1x32xf32, #tpu.memory_space<vmem>>
      %dma_wait3A_975 = arith.constant 0 : i32
      %dma_wait3A_976 = tpu.memref_slice %arg4[%squeeze3A_221, %dma_wait3A_975] : memref<1000000x32xf32, #tpu.memory_space<hbm>> -> memref<1x32xf32, #tpu.memory_space<hbm>>
      %dma_wait3A_977 = arith.constant 8 : i32
      %dma_wait3A_978 = arith.constant 0 : i32
      %dma_wait3A_979 = tpu.memref_slice %arg9[%dma_wait3A_977, %dma_wait3A_978] : memref<32x32xf32, #tpu.memory_space<vmem>> -> memref<1x32xf32, #tpu.memory_space<vmem>>
      %dma_wait3A_980 = arith.constant 0 : i32
      %dma_wait3A_981 = tpu.memref_slice %arg4[%squeeze3A_221, %dma_wait3A_980] : memref<1000000x32xf32, #tpu.memory_space<hbm>> -> memref<1x32xf32, #tpu.memory_space<hbm>>
      tpu.wait_dma2 semaphore(%arg13 : memref<!tpu.dma_semaphore, #tpu.memory_space<semaphore_mem>>) src(%dma_wait3A_981 : memref<1x32xf32, #tpu.memory_space<hbm>>) dst(%dma_wait3A_979 : memref<1x32xf32, #tpu.memory_space<vmem>>)
      %dma_wait3A_982 = arith.constant 8 : i32
      %dma_wait3A_983 = arith.constant 0 : i32
      %dma_wait3A_984 = tpu.memref_slice %arg10[%dma_wait3A_982, %dma_wait3A_983] : memref<32x32xf32, #tpu.memory_space<vmem>> -> memref<1x32xf32, #tpu.memory_space<vmem>>
      %dma_wait3A_985 = arith.constant 0 : i32
      %dma_wait3A_986 = tpu.memref_slice %arg5[%squeeze3A_233, %dma_wait3A_985] : memref<1000000x32xf32, #tpu.memory_space<hbm>> -> memref<1x32xf32, #tpu.memory_space<hbm>>
      %dma_wait3A_987 = arith.constant 8 : i32
      %dma_wait3A_988 = arith.constant 0 : i32
      %dma_wait3A_989 = tpu.memref_slice %arg10[%dma_wait3A_987, %dma_wait3A_988] : memref<32x32xf32, #tpu.memory_space<vmem>> -> memref<1x32xf32, #tpu.memory_space<vmem>>
      %dma_wait3A_990 = arith.constant 0 : i32
      %dma_wait3A_991 = tpu.memref_slice %arg5[%squeeze3A_233, %dma_wait3A_990] : memref<1000000x32xf32, #tpu.memory_space<hbm>> -> memref<1x32xf32, #tpu.memory_space<hbm>>
      tpu.wait_dma2 semaphore(%arg14 : memref<!tpu.dma_semaphore, #tpu.memory_space<semaphore_mem>>) src(%dma_wait3A_991 : memref<1x32xf32, #tpu.memory_space<hbm>>) dst(%dma_wait3A_989 : memref<1x32xf32, #tpu.memory_space<vmem>>)
      %dma_wait3A_992 = arith.constant 9 : i32
      %dma_wait3A_993 = arith.constant 0 : i32
      %dma_wait3A_994 = tpu.memref_slice %arg9[%dma_wait3A_992, %dma_wait3A_993] : memref<32x32xf32, #tpu.memory_space<vmem>> -> memref<1x32xf32, #tpu.memory_space<vmem>>
      %dma_wait3A_995 = arith.constant 0 : i32
      %dma_wait3A_996 = tpu.memref_slice %arg4[%squeeze3A_245, %dma_wait3A_995] : memref<1000000x32xf32, #tpu.memory_space<hbm>> -> memref<1x32xf32, #tpu.memory_space<hbm>>
      %dma_wait3A_997 = arith.constant 9 : i32
      %dma_wait3A_998 = arith.constant 0 : i32
      %dma_wait3A_999 = tpu.memref_slice %arg9[%dma_wait3A_997, %dma_wait3A_998] : memref<32x32xf32, #tpu.memory_space<vmem>> -> memref<1x32xf32, #tpu.memory_space<vmem>>
      %dma_wait3A_1000 = arith.constant 0 : i32
      %dma_wait3A_1001 = tpu.memref_slice %arg4[%squeeze3A_245, %dma_wait3A_1000] : memref<1000000x32xf32, #tpu.memory_space<hbm>> -> memref<1x32xf32, #tpu.memory_space<hbm>>
      tpu.wait_dma2 semaphore(%arg15 : memref<!tpu.dma_semaphore, #tpu.memory_space<semaphore_mem>>) src(%dma_wait3A_1001 : memref<1x32xf32, #tpu.memory_space<hbm>>) dst(%dma_wait3A_999 : memref<1x32xf32, #tpu.memory_space<vmem>>)
      %dma_wait3A_1002 = arith.constant 9 : i32
      %dma_wait3A_1003 = arith.constant 0 : i32
      %dma_wait3A_1004 = tpu.memref_slice %arg10[%dma_wait3A_1002, %dma_wait3A_1003] : memref<32x32xf32, #tpu.memory_space<vmem>> -> memref<1x32xf32, #tpu.memory_space<vmem>>
      %dma_wait3A_1005 = arith.constant 0 : i32
      %dma_wait3A_1006 = tpu.memref_slice %arg5[%squeeze3A_257, %dma_wait3A_1005] : memref<1000000x32xf32, #tpu.memory_space<hbm>> -> memref<1x32xf32, #tpu.memory_space<hbm>>
      %dma_wait3A_1007 = arith.constant 9 : i32
      %dma_wait3A_1008 = arith.constant 0 : i32
      %dma_wait3A_1009 = tpu.memref_slice %arg10[%dma_wait3A_1007, %dma_wait3A_1008] : memref<32x32xf32, #tpu.memory_space<vmem>> -> memref<1x32xf32, #tpu.memory_space<vmem>>
      %dma_wait3A_1010 = arith.constant 0 : i32
      %dma_wait3A_1011 = tpu.memref_slice %arg5[%squeeze3A_257, %dma_wait3A_1010] : memref<1000000x32xf32, #tpu.memory_space<hbm>> -> memref<1x32xf32, #tpu.memory_space<hbm>>
      tpu.wait_dma2 semaphore(%arg16 : memref<!tpu.dma_semaphore, #tpu.memory_space<semaphore_mem>>) src(%dma_wait3A_1011 : memref<1x32xf32, #tpu.memory_space<hbm>>) dst(%dma_wait3A_1009 : memref<1x32xf32, #tpu.memory_space<vmem>>)
      %dma_wait3A_1012 = arith.constant 10 : i32
      %dma_wait3A_1013 = arith.constant 0 : i32
      %dma_wait3A_1014 = tpu.memref_slice %arg9[%dma_wait3A_1012, %dma_wait3A_1013] : memref<32x32xf32, #tpu.memory_space<vmem>> -> memref<1x32xf32, #tpu.memory_space<vmem>>
      %dma_wait3A_1015 = arith.constant 0 : i32
      %dma_wait3A_1016 = tpu.memref_slice %arg4[%squeeze3A_269, %dma_wait3A_1015] : memref<1000000x32xf32, #tpu.memory_space<hbm>> -> memref<1x32xf32, #tpu.memory_space<hbm>>
      %dma_wait3A_1017 = arith.constant 10 : i32
      %dma_wait3A_1018 = arith.constant 0 : i32
      %dma_wait3A_1019 = tpu.memref_slice %arg9[%dma_wait3A_1017, %dma_wait3A_1018] : memref<32x32xf32, #tpu.memory_space<vmem>> -> memref<1x32xf32, #tpu.memory_space<vmem>>
      %dma_wait3A_1020 = arith.constant 0 : i32
      %dma_wait3A_1021 = tpu.memref_slice %arg4[%squeeze3A_269, %dma_wait3A_1020] : memref<1000000x32xf32, #tpu.memory_space<hbm>> -> memref<1x32xf32, #tpu.memory_space<hbm>>
      tpu.wait_dma2 semaphore(%arg17 : memref<!tpu.dma_semaphore, #tpu.memory_space<semaphore_mem>>) src(%dma_wait3A_1021 : memref<1x32xf32, #tpu.memory_space<hbm>>) dst(%dma_wait3A_1019 : memref<1x32xf32, #tpu.memory_space<vmem>>)
      %dma_wait3A_1022 = arith.constant 10 : i32
      %dma_wait3A_1023 = arith.constant 0 : i32
      %dma_wait3A_1024 = tpu.memref_slice %arg10[%dma_wait3A_1022, %dma_wait3A_1023] : memref<32x32xf32, #tpu.memory_space<vmem>> -> memref<1x32xf32, #tpu.memory_space<vmem>>
      %dma_wait3A_1025 = arith.constant 0 : i32
      %dma_wait3A_1026 = tpu.memref_slice %arg5[%squeeze3A_281, %dma_wait3A_1025] : memref<1000000x32xf32, #tpu.memory_space<hbm>> -> memref<1x32xf32, #tpu.memory_space<hbm>>
      %dma_wait3A_1027 = arith.constant 10 : i32
      %dma_wait3A_1028 = arith.constant 0 : i32
      %dma_wait3A_1029 = tpu.memref_slice %arg10[%dma_wait3A_1027, %dma_wait3A_1028] : memref<32x32xf32, #tpu.memory_space<vmem>> -> memref<1x32xf32, #tpu.memory_space<vmem>>
      %dma_wait3A_1030 = arith.constant 0 : i32
      %dma_wait3A_1031 = tpu.memref_slice %arg5[%squeeze3A_281, %dma_wait3A_1030] : memref<1000000x32xf32, #tpu.memory_space<hbm>> -> memref<1x32xf32, #tpu.memory_space<hbm>>
      tpu.wait_dma2 semaphore(%arg18 : memref<!tpu.dma_semaphore, #tpu.memory_space<semaphore_mem>>) src(%dma_wait3A_1031 : memref<1x32xf32, #tpu.memory_space<hbm>>) dst(%dma_wait3A_1029 : memref<1x32xf32, #tpu.memory_space<vmem>>)
      %dma_wait3A_1032 = arith.constant 11 : i32
      %dma_wait3A_1033 = arith.constant 0 : i32
      %dma_wait3A_1034 = tpu.memref_slice %arg9[%dma_wait3A_1032, %dma_wait3A_1033] : memref<32x32xf32, #tpu.memory_space<vmem>> -> memref<1x32xf32, #tpu.memory_space<vmem>>
      %dma_wait3A_1035 = arith.constant 0 : i32
      %dma_wait3A_1036 = tpu.memref_slice %arg4[%squeeze3A_293, %dma_wait3A_1035] : memref<1000000x32xf32, #tpu.memory_space<hbm>> -> memref<1x32xf32, #tpu.memory_space<hbm>>
      %dma_wait3A_1037 = arith.constant 11 : i32
      %dma_wait3A_1038 = arith.constant 0 : i32
      %dma_wait3A_1039 = tpu.memref_slice %arg9[%dma_wait3A_1037, %dma_wait3A_1038] : memref<32x32xf32, #tpu.memory_space<vmem>> -> memref<1x32xf32, #tpu.memory_space<vmem>>
      %dma_wait3A_1040 = arith.constant 0 : i32
      %dma_wait3A_1041 = tpu.memref_slice %arg4[%squeeze3A_293, %dma_wait3A_1040] : memref<1000000x32xf32, #tpu.memory_space<hbm>> -> memref<1x32xf32, #tpu.memory_space<hbm>>
      tpu.wait_dma2 semaphore(%arg19 : memref<!tpu.dma_semaphore, #tpu.memory_space<semaphore_mem>>) src(%dma_wait3A_1041 : memref<1x32xf32, #tpu.memory_space<hbm>>) dst(%dma_wait3A_1039 : memref<1x32xf32, #tpu.memory_space<vmem>>)
      %dma_wait3A_1042 = arith.constant 11 : i32
      %dma_wait3A_1043 = arith.constant 0 : i32
      %dma_wait3A_1044 = tpu.memref_slice %arg10[%dma_wait3A_1042, %dma_wait3A_1043] : memref<32x32xf32, #tpu.memory_space<vmem>> -> memref<1x32xf32, #tpu.memory_space<vmem>>
      %dma_wait3A_1045 = arith.constant 0 : i32
      %dma_wait3A_1046 = tpu.memref_slice %arg5[%squeeze3A_305, %dma_wait3A_1045] : memref<1000000x32xf32, #tpu.memory_space<hbm>> -> memref<1x32xf32, #tpu.memory_space<hbm>>
      %dma_wait3A_1047 = arith.constant 11 : i32
      %dma_wait3A_1048 = arith.constant 0 : i32
      %dma_wait3A_1049 = tpu.memref_slice %arg10[%dma_wait3A_1047, %dma_wait3A_1048] : memref<32x32xf32, #tpu.memory_space<vmem>> -> memref<1x32xf32, #tpu.memory_space<vmem>>
      %dma_wait3A_1050 = arith.constant 0 : i32
      %dma_wait3A_1051 = tpu.memref_slice %arg5[%squeeze3A_305, %dma_wait3A_1050] : memref<1000000x32xf32, #tpu.memory_space<hbm>> -> memref<1x32xf32, #tpu.memory_space<hbm>>
      tpu.wait_dma2 semaphore(%arg20 : memref<!tpu.dma_semaphore, #tpu.memory_space<semaphore_mem>>) src(%dma_wait3A_1051 : memref<1x32xf32, #tpu.memory_space<hbm>>) dst(%dma_wait3A_1049 : memref<1x32xf32, #tpu.memory_space<vmem>>)
      %dma_wait3A_1052 = arith.constant 12 : i32
      %dma_wait3A_1053 = arith.constant 0 : i32
      %dma_wait3A_1054 = tpu.memref_slice %arg9[%dma_wait3A_1052, %dma_wait3A_1053] : memref<32x32xf32, #tpu.memory_space<vmem>> -> memref<1x32xf32, #tpu.memory_space<vmem>>
      %dma_wait3A_1055 = arith.constant 0 : i32
      %dma_wait3A_1056 = tpu.memref_slice %arg4[%squeeze3A_317, %dma_wait3A_1055] : memref<1000000x32xf32, #tpu.memory_space<hbm>> -> memref<1x32xf32, #tpu.memory_space<hbm>>
      %dma_wait3A_1057 = arith.constant 12 : i32
      %dma_wait3A_1058 = arith.constant 0 : i32
      %dma_wait3A_1059 = tpu.memref_slice %arg9[%dma_wait3A_1057, %dma_wait3A_1058] : memref<32x32xf32, #tpu.memory_space<vmem>> -> memref<1x32xf32, #tpu.memory_space<vmem>>
      %dma_wait3A_1060 = arith.constant 0 : i32
      %dma_wait3A_1061 = tpu.memref_slice %arg4[%squeeze3A_317, %dma_wait3A_1060] : memref<1000000x32xf32, #tpu.memory_space<hbm>> -> memref<1x32xf32, #tpu.memory_space<hbm>>
      tpu.wait_dma2 semaphore(%arg13 : memref<!tpu.dma_semaphore, #tpu.memory_space<semaphore_mem>>) src(%dma_wait3A_1061 : memref<1x32xf32, #tpu.memory_space<hbm>>) dst(%dma_wait3A_1059 : memref<1x32xf32, #tpu.memory_space<vmem>>)
      %dma_wait3A_1062 = arith.constant 12 : i32
      %dma_wait3A_1063 = arith.constant 0 : i32
      %dma_wait3A_1064 = tpu.memref_slice %arg10[%dma_wait3A_1062, %dma_wait3A_1063] : memref<32x32xf32, #tpu.memory_space<vmem>> -> memref<1x32xf32, #tpu.memory_space<vmem>>
      %dma_wait3A_1065 = arith.constant 0 : i32
      %dma_wait3A_1066 = tpu.memref_slice %arg5[%squeeze3A_329, %dma_wait3A_1065] : memref<1000000x32xf32, #tpu.memory_space<hbm>> -> memref<1x32xf32, #tpu.memory_space<hbm>>
      %dma_wait3A_1067 = arith.constant 12 : i32
      %dma_wait3A_1068 = arith.constant 0 : i32
      %dma_wait3A_1069 = tpu.memref_slice %arg10[%dma_wait3A_1067, %dma_wait3A_1068] : memref<32x32xf32, #tpu.memory_space<vmem>> -> memref<1x32xf32, #tpu.memory_space<vmem>>
      %dma_wait3A_1070 = arith.constant 0 : i32
      %dma_wait3A_1071 = tpu.memref_slice %arg5[%squeeze3A_329, %dma_wait3A_1070] : memref<1000000x32xf32, #tpu.memory_space<hbm>> -> memref<1x32xf32, #tpu.memory_space<hbm>>
      tpu.wait_dma2 semaphore(%arg14 : memref<!tpu.dma_semaphore, #tpu.memory_space<semaphore_mem>>) src(%dma_wait3A_1071 : memref<1x32xf32, #tpu.memory_space<hbm>>) dst(%dma_wait3A_1069 : memref<1x32xf32, #tpu.memory_space<vmem>>)
      %dma_wait3A_1072 = arith.constant 13 : i32
      %dma_wait3A_1073 = arith.constant 0 : i32
      %dma_wait3A_1074 = tpu.memref_slice %arg9[%dma_wait3A_1072, %dma_wait3A_1073] : memref<32x32xf32, #tpu.memory_space<vmem>> -> memref<1x32xf32, #tpu.memory_space<vmem>>
      %dma_wait3A_1075 = arith.constant 0 : i32
      %dma_wait3A_1076 = tpu.memref_slice %arg4[%squeeze3A_341, %dma_wait3A_1075] : memref<1000000x32xf32, #tpu.memory_space<hbm>> -> memref<1x32xf32, #tpu.memory_space<hbm>>
      %dma_wait3A_1077 = arith.constant 13 : i32
      %dma_wait3A_1078 = arith.constant 0 : i32
      %dma_wait3A_1079 = tpu.memref_slice %arg9[%dma_wait3A_1077, %dma_wait3A_1078] : memref<32x32xf32, #tpu.memory_space<vmem>> -> memref<1x32xf32, #tpu.memory_space<vmem>>
      %dma_wait3A_1080 = arith.constant 0 : i32
      %dma_wait3A_1081 = tpu.memref_slice %arg4[%squeeze3A_341, %dma_wait3A_1080] : memref<1000000x32xf32, #tpu.memory_space<hbm>> -> memref<1x32xf32, #tpu.memory_space<hbm>>
      tpu.wait_dma2 semaphore(%arg15 : memref<!tpu.dma_semaphore, #tpu.memory_space<semaphore_mem>>) src(%dma_wait3A_1081 : memref<1x32xf32, #tpu.memory_space<hbm>>) dst(%dma_wait3A_1079 : memref<1x32xf32, #tpu.memory_space<vmem>>)
      %dma_wait3A_1082 = arith.constant 13 : i32
      %dma_wait3A_1083 = arith.constant 0 : i32
      %dma_wait3A_1084 = tpu.memref_slice %arg10[%dma_wait3A_1082, %dma_wait3A_1083] : memref<32x32xf32, #tpu.memory_space<vmem>> -> memref<1x32xf32, #tpu.memory_space<vmem>>
      %dma_wait3A_1085 = arith.constant 0 : i32
      %dma_wait3A_1086 = tpu.memref_slice %arg5[%squeeze3A_353, %dma_wait3A_1085] : memref<1000000x32xf32, #tpu.memory_space<hbm>> -> memref<1x32xf32, #tpu.memory_space<hbm>>
      %dma_wait3A_1087 = arith.constant 13 : i32
      %dma_wait3A_1088 = arith.constant 0 : i32
      %dma_wait3A_1089 = tpu.memref_slice %arg10[%dma_wait3A_1087, %dma_wait3A_1088] : memref<32x32xf32, #tpu.memory_space<vmem>> -> memref<1x32xf32, #tpu.memory_space<vmem>>
      %dma_wait3A_1090 = arith.constant 0 : i32
      %dma_wait3A_1091 = tpu.memref_slice %arg5[%squeeze3A_353, %dma_wait3A_1090] : memref<1000000x32xf32, #tpu.memory_space<hbm>> -> memref<1x32xf32, #tpu.memory_space<hbm>>
      tpu.wait_dma2 semaphore(%arg16 : memref<!tpu.dma_semaphore, #tpu.memory_space<semaphore_mem>>) src(%dma_wait3A_1091 : memref<1x32xf32, #tpu.memory_space<hbm>>) dst(%dma_wait3A_1089 : memref<1x32xf32, #tpu.memory_space<vmem>>)
      %dma_wait3A_1092 = arith.constant 14 : i32
      %dma_wait3A_1093 = arith.constant 0 : i32
      %dma_wait3A_1094 = tpu.memref_slice %arg9[%dma_wait3A_1092, %dma_wait3A_1093] : memref<32x32xf32, #tpu.memory_space<vmem>> -> memref<1x32xf32, #tpu.memory_space<vmem>>
      %dma_wait3A_1095 = arith.constant 0 : i32
      %dma_wait3A_1096 = tpu.memref_slice %arg4[%squeeze3A_365, %dma_wait3A_1095] : memref<1000000x32xf32, #tpu.memory_space<hbm>> -> memref<1x32xf32, #tpu.memory_space<hbm>>
      %dma_wait3A_1097 = arith.constant 14 : i32
      %dma_wait3A_1098 = arith.constant 0 : i32
      %dma_wait3A_1099 = tpu.memref_slice %arg9[%dma_wait3A_1097, %dma_wait3A_1098] : memref<32x32xf32, #tpu.memory_space<vmem>> -> memref<1x32xf32, #tpu.memory_space<vmem>>
      %dma_wait3A_1100 = arith.constant 0 : i32
      %dma_wait3A_1101 = tpu.memref_slice %arg4[%squeeze3A_365, %dma_wait3A_1100] : memref<1000000x32xf32, #tpu.memory_space<hbm>> -> memref<1x32xf32, #tpu.memory_space<hbm>>
      tpu.wait_dma2 semaphore(%arg17 : memref<!tpu.dma_semaphore, #tpu.memory_space<semaphore_mem>>) src(%dma_wait3A_1101 : memref<1x32xf32, #tpu.memory_space<hbm>>) dst(%dma_wait3A_1099 : memref<1x32xf32, #tpu.memory_space<vmem>>)
      %dma_wait3A_1102 = arith.constant 14 : i32
      %dma_wait3A_1103 = arith.constant 0 : i32
      %dma_wait3A_1104 = tpu.memref_slice %arg10[%dma_wait3A_1102, %dma_wait3A_1103] : memref<32x32xf32, #tpu.memory_space<vmem>> -> memref<1x32xf32, #tpu.memory_space<vmem>>
      %dma_wait3A_1105 = arith.constant 0 : i32
      %dma_wait3A_1106 = tpu.memref_slice %arg5[%squeeze3A_377, %dma_wait3A_1105] : memref<1000000x32xf32, #tpu.memory_space<hbm>> -> memref<1x32xf32, #tpu.memory_space<hbm>>
      %dma_wait3A_1107 = arith.constant 14 : i32
      %dma_wait3A_1108 = arith.constant 0 : i32
      %dma_wait3A_1109 = tpu.memref_slice %arg10[%dma_wait3A_1107, %dma_wait3A_1108] : memref<32x32xf32, #tpu.memory_space<vmem>> -> memref<1x32xf32, #tpu.memory_space<vmem>>
      %dma_wait3A_1110 = arith.constant 0 : i32
      %dma_wait3A_1111 = tpu.memref_slice %arg5[%squeeze3A_377, %dma_wait3A_1110] : memref<1000000x32xf32, #tpu.memory_space<hbm>> -> memref<1x32xf32, #tpu.memory_space<hbm>>
      tpu.wait_dma2 semaphore(%arg18 : memref<!tpu.dma_semaphore, #tpu.memory_space<semaphore_mem>>) src(%dma_wait3A_1111 : memref<1x32xf32, #tpu.memory_space<hbm>>) dst(%dma_wait3A_1109 : memref<1x32xf32, #tpu.memory_space<vmem>>)
      %dma_wait3A_1112 = arith.constant 15 : i32
      %dma_wait3A_1113 = arith.constant 0 : i32
      %dma_wait3A_1114 = tpu.memref_slice %arg9[%dma_wait3A_1112, %dma_wait3A_1113] : memref<32x32xf32, #tpu.memory_space<vmem>> -> memref<1x32xf32, #tpu.memory_space<vmem>>
      %dma_wait3A_1115 = arith.constant 0 : i32
      %dma_wait3A_1116 = tpu.memref_slice %arg4[%squeeze3A_389, %dma_wait3A_1115] : memref<1000000x32xf32, #tpu.memory_space<hbm>> -> memref<1x32xf32, #tpu.memory_space<hbm>>
      %dma_wait3A_1117 = arith.constant 15 : i32
      %dma_wait3A_1118 = arith.constant 0 : i32
      %dma_wait3A_1119 = tpu.memref_slice %arg9[%dma_wait3A_1117, %dma_wait3A_1118] : memref<32x32xf32, #tpu.memory_space<vmem>> -> memref<1x32xf32, #tpu.memory_space<vmem>>
      %dma_wait3A_1120 = arith.constant 0 : i32
      %dma_wait3A_1121 = tpu.memref_slice %arg4[%squeeze3A_389, %dma_wait3A_1120] : memref<1000000x32xf32, #tpu.memory_space<hbm>> -> memref<1x32xf32, #tpu.memory_space<hbm>>
      tpu.wait_dma2 semaphore(%arg19 : memref<!tpu.dma_semaphore, #tpu.memory_space<semaphore_mem>>) src(%dma_wait3A_1121 : memref<1x32xf32, #tpu.memory_space<hbm>>) dst(%dma_wait3A_1119 : memref<1x32xf32, #tpu.memory_space<vmem>>)
      %dma_wait3A_1122 = arith.constant 15 : i32
      %dma_wait3A_1123 = arith.constant 0 : i32
      %dma_wait3A_1124 = tpu.memref_slice %arg10[%dma_wait3A_1122, %dma_wait3A_1123] : memref<32x32xf32, #tpu.memory_space<vmem>> -> memref<1x32xf32, #tpu.memory_space<vmem>>
      %dma_wait3A_1125 = arith.constant 0 : i32
      %dma_wait3A_1126 = tpu.memref_slice %arg5[%squeeze3A_401, %dma_wait3A_1125] : memref<1000000x32xf32, #tpu.memory_space<hbm>> -> memref<1x32xf32, #tpu.memory_space<hbm>>
      %dma_wait3A_1127 = arith.constant 15 : i32
      %dma_wait3A_1128 = arith.constant 0 : i32
      %dma_wait3A_1129 = tpu.memref_slice %arg10[%dma_wait3A_1127, %dma_wait3A_1128] : memref<32x32xf32, #tpu.memory_space<vmem>> -> memref<1x32xf32, #tpu.memory_space<vmem>>
      %dma_wait3A_1130 = arith.constant 0 : i32
      %dma_wait3A_1131 = tpu.memref_slice %arg5[%squeeze3A_401, %dma_wait3A_1130] : memref<1000000x32xf32, #tpu.memory_space<hbm>> -> memref<1x32xf32, #tpu.memory_space<hbm>>
      tpu.wait_dma2 semaphore(%arg20 : memref<!tpu.dma_semaphore, #tpu.memory_space<semaphore_mem>>) src(%dma_wait3A_1131 : memref<1x32xf32, #tpu.memory_space<hbm>>) dst(%dma_wait3A_1129 : memref<1x32xf32, #tpu.memory_space<vmem>>)
      %dma_wait3A_1132 = arith.constant 16 : i32
      %dma_wait3A_1133 = arith.constant 0 : i32
      %dma_wait3A_1134 = tpu.memref_slice %arg9[%dma_wait3A_1132, %dma_wait3A_1133] : memref<32x32xf32, #tpu.memory_space<vmem>> -> memref<1x32xf32, #tpu.memory_space<vmem>>
      %dma_wait3A_1135 = arith.constant 0 : i32
      %dma_wait3A_1136 = tpu.memref_slice %arg4[%squeeze3A_429, %dma_wait3A_1135] : memref<1000000x32xf32, #tpu.memory_space<hbm>> -> memref<1x32xf32, #tpu.memory_space<hbm>>
      %dma_wait3A_1137 = arith.constant 16 : i32
      %dma_wait3A_1138 = arith.constant 0 : i32
      %dma_wait3A_1139 = tpu.memref_slice %arg9[%dma_wait3A_1137, %dma_wait3A_1138] : memref<32x32xf32, #tpu.memory_space<vmem>> -> memref<1x32xf32, #tpu.memory_space<vmem>>
      %dma_wait3A_1140 = arith.constant 0 : i32
      %dma_wait3A_1141 = tpu.memref_slice %arg4[%squeeze3A_429, %dma_wait3A_1140] : memref<1000000x32xf32, #tpu.memory_space<hbm>> -> memref<1x32xf32, #tpu.memory_space<hbm>>
      tpu.wait_dma2 semaphore(%arg13 : memref<!tpu.dma_semaphore, #tpu.memory_space<semaphore_mem>>) src(%dma_wait3A_1141 : memref<1x32xf32, #tpu.memory_space<hbm>>) dst(%dma_wait3A_1139 : memref<1x32xf32, #tpu.memory_space<vmem>>)
      %dma_wait3A_1142 = arith.constant 16 : i32
      %dma_wait3A_1143 = arith.constant 0 : i32
      %dma_wait3A_1144 = tpu.memref_slice %arg10[%dma_wait3A_1142, %dma_wait3A_1143] : memref<32x32xf32, #tpu.memory_space<vmem>> -> memref<1x32xf32, #tpu.memory_space<vmem>>
      %dma_wait3A_1145 = arith.constant 0 : i32
      %dma_wait3A_1146 = tpu.memref_slice %arg5[%squeeze3A_441, %dma_wait3A_1145] : memref<1000000x32xf32, #tpu.memory_space<hbm>> -> memref<1x32xf32, #tpu.memory_space<hbm>>
      %dma_wait3A_1147 = arith.constant 16 : i32
      %dma_wait3A_1148 = arith.constant 0 : i32
      %dma_wait3A_1149 = tpu.memref_slice %arg10[%dma_wait3A_1147, %dma_wait3A_1148] : memref<32x32xf32, #tpu.memory_space<vmem>> -> memref<1x32xf32, #tpu.memory_space<vmem>>
      %dma_wait3A_1150 = arith.constant 0 : i32
      %dma_wait3A_1151 = tpu.memref_slice %arg5[%squeeze3A_441, %dma_wait3A_1150] : memref<1000000x32xf32, #tpu.memory_space<hbm>> -> memref<1x32xf32, #tpu.memory_space<hbm>>
      tpu.wait_dma2 semaphore(%arg14 : memref<!tpu.dma_semaphore, #tpu.memory_space<semaphore_mem>>) src(%dma_wait3A_1151 : memref<1x32xf32, #tpu.memory_space<hbm>>) dst(%dma_wait3A_1149 : memref<1x32xf32, #tpu.memory_space<vmem>>)
      %dma_wait3A_1152 = arith.constant 17 : i32
      %dma_wait3A_1153 = arith.constant 0 : i32
      %dma_wait3A_1154 = tpu.memref_slice %arg9[%dma_wait3A_1152, %dma_wait3A_1153] : memref<32x32xf32, #tpu.memory_space<vmem>> -> memref<1x32xf32, #tpu.memory_space<vmem>>
      %dma_wait3A_1155 = arith.constant 0 : i32
      %dma_wait3A_1156 = tpu.memref_slice %arg4[%squeeze3A_453, %dma_wait3A_1155] : memref<1000000x32xf32, #tpu.memory_space<hbm>> -> memref<1x32xf32, #tpu.memory_space<hbm>>
      %dma_wait3A_1157 = arith.constant 17 : i32
      %dma_wait3A_1158 = arith.constant 0 : i32
      %dma_wait3A_1159 = tpu.memref_slice %arg9[%dma_wait3A_1157, %dma_wait3A_1158] : memref<32x32xf32, #tpu.memory_space<vmem>> -> memref<1x32xf32, #tpu.memory_space<vmem>>
      %dma_wait3A_1160 = arith.constant 0 : i32
      %dma_wait3A_1161 = tpu.memref_slice %arg4[%squeeze3A_453, %dma_wait3A_1160] : memref<1000000x32xf32, #tpu.memory_space<hbm>> -> memref<1x32xf32, #tpu.memory_space<hbm>>
      tpu.wait_dma2 semaphore(%arg15 : memref<!tpu.dma_semaphore, #tpu.memory_space<semaphore_mem>>) src(%dma_wait3A_1161 : memref<1x32xf32, #tpu.memory_space<hbm>>) dst(%dma_wait3A_1159 : memref<1x32xf32, #tpu.memory_space<vmem>>)
      %dma_wait3A_1162 = arith.constant 17 : i32
      %dma_wait3A_1163 = arith.constant 0 : i32
      %dma_wait3A_1164 = tpu.memref_slice %arg10[%dma_wait3A_1162, %dma_wait3A_1163] : memref<32x32xf32, #tpu.memory_space<vmem>> -> memref<1x32xf32, #tpu.memory_space<vmem>>
      %dma_wait3A_1165 = arith.constant 0 : i32
      %dma_wait3A_1166 = tpu.memref_slice %arg5[%squeeze3A_465, %dma_wait3A_1165] : memref<1000000x32xf32, #tpu.memory_space<hbm>> -> memref<1x32xf32, #tpu.memory_space<hbm>>
      %dma_wait3A_1167 = arith.constant 17 : i32
      %dma_wait3A_1168 = arith.constant 0 : i32
      %dma_wait3A_1169 = tpu.memref_slice %arg10[%dma_wait3A_1167, %dma_wait3A_1168] : memref<32x32xf32, #tpu.memory_space<vmem>> -> memref<1x32xf32, #tpu.memory_space<vmem>>
      %dma_wait3A_1170 = arith.constant 0 : i32
      %dma_wait3A_1171 = tpu.memref_slice %arg5[%squeeze3A_465, %dma_wait3A_1170] : memref<1000000x32xf32, #tpu.memory_space<hbm>> -> memref<1x32xf32, #tpu.memory_space<hbm>>
      tpu.wait_dma2 semaphore(%arg16 : memref<!tpu.dma_semaphore, #tpu.memory_space<semaphore_mem>>) src(%dma_wait3A_1171 : memref<1x32xf32, #tpu.memory_space<hbm>>) dst(%dma_wait3A_1169 : memref<1x32xf32, #tpu.memory_space<vmem>>)
      %dma_wait3A_1172 = arith.constant 18 : i32
      %dma_wait3A_1173 = arith.constant 0 : i32
      %dma_wait3A_1174 = tpu.memref_slice %arg9[%dma_wait3A_1172, %dma_wait3A_1173] : memref<32x32xf32, #tpu.memory_space<vmem>> -> memref<1x32xf32, #tpu.memory_space<vmem>>
      %dma_wait3A_1175 = arith.constant 0 : i32
      %dma_wait3A_1176 = tpu.memref_slice %arg4[%squeeze3A_477, %dma_wait3A_1175] : memref<1000000x32xf32, #tpu.memory_space<hbm>> -> memref<1x32xf32, #tpu.memory_space<hbm>>
      %dma_wait3A_1177 = arith.constant 18 : i32
      %dma_wait3A_1178 = arith.constant 0 : i32
      %dma_wait3A_1179 = tpu.memref_slice %arg9[%dma_wait3A_1177, %dma_wait3A_1178] : memref<32x32xf32, #tpu.memory_space<vmem>> -> memref<1x32xf32, #tpu.memory_space<vmem>>
      %dma_wait3A_1180 = arith.constant 0 : i32
      %dma_wait3A_1181 = tpu.memref_slice %arg4[%squeeze3A_477, %dma_wait3A_1180] : memref<1000000x32xf32, #tpu.memory_space<hbm>> -> memref<1x32xf32, #tpu.memory_space<hbm>>
      tpu.wait_dma2 semaphore(%arg17 : memref<!tpu.dma_semaphore, #tpu.memory_space<semaphore_mem>>) src(%dma_wait3A_1181 : memref<1x32xf32, #tpu.memory_space<hbm>>) dst(%dma_wait3A_1179 : memref<1x32xf32, #tpu.memory_space<vmem>>)
      %dma_wait3A_1182 = arith.constant 18 : i32
      %dma_wait3A_1183 = arith.constant 0 : i32
      %dma_wait3A_1184 = tpu.memref_slice %arg10[%dma_wait3A_1182, %dma_wait3A_1183] : memref<32x32xf32, #tpu.memory_space<vmem>> -> memref<1x32xf32, #tpu.memory_space<vmem>>
      %dma_wait3A_1185 = arith.constant 0 : i32
      %dma_wait3A_1186 = tpu.memref_slice %arg5[%squeeze3A_489, %dma_wait3A_1185] : memref<1000000x32xf32, #tpu.memory_space<hbm>> -> memref<1x32xf32, #tpu.memory_space<hbm>>
      %dma_wait3A_1187 = arith.constant 18 : i32
      %dma_wait3A_1188 = arith.constant 0 : i32
      %dma_wait3A_1189 = tpu.memref_slice %arg10[%dma_wait3A_1187, %dma_wait3A_1188] : memref<32x32xf32, #tpu.memory_space<vmem>> -> memref<1x32xf32, #tpu.memory_space<vmem>>
      %dma_wait3A_1190 = arith.constant 0 : i32
      %dma_wait3A_1191 = tpu.memref_slice %arg5[%squeeze3A_489, %dma_wait3A_1190] : memref<1000000x32xf32, #tpu.memory_space<hbm>> -> memref<1x32xf32, #tpu.memory_space<hbm>>
      tpu.wait_dma2 semaphore(%arg18 : memref<!tpu.dma_semaphore, #tpu.memory_space<semaphore_mem>>) src(%dma_wait3A_1191 : memref<1x32xf32, #tpu.memory_space<hbm>>) dst(%dma_wait3A_1189 : memref<1x32xf32, #tpu.memory_space<vmem>>)
      %dma_wait3A_1192 = arith.constant 19 : i32
      %dma_wait3A_1193 = arith.constant 0 : i32
      %dma_wait3A_1194 = tpu.memref_slice %arg9[%dma_wait3A_1192, %dma_wait3A_1193] : memref<32x32xf32, #tpu.memory_space<vmem>> -> memref<1x32xf32, #tpu.memory_space<vmem>>
      %dma_wait3A_1195 = arith.constant 0 : i32
      %dma_wait3A_1196 = tpu.memref_slice %arg4[%squeeze3A_501, %dma_wait3A_1195] : memref<1000000x32xf32, #tpu.memory_space<hbm>> -> memref<1x32xf32, #tpu.memory_space<hbm>>
      %dma_wait3A_1197 = arith.constant 19 : i32
      %dma_wait3A_1198 = arith.constant 0 : i32
      %dma_wait3A_1199 = tpu.memref_slice %arg9[%dma_wait3A_1197, %dma_wait3A_1198] : memref<32x32xf32, #tpu.memory_space<vmem>> -> memref<1x32xf32, #tpu.memory_space<vmem>>
      %dma_wait3A_1200 = arith.constant 0 : i32
      %dma_wait3A_1201 = tpu.memref_slice %arg4[%squeeze3A_501, %dma_wait3A_1200] : memref<1000000x32xf32, #tpu.memory_space<hbm>> -> memref<1x32xf32, #tpu.memory_space<hbm>>
      tpu.wait_dma2 semaphore(%arg19 : memref<!tpu.dma_semaphore, #tpu.memory_space<semaphore_mem>>) src(%dma_wait3A_1201 : memref<1x32xf32, #tpu.memory_space<hbm>>) dst(%dma_wait3A_1199 : memref<1x32xf32, #tpu.memory_space<vmem>>)
      %dma_wait3A_1202 = arith.constant 19 : i32
      %dma_wait3A_1203 = arith.constant 0 : i32
      %dma_wait3A_1204 = tpu.memref_slice %arg10[%dma_wait3A_1202, %dma_wait3A_1203] : memref<32x32xf32, #tpu.memory_space<vmem>> -> memref<1x32xf32, #tpu.memory_space<vmem>>
      %dma_wait3A_1205 = arith.constant 0 : i32
      %dma_wait3A_1206 = tpu.memref_slice %arg5[%squeeze3A_513, %dma_wait3A_1205] : memref<1000000x32xf32, #tpu.memory_space<hbm>> -> memref<1x32xf32, #tpu.memory_space<hbm>>
      %dma_wait3A_1207 = arith.constant 19 : i32
      %dma_wait3A_1208 = arith.constant 0 : i32
      %dma_wait3A_1209 = tpu.memref_slice %arg10[%dma_wait3A_1207, %dma_wait3A_1208] : memref<32x32xf32, #tpu.memory_space<vmem>> -> memref<1x32xf32, #tpu.memory_space<vmem>>
      %dma_wait3A_1210 = arith.constant 0 : i32
      %dma_wait3A_1211 = tpu.memref_slice %arg5[%squeeze3A_513, %dma_wait3A_1210] : memref<1000000x32xf32, #tpu.memory_space<hbm>> -> memref<1x32xf32, #tpu.memory_space<hbm>>
      tpu.wait_dma2 semaphore(%arg20 : memref<!tpu.dma_semaphore, #tpu.memory_space<semaphore_mem>>) src(%dma_wait3A_1211 : memref<1x32xf32, #tpu.memory_space<hbm>>) dst(%dma_wait3A_1209 : memref<1x32xf32, #tpu.memory_space<vmem>>)
      %dma_wait3A_1212 = arith.constant 20 : i32
      %dma_wait3A_1213 = arith.constant 0 : i32
      %dma_wait3A_1214 = tpu.memref_slice %arg9[%dma_wait3A_1212, %dma_wait3A_1213] : memref<32x32xf32, #tpu.memory_space<vmem>> -> memref<1x32xf32, #tpu.memory_space<vmem>>
      %dma_wait3A_1215 = arith.constant 0 : i32
      %dma_wait3A_1216 = tpu.memref_slice %arg4[%squeeze3A_525, %dma_wait3A_1215] : memref<1000000x32xf32, #tpu.memory_space<hbm>> -> memref<1x32xf32, #tpu.memory_space<hbm>>
      %dma_wait3A_1217 = arith.constant 20 : i32
      %dma_wait3A_1218 = arith.constant 0 : i32
      %dma_wait3A_1219 = tpu.memref_slice %arg9[%dma_wait3A_1217, %dma_wait3A_1218] : memref<32x32xf32, #tpu.memory_space<vmem>> -> memref<1x32xf32, #tpu.memory_space<vmem>>
      %dma_wait3A_1220 = arith.constant 0 : i32
      %dma_wait3A_1221 = tpu.memref_slice %arg4[%squeeze3A_525, %dma_wait3A_1220] : memref<1000000x32xf32, #tpu.memory_space<hbm>> -> memref<1x32xf32, #tpu.memory_space<hbm>>
      tpu.wait_dma2 semaphore(%arg13 : memref<!tpu.dma_semaphore, #tpu.memory_space<semaphore_mem>>) src(%dma_wait3A_1221 : memref<1x32xf32, #tpu.memory_space<hbm>>) dst(%dma_wait3A_1219 : memref<1x32xf32, #tpu.memory_space<vmem>>)
      %dma_wait3A_1222 = arith.constant 20 : i32
      %dma_wait3A_1223 = arith.constant 0 : i32
      %dma_wait3A_1224 = tpu.memref_slice %arg10[%dma_wait3A_1222, %dma_wait3A_1223] : memref<32x32xf32, #tpu.memory_space<vmem>> -> memref<1x32xf32, #tpu.memory_space<vmem>>
      %dma_wait3A_1225 = arith.constant 0 : i32
      %dma_wait3A_1226 = tpu.memref_slice %arg5[%squeeze3A_537, %dma_wait3A_1225] : memref<1000000x32xf32, #tpu.memory_space<hbm>> -> memref<1x32xf32, #tpu.memory_space<hbm>>
      %dma_wait3A_1227 = arith.constant 20 : i32
      %dma_wait3A_1228 = arith.constant 0 : i32
      %dma_wait3A_1229 = tpu.memref_slice %arg10[%dma_wait3A_1227, %dma_wait3A_1228] : memref<32x32xf32, #tpu.memory_space<vmem>> -> memref<1x32xf32, #tpu.memory_space<vmem>>
      %dma_wait3A_1230 = arith.constant 0 : i32
      %dma_wait3A_1231 = tpu.memref_slice %arg5[%squeeze3A_537, %dma_wait3A_1230] : memref<1000000x32xf32, #tpu.memory_space<hbm>> -> memref<1x32xf32, #tpu.memory_space<hbm>>
      tpu.wait_dma2 semaphore(%arg14 : memref<!tpu.dma_semaphore, #tpu.memory_space<semaphore_mem>>) src(%dma_wait3A_1231 : memref<1x32xf32, #tpu.memory_space<hbm>>) dst(%dma_wait3A_1229 : memref<1x32xf32, #tpu.memory_space<vmem>>)
      %dma_wait3A_1232 = arith.constant 21 : i32
      %dma_wait3A_1233 = arith.constant 0 : i32
      %dma_wait3A_1234 = tpu.memref_slice %arg9[%dma_wait3A_1232, %dma_wait3A_1233] : memref<32x32xf32, #tpu.memory_space<vmem>> -> memref<1x32xf32, #tpu.memory_space<vmem>>
      %dma_wait3A_1235 = arith.constant 0 : i32
      %dma_wait3A_1236 = tpu.memref_slice %arg4[%squeeze3A_549, %dma_wait3A_1235] : memref<1000000x32xf32, #tpu.memory_space<hbm>> -> memref<1x32xf32, #tpu.memory_space<hbm>>
      %dma_wait3A_1237 = arith.constant 21 : i32
      %dma_wait3A_1238 = arith.constant 0 : i32
      %dma_wait3A_1239 = tpu.memref_slice %arg9[%dma_wait3A_1237, %dma_wait3A_1238] : memref<32x32xf32, #tpu.memory_space<vmem>> -> memref<1x32xf32, #tpu.memory_space<vmem>>
      %dma_wait3A_1240 = arith.constant 0 : i32
      %dma_wait3A_1241 = tpu.memref_slice %arg4[%squeeze3A_549, %dma_wait3A_1240] : memref<1000000x32xf32, #tpu.memory_space<hbm>> -> memref<1x32xf32, #tpu.memory_space<hbm>>
      tpu.wait_dma2 semaphore(%arg15 : memref<!tpu.dma_semaphore, #tpu.memory_space<semaphore_mem>>) src(%dma_wait3A_1241 : memref<1x32xf32, #tpu.memory_space<hbm>>) dst(%dma_wait3A_1239 : memref<1x32xf32, #tpu.memory_space<vmem>>)
      %dma_wait3A_1242 = arith.constant 21 : i32
      %dma_wait3A_1243 = arith.constant 0 : i32
      %dma_wait3A_1244 = tpu.memref_slice %arg10[%dma_wait3A_1242, %dma_wait3A_1243] : memref<32x32xf32, #tpu.memory_space<vmem>> -> memref<1x32xf32, #tpu.memory_space<vmem>>
      %dma_wait3A_1245 = arith.constant 0 : i32
      %dma_wait3A_1246 = tpu.memref_slice %arg5[%squeeze3A_561, %dma_wait3A_1245] : memref<1000000x32xf32, #tpu.memory_space<hbm>> -> memref<1x32xf32, #tpu.memory_space<hbm>>
      %dma_wait3A_1247 = arith.constant 21 : i32
      %dma_wait3A_1248 = arith.constant 0 : i32
      %dma_wait3A_1249 = tpu.memref_slice %arg10[%dma_wait3A_1247, %dma_wait3A_1248] : memref<32x32xf32, #tpu.memory_space<vmem>> -> memref<1x32xf32, #tpu.memory_space<vmem>>
      %dma_wait3A_1250 = arith.constant 0 : i32
      %dma_wait3A_1251 = tpu.memref_slice %arg5[%squeeze3A_561, %dma_wait3A_1250] : memref<1000000x32xf32, #tpu.memory_space<hbm>> -> memref<1x32xf32, #tpu.memory_space<hbm>>
      tpu.wait_dma2 semaphore(%arg16 : memref<!tpu.dma_semaphore, #tpu.memory_space<semaphore_mem>>) src(%dma_wait3A_1251 : memref<1x32xf32, #tpu.memory_space<hbm>>) dst(%dma_wait3A_1249 : memref<1x32xf32, #tpu.memory_space<vmem>>)
      %dma_wait3A_1252 = arith.constant 22 : i32
      %dma_wait3A_1253 = arith.constant 0 : i32
      %dma_wait3A_1254 = tpu.memref_slice %arg9[%dma_wait3A_1252, %dma_wait3A_1253] : memref<32x32xf32, #tpu.memory_space<vmem>> -> memref<1x32xf32, #tpu.memory_space<vmem>>
      %dma_wait3A_1255 = arith.constant 0 : i32
      %dma_wait3A_1256 = tpu.memref_slice %arg4[%squeeze3A_573, %dma_wait3A_1255] : memref<1000000x32xf32, #tpu.memory_space<hbm>> -> memref<1x32xf32, #tpu.memory_space<hbm>>
      %dma_wait3A_1257 = arith.constant 22 : i32
      %dma_wait3A_1258 = arith.constant 0 : i32
      %dma_wait3A_1259 = tpu.memref_slice %arg9[%dma_wait3A_1257, %dma_wait3A_1258] : memref<32x32xf32, #tpu.memory_space<vmem>> -> memref<1x32xf32, #tpu.memory_space<vmem>>
      %dma_wait3A_1260 = arith.constant 0 : i32
      %dma_wait3A_1261 = tpu.memref_slice %arg4[%squeeze3A_573, %dma_wait3A_1260] : memref<1000000x32xf32, #tpu.memory_space<hbm>> -> memref<1x32xf32, #tpu.memory_space<hbm>>
      tpu.wait_dma2 semaphore(%arg17 : memref<!tpu.dma_semaphore, #tpu.memory_space<semaphore_mem>>) src(%dma_wait3A_1261 : memref<1x32xf32, #tpu.memory_space<hbm>>) dst(%dma_wait3A_1259 : memref<1x32xf32, #tpu.memory_space<vmem>>)
      %dma_wait3A_1262 = arith.constant 22 : i32
      %dma_wait3A_1263 = arith.constant 0 : i32
      %dma_wait3A_1264 = tpu.memref_slice %arg10[%dma_wait3A_1262, %dma_wait3A_1263] : memref<32x32xf32, #tpu.memory_space<vmem>> -> memref<1x32xf32, #tpu.memory_space<vmem>>
      %dma_wait3A_1265 = arith.constant 0 : i32
      %dma_wait3A_1266 = tpu.memref_slice %arg5[%squeeze3A_585, %dma_wait3A_1265] : memref<1000000x32xf32, #tpu.memory_space<hbm>> -> memref<1x32xf32, #tpu.memory_space<hbm>>
      %dma_wait3A_1267 = arith.constant 22 : i32
      %dma_wait3A_1268 = arith.constant 0 : i32
      %dma_wait3A_1269 = tpu.memref_slice %arg10[%dma_wait3A_1267, %dma_wait3A_1268] : memref<32x32xf32, #tpu.memory_space<vmem>> -> memref<1x32xf32, #tpu.memory_space<vmem>>
      %dma_wait3A_1270 = arith.constant 0 : i32
      %dma_wait3A_1271 = tpu.memref_slice %arg5[%squeeze3A_585, %dma_wait3A_1270] : memref<1000000x32xf32, #tpu.memory_space<hbm>> -> memref<1x32xf32, #tpu.memory_space<hbm>>
      tpu.wait_dma2 semaphore(%arg18 : memref<!tpu.dma_semaphore, #tpu.memory_space<semaphore_mem>>) src(%dma_wait3A_1271 : memref<1x32xf32, #tpu.memory_space<hbm>>) dst(%dma_wait3A_1269 : memref<1x32xf32, #tpu.memory_space<vmem>>)
      %dma_wait3A_1272 = arith.constant 23 : i32
      %dma_wait3A_1273 = arith.constant 0 : i32
      %dma_wait3A_1274 = tpu.memref_slice %arg9[%dma_wait3A_1272, %dma_wait3A_1273] : memref<32x32xf32, #tpu.memory_space<vmem>> -> memref<1x32xf32, #tpu.memory_space<vmem>>
      %dma_wait3A_1275 = arith.constant 0 : i32
      %dma_wait3A_1276 = tpu.memref_slice %arg4[%squeeze3A_597, %dma_wait3A_1275] : memref<1000000x32xf32, #tpu.memory_space<hbm>> -> memref<1x32xf32, #tpu.memory_space<hbm>>
      %dma_wait3A_1277 = arith.constant 23 : i32
      %dma_wait3A_1278 = arith.constant 0 : i32
      %dma_wait3A_1279 = tpu.memref_slice %arg9[%dma_wait3A_1277, %dma_wait3A_1278] : memref<32x32xf32, #tpu.memory_space<vmem>> -> memref<1x32xf32, #tpu.memory_space<vmem>>
      %dma_wait3A_1280 = arith.constant 0 : i32
      %dma_wait3A_1281 = tpu.memref_slice %arg4[%squeeze3A_597, %dma_wait3A_1280] : memref<1000000x32xf32, #tpu.memory_space<hbm>> -> memref<1x32xf32, #tpu.memory_space<hbm>>
      tpu.wait_dma2 semaphore(%arg19 : memref<!tpu.dma_semaphore, #tpu.memory_space<semaphore_mem>>) src(%dma_wait3A_1281 : memref<1x32xf32, #tpu.memory_space<hbm>>) dst(%dma_wait3A_1279 : memref<1x32xf32, #tpu.memory_space<vmem>>)
      %dma_wait3A_1282 = arith.constant 23 : i32
      %dma_wait3A_1283 = arith.constant 0 : i32
      %dma_wait3A_1284 = tpu.memref_slice %arg10[%dma_wait3A_1282, %dma_wait3A_1283] : memref<32x32xf32, #tpu.memory_space<vmem>> -> memref<1x32xf32, #tpu.memory_space<vmem>>
      %dma_wait3A_1285 = arith.constant 0 : i32
      %dma_wait3A_1286 = tpu.memref_slice %arg5[%squeeze3A_609, %dma_wait3A_1285] : memref<1000000x32xf32, #tpu.memory_space<hbm>> -> memref<1x32xf32, #tpu.memory_space<hbm>>
      %dma_wait3A_1287 = arith.constant 23 : i32
      %dma_wait3A_1288 = arith.constant 0 : i32
      %dma_wait3A_1289 = tpu.memref_slice %arg10[%dma_wait3A_1287, %dma_wait3A_1288] : memref<32x32xf32, #tpu.memory_space<vmem>> -> memref<1x32xf32, #tpu.memory_space<vmem>>
      %dma_wait3A_1290 = arith.constant 0 : i32
      %dma_wait3A_1291 = tpu.memref_slice %arg5[%squeeze3A_609, %dma_wait3A_1290] : memref<1000000x32xf32, #tpu.memory_space<hbm>> -> memref<1x32xf32, #tpu.memory_space<hbm>>
      tpu.wait_dma2 semaphore(%arg20 : memref<!tpu.dma_semaphore, #tpu.memory_space<semaphore_mem>>) src(%dma_wait3A_1291 : memref<1x32xf32, #tpu.memory_space<hbm>>) dst(%dma_wait3A_1289 : memref<1x32xf32, #tpu.memory_space<vmem>>)
      %dma_wait3A_1292 = arith.constant 24 : i32
      %dma_wait3A_1293 = arith.constant 0 : i32
      %dma_wait3A_1294 = tpu.memref_slice %arg9[%dma_wait3A_1292, %dma_wait3A_1293] : memref<32x32xf32, #tpu.memory_space<vmem>> -> memref<1x32xf32, #tpu.memory_space<vmem>>
      %dma_wait3A_1295 = arith.constant 0 : i32
      %dma_wait3A_1296 = tpu.memref_slice %arg4[%squeeze3A_621, %dma_wait3A_1295] : memref<1000000x32xf32, #tpu.memory_space<hbm>> -> memref<1x32xf32, #tpu.memory_space<hbm>>
      %dma_wait3A_1297 = arith.constant 24 : i32
      %dma_wait3A_1298 = arith.constant 0 : i32
      %dma_wait3A_1299 = tpu.memref_slice %arg9[%dma_wait3A_1297, %dma_wait3A_1298] : memref<32x32xf32, #tpu.memory_space<vmem>> -> memref<1x32xf32, #tpu.memory_space<vmem>>
      %dma_wait3A_1300 = arith.constant 0 : i32
      %dma_wait3A_1301 = tpu.memref_slice %arg4[%squeeze3A_621, %dma_wait3A_1300] : memref<1000000x32xf32, #tpu.memory_space<hbm>> -> memref<1x32xf32, #tpu.memory_space<hbm>>
      tpu.wait_dma2 semaphore(%arg13 : memref<!tpu.dma_semaphore, #tpu.memory_space<semaphore_mem>>) src(%dma_wait3A_1301 : memref<1x32xf32, #tpu.memory_space<hbm>>) dst(%dma_wait3A_1299 : memref<1x32xf32, #tpu.memory_space<vmem>>)
      %dma_wait3A_1302 = arith.constant 24 : i32
      %dma_wait3A_1303 = arith.constant 0 : i32
      %dma_wait3A_1304 = tpu.memref_slice %arg10[%dma_wait3A_1302, %dma_wait3A_1303] : memref<32x32xf32, #tpu.memory_space<vmem>> -> memref<1x32xf32, #tpu.memory_space<vmem>>
      %dma_wait3A_1305 = arith.constant 0 : i32
      %dma_wait3A_1306 = tpu.memref_slice %arg5[%squeeze3A_633, %dma_wait3A_1305] : memref<1000000x32xf32, #tpu.memory_space<hbm>> -> memref<1x32xf32, #tpu.memory_space<hbm>>
      %dma_wait3A_1307 = arith.constant 24 : i32
      %dma_wait3A_1308 = arith.constant 0 : i32
      %dma_wait3A_1309 = tpu.memref_slice %arg10[%dma_wait3A_1307, %dma_wait3A_1308] : memref<32x32xf32, #tpu.memory_space<vmem>> -> memref<1x32xf32, #tpu.memory_space<vmem>>
      %dma_wait3A_1310 = arith.constant 0 : i32
      %dma_wait3A_1311 = tpu.memref_slice %arg5[%squeeze3A_633, %dma_wait3A_1310] : memref<1000000x32xf32, #tpu.memory_space<hbm>> -> memref<1x32xf32, #tpu.memory_space<hbm>>
      tpu.wait_dma2 semaphore(%arg14 : memref<!tpu.dma_semaphore, #tpu.memory_space<semaphore_mem>>) src(%dma_wait3A_1311 : memref<1x32xf32, #tpu.memory_space<hbm>>) dst(%dma_wait3A_1309 : memref<1x32xf32, #tpu.memory_space<vmem>>)
      %dma_wait3A_1312 = arith.constant 25 : i32
      %dma_wait3A_1313 = arith.constant 0 : i32
      %dma_wait3A_1314 = tpu.memref_slice %arg9[%dma_wait3A_1312, %dma_wait3A_1313] : memref<32x32xf32, #tpu.memory_space<vmem>> -> memref<1x32xf32, #tpu.memory_space<vmem>>
      %dma_wait3A_1315 = arith.constant 0 : i32
      %dma_wait3A_1316 = tpu.memref_slice %arg4[%squeeze3A_645, %dma_wait3A_1315] : memref<1000000x32xf32, #tpu.memory_space<hbm>> -> memref<1x32xf32, #tpu.memory_space<hbm>>
      %dma_wait3A_1317 = arith.constant 25 : i32
      %dma_wait3A_1318 = arith.constant 0 : i32
      %dma_wait3A_1319 = tpu.memref_slice %arg9[%dma_wait3A_1317, %dma_wait3A_1318] : memref<32x32xf32, #tpu.memory_space<vmem>> -> memref<1x32xf32, #tpu.memory_space<vmem>>
      %dma_wait3A_1320 = arith.constant 0 : i32
      %dma_wait3A_1321 = tpu.memref_slice %arg4[%squeeze3A_645, %dma_wait3A_1320] : memref<1000000x32xf32, #tpu.memory_space<hbm>> -> memref<1x32xf32, #tpu.memory_space<hbm>>
      tpu.wait_dma2 semaphore(%arg15 : memref<!tpu.dma_semaphore, #tpu.memory_space<semaphore_mem>>) src(%dma_wait3A_1321 : memref<1x32xf32, #tpu.memory_space<hbm>>) dst(%dma_wait3A_1319 : memref<1x32xf32, #tpu.memory_space<vmem>>)
      %dma_wait3A_1322 = arith.constant 25 : i32
      %dma_wait3A_1323 = arith.constant 0 : i32
      %dma_wait3A_1324 = tpu.memref_slice %arg10[%dma_wait3A_1322, %dma_wait3A_1323] : memref<32x32xf32, #tpu.memory_space<vmem>> -> memref<1x32xf32, #tpu.memory_space<vmem>>
      %dma_wait3A_1325 = arith.constant 0 : i32
      %dma_wait3A_1326 = tpu.memref_slice %arg5[%squeeze3A_657, %dma_wait3A_1325] : memref<1000000x32xf32, #tpu.memory_space<hbm>> -> memref<1x32xf32, #tpu.memory_space<hbm>>
      %dma_wait3A_1327 = arith.constant 25 : i32
      %dma_wait3A_1328 = arith.constant 0 : i32
      %dma_wait3A_1329 = tpu.memref_slice %arg10[%dma_wait3A_1327, %dma_wait3A_1328] : memref<32x32xf32, #tpu.memory_space<vmem>> -> memref<1x32xf32, #tpu.memory_space<vmem>>
      %dma_wait3A_1330 = arith.constant 0 : i32
      %dma_wait3A_1331 = tpu.memref_slice %arg5[%squeeze3A_657, %dma_wait3A_1330] : memref<1000000x32xf32, #tpu.memory_space<hbm>> -> memref<1x32xf32, #tpu.memory_space<hbm>>
      tpu.wait_dma2 semaphore(%arg16 : memref<!tpu.dma_semaphore, #tpu.memory_space<semaphore_mem>>) src(%dma_wait3A_1331 : memref<1x32xf32, #tpu.memory_space<hbm>>) dst(%dma_wait3A_1329 : memref<1x32xf32, #tpu.memory_space<vmem>>)
      %dma_wait3A_1332 = arith.constant 26 : i32
      %dma_wait3A_1333 = arith.constant 0 : i32
      %dma_wait3A_1334 = tpu.memref_slice %arg9[%dma_wait3A_1332, %dma_wait3A_1333] : memref<32x32xf32, #tpu.memory_space<vmem>> -> memref<1x32xf32, #tpu.memory_space<vmem>>
      %dma_wait3A_1335 = arith.constant 0 : i32
      %dma_wait3A_1336 = tpu.memref_slice %arg4[%squeeze3A_669, %dma_wait3A_1335] : memref<1000000x32xf32, #tpu.memory_space<hbm>> -> memref<1x32xf32, #tpu.memory_space<hbm>>
      %dma_wait3A_1337 = arith.constant 26 : i32
      %dma_wait3A_1338 = arith.constant 0 : i32
      %dma_wait3A_1339 = tpu.memref_slice %arg9[%dma_wait3A_1337, %dma_wait3A_1338] : memref<32x32xf32, #tpu.memory_space<vmem>> -> memref<1x32xf32, #tpu.memory_space<vmem>>
      %dma_wait3A_1340 = arith.constant 0 : i32
      %dma_wait3A_1341 = tpu.memref_slice %arg4[%squeeze3A_669, %dma_wait3A_1340] : memref<1000000x32xf32, #tpu.memory_space<hbm>> -> memref<1x32xf32, #tpu.memory_space<hbm>>
      tpu.wait_dma2 semaphore(%arg17 : memref<!tpu.dma_semaphore, #tpu.memory_space<semaphore_mem>>) src(%dma_wait3A_1341 : memref<1x32xf32, #tpu.memory_space<hbm>>) dst(%dma_wait3A_1339 : memref<1x32xf32, #tpu.memory_space<vmem>>)
      %dma_wait3A_1342 = arith.constant 26 : i32
      %dma_wait3A_1343 = arith.constant 0 : i32
      %dma_wait3A_1344 = tpu.memref_slice %arg10[%dma_wait3A_1342, %dma_wait3A_1343] : memref<32x32xf32, #tpu.memory_space<vmem>> -> memref<1x32xf32, #tpu.memory_space<vmem>>
      %dma_wait3A_1345 = arith.constant 0 : i32
      %dma_wait3A_1346 = tpu.memref_slice %arg5[%squeeze3A_681, %dma_wait3A_1345] : memref<1000000x32xf32, #tpu.memory_space<hbm>> -> memref<1x32xf32, #tpu.memory_space<hbm>>
      %dma_wait3A_1347 = arith.constant 26 : i32
      %dma_wait3A_1348 = arith.constant 0 : i32
      %dma_wait3A_1349 = tpu.memref_slice %arg10[%dma_wait3A_1347, %dma_wait3A_1348] : memref<32x32xf32, #tpu.memory_space<vmem>> -> memref<1x32xf32, #tpu.memory_space<vmem>>
      %dma_wait3A_1350 = arith.constant 0 : i32
      %dma_wait3A_1351 = tpu.memref_slice %arg5[%squeeze3A_681, %dma_wait3A_1350] : memref<1000000x32xf32, #tpu.memory_space<hbm>> -> memref<1x32xf32, #tpu.memory_space<hbm>>
      tpu.wait_dma2 semaphore(%arg18 : memref<!tpu.dma_semaphore, #tpu.memory_space<semaphore_mem>>) src(%dma_wait3A_1351 : memref<1x32xf32, #tpu.memory_space<hbm>>) dst(%dma_wait3A_1349 : memref<1x32xf32, #tpu.memory_space<vmem>>)
      %dma_wait3A_1352 = arith.constant 27 : i32
      %dma_wait3A_1353 = arith.constant 0 : i32
      %dma_wait3A_1354 = tpu.memref_slice %arg9[%dma_wait3A_1352, %dma_wait3A_1353] : memref<32x32xf32, #tpu.memory_space<vmem>> -> memref<1x32xf32, #tpu.memory_space<vmem>>
      %dma_wait3A_1355 = arith.constant 0 : i32
      %dma_wait3A_1356 = tpu.memref_slice %arg4[%squeeze3A_693, %dma_wait3A_1355] : memref<1000000x32xf32, #tpu.memory_space<hbm>> -> memref<1x32xf32, #tpu.memory_space<hbm>>
      %dma_wait3A_1357 = arith.constant 27 : i32
      %dma_wait3A_1358 = arith.constant 0 : i32
      %dma_wait3A_1359 = tpu.memref_slice %arg9[%dma_wait3A_1357, %dma_wait3A_1358] : memref<32x32xf32, #tpu.memory_space<vmem>> -> memref<1x32xf32, #tpu.memory_space<vmem>>
      %dma_wait3A_1360 = arith.constant 0 : i32
      %dma_wait3A_1361 = tpu.memref_slice %arg4[%squeeze3A_693, %dma_wait3A_1360] : memref<1000000x32xf32, #tpu.memory_space<hbm>> -> memref<1x32xf32, #tpu.memory_space<hbm>>
      tpu.wait_dma2 semaphore(%arg19 : memref<!tpu.dma_semaphore, #tpu.memory_space<semaphore_mem>>) src(%dma_wait3A_1361 : memref<1x32xf32, #tpu.memory_space<hbm>>) dst(%dma_wait3A_1359 : memref<1x32xf32, #tpu.memory_space<vmem>>)
      %dma_wait3A_1362 = arith.constant 27 : i32
      %dma_wait3A_1363 = arith.constant 0 : i32
      %dma_wait3A_1364 = tpu.memref_slice %arg10[%dma_wait3A_1362, %dma_wait3A_1363] : memref<32x32xf32, #tpu.memory_space<vmem>> -> memref<1x32xf32, #tpu.memory_space<vmem>>
      %dma_wait3A_1365 = arith.constant 0 : i32
      %dma_wait3A_1366 = tpu.memref_slice %arg5[%squeeze3A_705, %dma_wait3A_1365] : memref<1000000x32xf32, #tpu.memory_space<hbm>> -> memref<1x32xf32, #tpu.memory_space<hbm>>
      %dma_wait3A_1367 = arith.constant 27 : i32
      %dma_wait3A_1368 = arith.constant 0 : i32
      %dma_wait3A_1369 = tpu.memref_slice %arg10[%dma_wait3A_1367, %dma_wait3A_1368] : memref<32x32xf32, #tpu.memory_space<vmem>> -> memref<1x32xf32, #tpu.memory_space<vmem>>
      %dma_wait3A_1370 = arith.constant 0 : i32
      %dma_wait3A_1371 = tpu.memref_slice %arg5[%squeeze3A_705, %dma_wait3A_1370] : memref<1000000x32xf32, #tpu.memory_space<hbm>> -> memref<1x32xf32, #tpu.memory_space<hbm>>
      tpu.wait_dma2 semaphore(%arg20 : memref<!tpu.dma_semaphore, #tpu.memory_space<semaphore_mem>>) src(%dma_wait3A_1371 : memref<1x32xf32, #tpu.memory_space<hbm>>) dst(%dma_wait3A_1369 : memref<1x32xf32, #tpu.memory_space<vmem>>)
      %dma_wait3A_1372 = arith.constant 28 : i32
      %dma_wait3A_1373 = arith.constant 0 : i32
      %dma_wait3A_1374 = tpu.memref_slice %arg9[%dma_wait3A_1372, %dma_wait3A_1373] : memref<32x32xf32, #tpu.memory_space<vmem>> -> memref<1x32xf32, #tpu.memory_space<vmem>>
      %dma_wait3A_1375 = arith.constant 0 : i32
      %dma_wait3A_1376 = tpu.memref_slice %arg4[%squeeze3A_717, %dma_wait3A_1375] : memref<1000000x32xf32, #tpu.memory_space<hbm>> -> memref<1x32xf32, #tpu.memory_space<hbm>>
      %dma_wait3A_1377 = arith.constant 28 : i32
      %dma_wait3A_1378 = arith.constant 0 : i32
      %dma_wait3A_1379 = tpu.memref_slice %arg9[%dma_wait3A_1377, %dma_wait3A_1378] : memref<32x32xf32, #tpu.memory_space<vmem>> -> memref<1x32xf32, #tpu.memory_space<vmem>>
      %dma_wait3A_1380 = arith.constant 0 : i32
      %dma_wait3A_1381 = tpu.memref_slice %arg4[%squeeze3A_717, %dma_wait3A_1380] : memref<1000000x32xf32, #tpu.memory_space<hbm>> -> memref<1x32xf32, #tpu.memory_space<hbm>>
      tpu.wait_dma2 semaphore(%arg13 : memref<!tpu.dma_semaphore, #tpu.memory_space<semaphore_mem>>) src(%dma_wait3A_1381 : memref<1x32xf32, #tpu.memory_space<hbm>>) dst(%dma_wait3A_1379 : memref<1x32xf32, #tpu.memory_space<vmem>>)
      %dma_wait3A_1382 = arith.constant 28 : i32
      %dma_wait3A_1383 = arith.constant 0 : i32
      %dma_wait3A_1384 = tpu.memref_slice %arg10[%dma_wait3A_1382, %dma_wait3A_1383] : memref<32x32xf32, #tpu.memory_space<vmem>> -> memref<1x32xf32, #tpu.memory_space<vmem>>
      %dma_wait3A_1385 = arith.constant 0 : i32
      %dma_wait3A_1386 = tpu.memref_slice %arg5[%squeeze3A_729, %dma_wait3A_1385] : memref<1000000x32xf32, #tpu.memory_space<hbm>> -> memref<1x32xf32, #tpu.memory_space<hbm>>
      %dma_wait3A_1387 = arith.constant 28 : i32
      %dma_wait3A_1388 = arith.constant 0 : i32
      %dma_wait3A_1389 = tpu.memref_slice %arg10[%dma_wait3A_1387, %dma_wait3A_1388] : memref<32x32xf32, #tpu.memory_space<vmem>> -> memref<1x32xf32, #tpu.memory_space<vmem>>
      %dma_wait3A_1390 = arith.constant 0 : i32
      %dma_wait3A_1391 = tpu.memref_slice %arg5[%squeeze3A_729, %dma_wait3A_1390] : memref<1000000x32xf32, #tpu.memory_space<hbm>> -> memref<1x32xf32, #tpu.memory_space<hbm>>
      tpu.wait_dma2 semaphore(%arg14 : memref<!tpu.dma_semaphore, #tpu.memory_space<semaphore_mem>>) src(%dma_wait3A_1391 : memref<1x32xf32, #tpu.memory_space<hbm>>) dst(%dma_wait3A_1389 : memref<1x32xf32, #tpu.memory_space<vmem>>)
      %dma_wait3A_1392 = arith.constant 29 : i32
      %dma_wait3A_1393 = arith.constant 0 : i32
      %dma_wait3A_1394 = tpu.memref_slice %arg9[%dma_wait3A_1392, %dma_wait3A_1393] : memref<32x32xf32, #tpu.memory_space<vmem>> -> memref<1x32xf32, #tpu.memory_space<vmem>>
      %dma_wait3A_1395 = arith.constant 0 : i32
      %dma_wait3A_1396 = tpu.memref_slice %arg4[%squeeze3A_741, %dma_wait3A_1395] : memref<1000000x32xf32, #tpu.memory_space<hbm>> -> memref<1x32xf32, #tpu.memory_space<hbm>>
      %dma_wait3A_1397 = arith.constant 29 : i32
      %dma_wait3A_1398 = arith.constant 0 : i32
      %dma_wait3A_1399 = tpu.memref_slice %arg9[%dma_wait3A_1397, %dma_wait3A_1398] : memref<32x32xf32, #tpu.memory_space<vmem>> -> memref<1x32xf32, #tpu.memory_space<vmem>>
      %dma_wait3A_1400 = arith.constant 0 : i32
      %dma_wait3A_1401 = tpu.memref_slice %arg4[%squeeze3A_741, %dma_wait3A_1400] : memref<1000000x32xf32, #tpu.memory_space<hbm>> -> memref<1x32xf32, #tpu.memory_space<hbm>>
      tpu.wait_dma2 semaphore(%arg15 : memref<!tpu.dma_semaphore, #tpu.memory_space<semaphore_mem>>) src(%dma_wait3A_1401 : memref<1x32xf32, #tpu.memory_space<hbm>>) dst(%dma_wait3A_1399 : memref<1x32xf32, #tpu.memory_space<vmem>>)
      %dma_wait3A_1402 = arith.constant 29 : i32
      %dma_wait3A_1403 = arith.constant 0 : i32
      %dma_wait3A_1404 = tpu.memref_slice %arg10[%dma_wait3A_1402, %dma_wait3A_1403] : memref<32x32xf32, #tpu.memory_space<vmem>> -> memref<1x32xf32, #tpu.memory_space<vmem>>
      %dma_wait3A_1405 = arith.constant 0 : i32
      %dma_wait3A_1406 = tpu.memref_slice %arg5[%squeeze3A_753, %dma_wait3A_1405] : memref<1000000x32xf32, #tpu.memory_space<hbm>> -> memref<1x32xf32, #tpu.memory_space<hbm>>
      %dma_wait3A_1407 = arith.constant 29 : i32
      %dma_wait3A_1408 = arith.constant 0 : i32
      %dma_wait3A_1409 = tpu.memref_slice %arg10[%dma_wait3A_1407, %dma_wait3A_1408] : memref<32x32xf32, #tpu.memory_space<vmem>> -> memref<1x32xf32, #tpu.memory_space<vmem>>
      %dma_wait3A_1410 = arith.constant 0 : i32
      %dma_wait3A_1411 = tpu.memref_slice %arg5[%squeeze3A_753, %dma_wait3A_1410] : memref<1000000x32xf32, #tpu.memory_space<hbm>> -> memref<1x32xf32, #tpu.memory_space<hbm>>
      tpu.wait_dma2 semaphore(%arg16 : memref<!tpu.dma_semaphore, #tpu.memory_space<semaphore_mem>>) src(%dma_wait3A_1411 : memref<1x32xf32, #tpu.memory_space<hbm>>) dst(%dma_wait3A_1409 : memref<1x32xf32, #tpu.memory_space<vmem>>)
      %dma_wait3A_1412 = arith.constant 30 : i32
      %dma_wait3A_1413 = arith.constant 0 : i32
      %dma_wait3A_1414 = tpu.memref_slice %arg9[%dma_wait3A_1412, %dma_wait3A_1413] : memref<32x32xf32, #tpu.memory_space<vmem>> -> memref<1x32xf32, #tpu.memory_space<vmem>>
      %dma_wait3A_1415 = arith.constant 0 : i32
      %dma_wait3A_1416 = tpu.memref_slice %arg4[%squeeze3A_765, %dma_wait3A_1415] : memref<1000000x32xf32, #tpu.memory_space<hbm>> -> memref<1x32xf32, #tpu.memory_space<hbm>>
      %dma_wait3A_1417 = arith.constant 30 : i32
      %dma_wait3A_1418 = arith.constant 0 : i32
      %dma_wait3A_1419 = tpu.memref_slice %arg9[%dma_wait3A_1417, %dma_wait3A_1418] : memref<32x32xf32, #tpu.memory_space<vmem>> -> memref<1x32xf32, #tpu.memory_space<vmem>>
      %dma_wait3A_1420 = arith.constant 0 : i32
      %dma_wait3A_1421 = tpu.memref_slice %arg4[%squeeze3A_765, %dma_wait3A_1420] : memref<1000000x32xf32, #tpu.memory_space<hbm>> -> memref<1x32xf32, #tpu.memory_space<hbm>>
      tpu.wait_dma2 semaphore(%arg17 : memref<!tpu.dma_semaphore, #tpu.memory_space<semaphore_mem>>) src(%dma_wait3A_1421 : memref<1x32xf32, #tpu.memory_space<hbm>>) dst(%dma_wait3A_1419 : memref<1x32xf32, #tpu.memory_space<vmem>>)
      %dma_wait3A_1422 = arith.constant 30 : i32
      %dma_wait3A_1423 = arith.constant 0 : i32
      %dma_wait3A_1424 = tpu.memref_slice %arg10[%dma_wait3A_1422, %dma_wait3A_1423] : memref<32x32xf32, #tpu.memory_space<vmem>> -> memref<1x32xf32, #tpu.memory_space<vmem>>
      %dma_wait3A_1425 = arith.constant 0 : i32
      %dma_wait3A_1426 = tpu.memref_slice %arg5[%squeeze3A_777, %dma_wait3A_1425] : memref<1000000x32xf32, #tpu.memory_space<hbm>> -> memref<1x32xf32, #tpu.memory_space<hbm>>
      %dma_wait3A_1427 = arith.constant 30 : i32
      %dma_wait3A_1428 = arith.constant 0 : i32
      %dma_wait3A_1429 = tpu.memref_slice %arg10[%dma_wait3A_1427, %dma_wait3A_1428] : memref<32x32xf32, #tpu.memory_space<vmem>> -> memref<1x32xf32, #tpu.memory_space<vmem>>
      %dma_wait3A_1430 = arith.constant 0 : i32
      %dma_wait3A_1431 = tpu.memref_slice %arg5[%squeeze3A_777, %dma_wait3A_1430] : memref<1000000x32xf32, #tpu.memory_space<hbm>> -> memref<1x32xf32, #tpu.memory_space<hbm>>
      tpu.wait_dma2 semaphore(%arg18 : memref<!tpu.dma_semaphore, #tpu.memory_space<semaphore_mem>>) src(%dma_wait3A_1431 : memref<1x32xf32, #tpu.memory_space<hbm>>) dst(%dma_wait3A_1429 : memref<1x32xf32, #tpu.memory_space<vmem>>)
      %dma_wait3A_1432 = arith.constant 31 : i32
      %dma_wait3A_1433 = arith.constant 0 : i32
      %dma_wait3A_1434 = tpu.memref_slice %arg9[%dma_wait3A_1432, %dma_wait3A_1433] : memref<32x32xf32, #tpu.memory_space<vmem>> -> memref<1x32xf32, #tpu.memory_space<vmem>>
      %dma_wait3A_1435 = arith.constant 0 : i32
      %dma_wait3A_1436 = tpu.memref_slice %arg4[%squeeze3A_789, %dma_wait3A_1435] : memref<1000000x32xf32, #tpu.memory_space<hbm>> -> memref<1x32xf32, #tpu.memory_space<hbm>>
      %dma_wait3A_1437 = arith.constant 31 : i32
      %dma_wait3A_1438 = arith.constant 0 : i32
      %dma_wait3A_1439 = tpu.memref_slice %arg9[%dma_wait3A_1437, %dma_wait3A_1438] : memref<32x32xf32, #tpu.memory_space<vmem>> -> memref<1x32xf32, #tpu.memory_space<vmem>>
      %dma_wait3A_1440 = arith.constant 0 : i32
      %dma_wait3A_1441 = tpu.memref_slice %arg4[%squeeze3A_789, %dma_wait3A_1440] : memref<1000000x32xf32, #tpu.memory_space<hbm>> -> memref<1x32xf32, #tpu.memory_space<hbm>>
      tpu.wait_dma2 semaphore(%arg19 : memref<!tpu.dma_semaphore, #tpu.memory_space<semaphore_mem>>) src(%dma_wait3A_1441 : memref<1x32xf32, #tpu.memory_space<hbm>>) dst(%dma_wait3A_1439 : memref<1x32xf32, #tpu.memory_space<vmem>>)
      %dma_wait3A_1442 = arith.constant 31 : i32
      %dma_wait3A_1443 = arith.constant 0 : i32
      %dma_wait3A_1444 = tpu.memref_slice %arg10[%dma_wait3A_1442, %dma_wait3A_1443] : memref<32x32xf32, #tpu.memory_space<vmem>> -> memref<1x32xf32, #tpu.memory_space<vmem>>
      %dma_wait3A_1445 = arith.constant 0 : i32
      %dma_wait3A_1446 = tpu.memref_slice %arg5[%squeeze3A_801, %dma_wait3A_1445] : memref<1000000x32xf32, #tpu.memory_space<hbm>> -> memref<1x32xf32, #tpu.memory_space<hbm>>
      %dma_wait3A_1447 = arith.constant 31 : i32
      %dma_wait3A_1448 = arith.constant 0 : i32
      %dma_wait3A_1449 = tpu.memref_slice %arg10[%dma_wait3A_1447, %dma_wait3A_1448] : memref<32x32xf32, #tpu.memory_space<vmem>> -> memref<1x32xf32, #tpu.memory_space<vmem>>
      %dma_wait3A_1450 = arith.constant 0 : i32
      %dma_wait3A_1451 = tpu.memref_slice %arg5[%squeeze3A_801, %dma_wait3A_1450] : memref<1000000x32xf32, #tpu.memory_space<hbm>> -> memref<1x32xf32, #tpu.memory_space<hbm>>
      tpu.wait_dma2 semaphore(%arg20 : memref<!tpu.dma_semaphore, #tpu.memory_space<semaphore_mem>>) src(%dma_wait3A_1451 : memref<1x32xf32, #tpu.memory_space<hbm>>) dst(%dma_wait3A_1449 : memref<1x32xf32, #tpu.memory_space<vmem>>)
      %broadcast_in_dim3A = arith.constant 0.000000e+00 : f32
      %broadcast_in_dim3A_1452 = vector.broadcast %broadcast_in_dim3A : f32 to vector<16xf32>
      %get3A_1453 = arith.constant 0 : i32
      %get3A_1454 = arith.index_cast %get3A_1453 : i32 to index
      %get3A_1455 = arith.constant 0 : index
      %get3A_1456 = tpu.vector_load %arg9[%get3A_1454, %get3A_1455] {strides = array<i32>} : memref<32x32xf32, #tpu.memory_space<vmem>>, vector<16xf32>,
      %get3A_1457 = arith.constant 0 : i32
      %get3A_1458 = arith.index_cast %get3A_1457 : i32 to index
      %get3A_1459 = arith.constant 16 : index
      %get3A_1460 = tpu.vector_load %arg9[%get3A_1458, %get3A_1459] {strides = array<i32>} : memref<32x32xf32, #tpu.memory_space<vmem>>, vector<16xf32>,
      %get3A_1461 = arith.constant 0 : i32
      %get3A_1462 = arith.index_cast %get3A_1461 : i32 to index
      %get3A_1463 = arith.constant 0 : index
      %get3A_1464 = tpu.vector_load %arg10[%get3A_1462, %get3A_1463] {strides = array<i32>} : memref<32x32xf32, #tpu.memory_space<vmem>>, vector<16xf32>,
      %get3A_1465 = arith.constant 0 : i32
      %get3A_1466 = arith.index_cast %get3A_1465 : i32 to index
      %get3A_1467 = arith.constant 16 : index
      %get3A_1468 = tpu.vector_load %arg10[%get3A_1466, %get3A_1467] {strides = array<i32>} : memref<32x32xf32, #tpu.memory_space<vmem>>, vector<16xf32>,
      %mul3A_1469 = arith.mulf %get3A_1456, %get3A_1464 : vector<16xf32>
      %mul3A_1470 = arith.mulf %get3A_1460, %get3A_1468 : vector<16xf32>
      %add3A_1471 = arith.addf %mul3A_1469, %mul3A_1470 : vector<16xf32>
      %reduce_sum3A = arith.constant true
      %reduce_sum3A_1472 = vector.broadcast %reduce_sum3A : i1 to vector<16xi1>
      %reduce_sum3A_1473 = tpu.scan <sum>, %add3A_1471 masked %reduce_sum3A_1472 : vector<16xf32>, vector<16xi1> -> vector<16xf32>
      %reduce_sum3A_1474 = vector.extract %reduce_sum3A_1473[15] : f32 from vector<16xf32>
      %eq3A = arith.constant 0 : i32
      %eq3A_1475 = vector.broadcast %eq3A : i32 to vector<16xi32>
      %eq3A_1476 = arith.cmpi eq, %iota3A, %eq3A_1475 : vector<16xi32>
      %broadcast_in_dim3A_1477 = vector.broadcast %reduce_sum3A_1474 : f32 to vector<16xf32>
      %select_n3A = arith.select %eq3A_1476, %broadcast_in_dim3A_1477, %broadcast_in_dim3A_1452 : vector<16xi1>, vector<16xf32>
      %get3A_1478 = arith.constant 1 : i32
      %get3A_1479 = arith.index_cast %get3A_1478 : i32 to index
      %get3A_1480 = arith.constant 0 : index
      %get3A_1481 = tpu.vector_load %arg9[%get3A_1479, %get3A_1480] {strides = array<i32>} : memref<32x32xf32, #tpu.memory_space<vmem>>, vector<16xf32>,
      %get3A_1482 = arith.constant 1 : i32
      %get3A_1483 = arith.index_cast %get3A_1482 : i32 to index
      %get3A_1484 = arith.constant 16 : index
      %get3A_1485 = tpu.vector_load %arg9[%get3A_1483, %get3A_1484] {strides = array<i32>} : memref<32x32xf32, #tpu.memory_space<vmem>>, vector<16xf32>,
      %get3A_1486 = arith.constant 1 : i32
      %get3A_1487 = arith.index_cast %get3A_1486 : i32 to index
      %get3A_1488 = arith.constant 0 : index
      %get3A_1489 = tpu.vector_load %arg10[%get3A_1487, %get3A_1488] {strides = array<i32>} : memref<32x32xf32, #tpu.memory_space<vmem>>, vector<16xf32>,
      %get3A_1490 = arith.constant 1 : i32
      %get3A_1491 = arith.index_cast %get3A_1490 : i32 to index
      %get3A_1492 = arith.constant 16 : index
      %get3A_1493 = tpu.vector_load %arg10[%get3A_1491, %get3A_1492] {strides = array<i32>} : memref<32x32xf32, #tpu.memory_space<vmem>>, vector<16xf32>,
      %mul3A_1494 = arith.mulf %get3A_1481, %get3A_1489 : vector<16xf32>
      %mul3A_1495 = arith.mulf %get3A_1485, %get3A_1493 : vector<16xf32>
      %add3A_1496 = arith.addf %mul3A_1494, %mul3A_1495 : vector<16xf32>
      %reduce_sum3A_1497 = arith.constant true
      %reduce_sum3A_1498 = vector.broadcast %reduce_sum3A_1497 : i1 to vector<16xi1>
      %reduce_sum3A_1499 = tpu.scan <sum>, %add3A_1496 masked %reduce_sum3A_1498 : vector<16xf32>, vector<16xi1> -> vector<16xf32>
      %reduce_sum3A_1500 = vector.extract %reduce_sum3A_1499[15] : f32 from vector<16xf32>
      %eq3A_1501 = arith.constant 1 : i32
      %eq3A_1502 = vector.broadcast %eq3A_1501 : i32 to vector<16xi32>
      %eq3A_1503 = arith.cmpi eq, %iota3A, %eq3A_1502 : vector<16xi32>
      %broadcast_in_dim3A_1504 = vector.broadcast %reduce_sum3A_1500 : f32 to vector<16xf32>
      %select_n3A_1505 = arith.select %eq3A_1503, %broadcast_in_dim3A_1504, %select_n3A : vector<16xi1>, vector<16xf32>
      %get3A_1506 = arith.constant 2 : i32
      %get3A_1507 = arith.index_cast %get3A_1506 : i32 to index
      %get3A_1508 = arith.constant 0 : index
      %get3A_1509 = tpu.vector_load %arg9[%get3A_1507, %get3A_1508] {strides = array<i32>} : memref<32x32xf32, #tpu.memory_space<vmem>>, vector<16xf32>,
      %get3A_1510 = arith.constant 2 : i32
      %get3A_1511 = arith.index_cast %get3A_1510 : i32 to index
      %get3A_1512 = arith.constant 16 : index
      %get3A_1513 = tpu.vector_load %arg9[%get3A_1511, %get3A_1512] {strides = array<i32>} : memref<32x32xf32, #tpu.memory_space<vmem>>, vector<16xf32>,
      %get3A_1514 = arith.constant 2 : i32
      %get3A_1515 = arith.index_cast %get3A_1514 : i32 to index
      %get3A_1516 = arith.constant 0 : index
      %get3A_1517 = tpu.vector_load %arg10[%get3A_1515, %get3A_1516] {strides = array<i32>} : memref<32x32xf32, #tpu.memory_space<vmem>>, vector<16xf32>,
      %get3A_1518 = arith.constant 2 : i32
      %get3A_1519 = arith.index_cast %get3A_1518 : i32 to index
      %get3A_1520 = arith.constant 16 : index
      %get3A_1521 = tpu.vector_load %arg10[%get3A_1519, %get3A_1520] {strides = array<i32>} : memref<32x32xf32, #tpu.memory_space<vmem>>, vector<16xf32>,
      %mul3A_1522 = arith.mulf %get3A_1509, %get3A_1517 : vector<16xf32>
      %mul3A_1523 = arith.mulf %get3A_1513, %get3A_1521 : vector<16xf32>
      %add3A_1524 = arith.addf %mul3A_1522, %mul3A_1523 : vector<16xf32>
      %reduce_sum3A_1525 = arith.constant true
      %reduce_sum3A_1526 = vector.broadcast %reduce_sum3A_1525 : i1 to vector<16xi1>
      %reduce_sum3A_1527 = tpu.scan <sum>, %add3A_1524 masked %reduce_sum3A_1526 : vector<16xf32>, vector<16xi1> -> vector<16xf32>
      %reduce_sum3A_1528 = vector.extract %reduce_sum3A_1527[15] : f32 from vector<16xf32>
      %eq3A_1529 = arith.constant 2 : i32
      %eq3A_1530 = vector.broadcast %eq3A_1529 : i32 to vector<16xi32>
      %eq3A_1531 = arith.cmpi eq, %iota3A, %eq3A_1530 : vector<16xi32>
      %broadcast_in_dim3A_1532 = vector.broadcast %reduce_sum3A_1528 : f32 to vector<16xf32>
      %select_n3A_1533 = arith.select %eq3A_1531, %broadcast_in_dim3A_1532, %select_n3A_1505 : vector<16xi1>, vector<16xf32>
      %get3A_1534 = arith.constant 3 : i32
      %get3A_1535 = arith.index_cast %get3A_1534 : i32 to index
      %get3A_1536 = arith.constant 0 : index
      %get3A_1537 = tpu.vector_load %arg9[%get3A_1535, %get3A_1536] {strides = array<i32>} : memref<32x32xf32, #tpu.memory_space<vmem>>, vector<16xf32>,
      %get3A_1538 = arith.constant 3 : i32
      %get3A_1539 = arith.index_cast %get3A_1538 : i32 to index
      %get3A_1540 = arith.constant 16 : index
      %get3A_1541 = tpu.vector_load %arg9[%get3A_1539, %get3A_1540] {strides = array<i32>} : memref<32x32xf32, #tpu.memory_space<vmem>>, vector<16xf32>,
      %get3A_1542 = arith.constant 3 : i32
      %get3A_1543 = arith.index_cast %get3A_1542 : i32 to index
      %get3A_1544 = arith.constant 0 : index
      %get3A_1545 = tpu.vector_load %arg10[%get3A_1543, %get3A_1544] {strides = array<i32>} : memref<32x32xf32, #tpu.memory_space<vmem>>, vector<16xf32>,
      %get3A_1546 = arith.constant 3 : i32
      %get3A_1547 = arith.index_cast %get3A_1546 : i32 to index
      %get3A_1548 = arith.constant 16 : index
      %get3A_1549 = tpu.vector_load %arg10[%get3A_1547, %get3A_1548] {strides = array<i32>} : memref<32x32xf32, #tpu.memory_space<vmem>>, vector<16xf32>,
      %mul3A_1550 = arith.mulf %get3A_1537, %get3A_1545 : vector<16xf32>
      %mul3A_1551 = arith.mulf %get3A_1541, %get3A_1549 : vector<16xf32>
      %add3A_1552 = arith.addf %mul3A_1550, %mul3A_1551 : vector<16xf32>
      %reduce_sum3A_1553 = arith.constant true
      %reduce_sum3A_1554 = vector.broadcast %reduce_sum3A_1553 : i1 to vector<16xi1>
      %reduce_sum3A_1555 = tpu.scan <sum>, %add3A_1552 masked %reduce_sum3A_1554 : vector<16xf32>, vector<16xi1> -> vector<16xf32>
      %reduce_sum3A_1556 = vector.extract %reduce_sum3A_1555[15] : f32 from vector<16xf32>
      %eq3A_1557 = arith.constant 3 : i32
      %eq3A_1558 = vector.broadcast %eq3A_1557 : i32 to vector<16xi32>
      %eq3A_1559 = arith.cmpi eq, %iota3A, %eq3A_1558 : vector<16xi32>
      %broadcast_in_dim3A_1560 = vector.broadcast %reduce_sum3A_1556 : f32 to vector<16xf32>
      %select_n3A_1561 = arith.select %eq3A_1559, %broadcast_in_dim3A_1560, %select_n3A_1533 : vector<16xi1>, vector<16xf32>
      %get3A_1562 = arith.constant 4 : i32
      %get3A_1563 = arith.index_cast %get3A_1562 : i32 to index
      %get3A_1564 = arith.constant 0 : index
      %get3A_1565 = tpu.vector_load %arg9[%get3A_1563, %get3A_1564] {strides = array<i32>} : memref<32x32xf32, #tpu.memory_space<vmem>>, vector<16xf32>,
      %get3A_1566 = arith.constant 4 : i32
      %get3A_1567 = arith.index_cast %get3A_1566 : i32 to index
      %get3A_1568 = arith.constant 16 : index
      %get3A_1569 = tpu.vector_load %arg9[%get3A_1567, %get3A_1568] {strides = array<i32>} : memref<32x32xf32, #tpu.memory_space<vmem>>, vector<16xf32>,
      %get3A_1570 = arith.constant 4 : i32
      %get3A_1571 = arith.index_cast %get3A_1570 : i32 to index
      %get3A_1572 = arith.constant 0 : index
      %get3A_1573 = tpu.vector_load %arg10[%get3A_1571, %get3A_1572] {strides = array<i32>} : memref<32x32xf32, #tpu.memory_space<vmem>>, vector<16xf32>,
      %get3A_1574 = arith.constant 4 : i32
      %get3A_1575 = arith.index_cast %get3A_1574 : i32 to index
      %get3A_1576 = arith.constant 16 : index
      %get3A_1577 = tpu.vector_load %arg10[%get3A_1575, %get3A_1576] {strides = array<i32>} : memref<32x32xf32, #tpu.memory_space<vmem>>, vector<16xf32>,
      %mul3A_1578 = arith.mulf %get3A_1565, %get3A_1573 : vector<16xf32>
      %mul3A_1579 = arith.mulf %get3A_1569, %get3A_1577 : vector<16xf32>
      %add3A_1580 = arith.addf %mul3A_1578, %mul3A_1579 : vector<16xf32>
      %reduce_sum3A_1581 = arith.constant true
      %reduce_sum3A_1582 = vector.broadcast %reduce_sum3A_1581 : i1 to vector<16xi1>
      %reduce_sum3A_1583 = tpu.scan <sum>, %add3A_1580 masked %reduce_sum3A_1582 : vector<16xf32>, vector<16xi1> -> vector<16xf32>
      %reduce_sum3A_1584 = vector.extract %reduce_sum3A_1583[15] : f32 from vector<16xf32>
      %eq3A_1585 = arith.constant 4 : i32
      %eq3A_1586 = vector.broadcast %eq3A_1585 : i32 to vector<16xi32>
      %eq3A_1587 = arith.cmpi eq, %iota3A, %eq3A_1586 : vector<16xi32>
      %broadcast_in_dim3A_1588 = vector.broadcast %reduce_sum3A_1584 : f32 to vector<16xf32>
      %select_n3A_1589 = arith.select %eq3A_1587, %broadcast_in_dim3A_1588, %select_n3A_1561 : vector<16xi1>, vector<16xf32>
      %get3A_1590 = arith.constant 5 : i32
      %get3A_1591 = arith.index_cast %get3A_1590 : i32 to index
      %get3A_1592 = arith.constant 0 : index
      %get3A_1593 = tpu.vector_load %arg9[%get3A_1591, %get3A_1592] {strides = array<i32>} : memref<32x32xf32, #tpu.memory_space<vmem>>, vector<16xf32>,
      %get3A_1594 = arith.constant 5 : i32
      %get3A_1595 = arith.index_cast %get3A_1594 : i32 to index
      %get3A_1596 = arith.constant 16 : index
      %get3A_1597 = tpu.vector_load %arg9[%get3A_1595, %get3A_1596] {strides = array<i32>} : memref<32x32xf32, #tpu.memory_space<vmem>>, vector<16xf32>,
      %get3A_1598 = arith.constant 5 : i32
      %get3A_1599 = arith.index_cast %get3A_1598 : i32 to index
      %get3A_1600 = arith.constant 0 : index
      %get3A_1601 = tpu.vector_load %arg10[%get3A_1599, %get3A_1600] {strides = array<i32>} : memref<32x32xf32, #tpu.memory_space<vmem>>, vector<16xf32>,
      %get3A_1602 = arith.constant 5 : i32
      %get3A_1603 = arith.index_cast %get3A_1602 : i32 to index
      %get3A_1604 = arith.constant 16 : index
      %get3A_1605 = tpu.vector_load %arg10[%get3A_1603, %get3A_1604] {strides = array<i32>} : memref<32x32xf32, #tpu.memory_space<vmem>>, vector<16xf32>,
      %mul3A_1606 = arith.mulf %get3A_1593, %get3A_1601 : vector<16xf32>
      %mul3A_1607 = arith.mulf %get3A_1597, %get3A_1605 : vector<16xf32>
      %add3A_1608 = arith.addf %mul3A_1606, %mul3A_1607 : vector<16xf32>
      %reduce_sum3A_1609 = arith.constant true
      %reduce_sum3A_1610 = vector.broadcast %reduce_sum3A_1609 : i1 to vector<16xi1>
      %reduce_sum3A_1611 = tpu.scan <sum>, %add3A_1608 masked %reduce_sum3A_1610 : vector<16xf32>, vector<16xi1> -> vector<16xf32>
      %reduce_sum3A_1612 = vector.extract %reduce_sum3A_1611[15] : f32 from vector<16xf32>
      %eq3A_1613 = arith.constant 5 : i32
      %eq3A_1614 = vector.broadcast %eq3A_1613 : i32 to vector<16xi32>
      %eq3A_1615 = arith.cmpi eq, %iota3A, %eq3A_1614 : vector<16xi32>
      %broadcast_in_dim3A_1616 = vector.broadcast %reduce_sum3A_1612 : f32 to vector<16xf32>
      %select_n3A_1617 = arith.select %eq3A_1615, %broadcast_in_dim3A_1616, %select_n3A_1589 : vector<16xi1>, vector<16xf32>
      %get3A_1618 = arith.constant 6 : i32
      %get3A_1619 = arith.index_cast %get3A_1618 : i32 to index
      %get3A_1620 = arith.constant 0 : index
      %get3A_1621 = tpu.vector_load %arg9[%get3A_1619, %get3A_1620] {strides = array<i32>} : memref<32x32xf32, #tpu.memory_space<vmem>>, vector<16xf32>,
      %get3A_1622 = arith.constant 6 : i32
      %get3A_1623 = arith.index_cast %get3A_1622 : i32 to index
      %get3A_1624 = arith.constant 16 : index
      %get3A_1625 = tpu.vector_load %arg9[%get3A_1623, %get3A_1624] {strides = array<i32>} : memref<32x32xf32, #tpu.memory_space<vmem>>, vector<16xf32>,
      %get3A_1626 = arith.constant 6 : i32
      %get3A_1627 = arith.index_cast %get3A_1626 : i32 to index
      %get3A_1628 = arith.constant 0 : index
      %get3A_1629 = tpu.vector_load %arg10[%get3A_1627, %get3A_1628] {strides = array<i32>} : memref<32x32xf32, #tpu.memory_space<vmem>>, vector<16xf32>,
      %get3A_1630 = arith.constant 6 : i32
      %get3A_1631 = arith.index_cast %get3A_1630 : i32 to index
      %get3A_1632 = arith.constant 16 : index
      %get3A_1633 = tpu.vector_load %arg10[%get3A_1631, %get3A_1632] {strides = array<i32>} : memref<32x32xf32, #tpu.memory_space<vmem>>, vector<16xf32>,
      %mul3A_1634 = arith.mulf %get3A_1621, %get3A_1629 : vector<16xf32>
      %mul3A_1635 = arith.mulf %get3A_1625, %get3A_1633 : vector<16xf32>
      %add3A_1636 = arith.addf %mul3A_1634, %mul3A_1635 : vector<16xf32>
      %reduce_sum3A_1637 = arith.constant true
      %reduce_sum3A_1638 = vector.broadcast %reduce_sum3A_1637 : i1 to vector<16xi1>
      %reduce_sum3A_1639 = tpu.scan <sum>, %add3A_1636 masked %reduce_sum3A_1638 : vector<16xf32>, vector<16xi1> -> vector<16xf32>
      %reduce_sum3A_1640 = vector.extract %reduce_sum3A_1639[15] : f32 from vector<16xf32>
      %eq3A_1641 = arith.constant 6 : i32
      %eq3A_1642 = vector.broadcast %eq3A_1641 : i32 to vector<16xi32>
      %eq3A_1643 = arith.cmpi eq, %iota3A, %eq3A_1642 : vector<16xi32>
      %broadcast_in_dim3A_1644 = vector.broadcast %reduce_sum3A_1640 : f32 to vector<16xf32>
      %select_n3A_1645 = arith.select %eq3A_1643, %broadcast_in_dim3A_1644, %select_n3A_1617 : vector<16xi1>, vector<16xf32>
      %get3A_1646 = arith.constant 7 : i32
      %get3A_1647 = arith.index_cast %get3A_1646 : i32 to index
      %get3A_1648 = arith.constant 0 : index
      %get3A_1649 = tpu.vector_load %arg9[%get3A_1647, %get3A_1648] {strides = array<i32>} : memref<32x32xf32, #tpu.memory_space<vmem>>, vector<16xf32>,
      %get3A_1650 = arith.constant 7 : i32
      %get3A_1651 = arith.index_cast %get3A_1650 : i32 to index
      %get3A_1652 = arith.constant 16 : index
      %get3A_1653 = tpu.vector_load %arg9[%get3A_1651, %get3A_1652] {strides = array<i32>} : memref<32x32xf32, #tpu.memory_space<vmem>>, vector<16xf32>,
      %get3A_1654 = arith.constant 7 : i32
      %get3A_1655 = arith.index_cast %get3A_1654 : i32 to index
      %get3A_1656 = arith.constant 0 : index
      %get3A_1657 = tpu.vector_load %arg10[%get3A_1655, %get3A_1656] {strides = array<i32>} : memref<32x32xf32, #tpu.memory_space<vmem>>, vector<16xf32>,
      %get3A_1658 = arith.constant 7 : i32
      %get3A_1659 = arith.index_cast %get3A_1658 : i32 to index
      %get3A_1660 = arith.constant 16 : index
      %get3A_1661 = tpu.vector_load %arg10[%get3A_1659, %get3A_1660] {strides = array<i32>} : memref<32x32xf32, #tpu.memory_space<vmem>>, vector<16xf32>,
      %mul3A_1662 = arith.mulf %get3A_1649, %get3A_1657 : vector<16xf32>
      %mul3A_1663 = arith.mulf %get3A_1653, %get3A_1661 : vector<16xf32>
      %add3A_1664 = arith.addf %mul3A_1662, %mul3A_1663 : vector<16xf32>
      %reduce_sum3A_1665 = arith.constant true
      %reduce_sum3A_1666 = vector.broadcast %reduce_sum3A_1665 : i1 to vector<16xi1>
      %reduce_sum3A_1667 = tpu.scan <sum>, %add3A_1664 masked %reduce_sum3A_1666 : vector<16xf32>, vector<16xi1> -> vector<16xf32>
      %reduce_sum3A_1668 = vector.extract %reduce_sum3A_1667[15] : f32 from vector<16xf32>
      %eq3A_1669 = arith.constant 7 : i32
      %eq3A_1670 = vector.broadcast %eq3A_1669 : i32 to vector<16xi32>
      %eq3A_1671 = arith.cmpi eq, %iota3A, %eq3A_1670 : vector<16xi32>
      %broadcast_in_dim3A_1672 = vector.broadcast %reduce_sum3A_1668 : f32 to vector<16xf32>
      %select_n3A_1673 = arith.select %eq3A_1671, %broadcast_in_dim3A_1672, %select_n3A_1645 : vector<16xi1>, vector<16xf32>
      %get3A_1674 = arith.constant 8 : i32
      %get3A_1675 = arith.index_cast %get3A_1674 : i32 to index
      %get3A_1676 = arith.constant 0 : index
      %get3A_1677 = tpu.vector_load %arg9[%get3A_1675, %get3A_1676] {strides = array<i32>} : memref<32x32xf32, #tpu.memory_space<vmem>>, vector<16xf32>,
      %get3A_1678 = arith.constant 8 : i32
      %get3A_1679 = arith.index_cast %get3A_1678 : i32 to index
      %get3A_1680 = arith.constant 16 : index
      %get3A_1681 = tpu.vector_load %arg9[%get3A_1679, %get3A_1680] {strides = array<i32>} : memref<32x32xf32, #tpu.memory_space<vmem>>, vector<16xf32>,
      %get3A_1682 = arith.constant 8 : i32
      %get3A_1683 = arith.index_cast %get3A_1682 : i32 to index
      %get3A_1684 = arith.constant 0 : index
      %get3A_1685 = tpu.vector_load %arg10[%get3A_1683, %get3A_1684] {strides = array<i32>} : memref<32x32xf32, #tpu.memory_space<vmem>>, vector<16xf32>,
      %get3A_1686 = arith.constant 8 : i32
      %get3A_1687 = arith.index_cast %get3A_1686 : i32 to index
      %get3A_1688 = arith.constant 16 : index
      %get3A_1689 = tpu.vector_load %arg10[%get3A_1687, %get3A_1688] {strides = array<i32>} : memref<32x32xf32, #tpu.memory_space<vmem>>, vector<16xf32>,
      %mul3A_1690 = arith.mulf %get3A_1677, %get3A_1685 : vector<16xf32>
      %mul3A_1691 = arith.mulf %get3A_1681, %get3A_1689 : vector<16xf32>
      %add3A_1692 = arith.addf %mul3A_1690, %mul3A_1691 : vector<16xf32>
      %reduce_sum3A_1693 = arith.constant true
      %reduce_sum3A_1694 = vector.broadcast %reduce_sum3A_1693 : i1 to vector<16xi1>
      %reduce_sum3A_1695 = tpu.scan <sum>, %add3A_1692 masked %reduce_sum3A_1694 : vector<16xf32>, vector<16xi1> -> vector<16xf32>
      %reduce_sum3A_1696 = vector.extract %reduce_sum3A_1695[15] : f32 from vector<16xf32>
      %eq3A_1697 = arith.constant 8 : i32
      %eq3A_1698 = vector.broadcast %eq3A_1697 : i32 to vector<16xi32>
      %eq3A_1699 = arith.cmpi eq, %iota3A, %eq3A_1698 : vector<16xi32>
      %broadcast_in_dim3A_1700 = vector.broadcast %reduce_sum3A_1696 : f32 to vector<16xf32>
      %select_n3A_1701 = arith.select %eq3A_1699, %broadcast_in_dim3A_1700, %select_n3A_1673 : vector<16xi1>, vector<16xf32>
      %get3A_1702 = arith.constant 9 : i32
      %get3A_1703 = arith.index_cast %get3A_1702 : i32 to index
      %get3A_1704 = arith.constant 0 : index
      %get3A_1705 = tpu.vector_load %arg9[%get3A_1703, %get3A_1704] {strides = array<i32>} : memref<32x32xf32, #tpu.memory_space<vmem>>, vector<16xf32>,
      %get3A_1706 = arith.constant 9 : i32
      %get3A_1707 = arith.index_cast %get3A_1706 : i32 to index
      %get3A_1708 = arith.constant 16 : index
      %get3A_1709 = tpu.vector_load %arg9[%get3A_1707, %get3A_1708] {strides = array<i32>} : memref<32x32xf32, #tpu.memory_space<vmem>>, vector<16xf32>,
      %get3A_1710 = arith.constant 9 : i32
      %get3A_1711 = arith.index_cast %get3A_1710 : i32 to index
      %get3A_1712 = arith.constant 0 : index
      %get3A_1713 = tpu.vector_load %arg10[%get3A_1711, %get3A_1712] {strides = array<i32>} : memref<32x32xf32, #tpu.memory_space<vmem>>, vector<16xf32>,
      %get3A_1714 = arith.constant 9 : i32
      %get3A_1715 = arith.index_cast %get3A_1714 : i32 to index
      %get3A_1716 = arith.constant 16 : index
      %get3A_1717 = tpu.vector_load %arg10[%get3A_1715, %get3A_1716] {strides = array<i32>} : memref<32x32xf32, #tpu.memory_space<vmem>>, vector<16xf32>,
      %mul3A_1718 = arith.mulf %get3A_1705, %get3A_1713 : vector<16xf32>
      %mul3A_1719 = arith.mulf %get3A_1709, %get3A_1717 : vector<16xf32>
      %add3A_1720 = arith.addf %mul3A_1718, %mul3A_1719 : vector<16xf32>
      %reduce_sum3A_1721 = arith.constant true
      %reduce_sum3A_1722 = vector.broadcast %reduce_sum3A_1721 : i1 to vector<16xi1>
      %reduce_sum3A_1723 = tpu.scan <sum>, %add3A_1720 masked %reduce_sum3A_1722 : vector<16xf32>, vector<16xi1> -> vector<16xf32>
      %reduce_sum3A_1724 = vector.extract %reduce_sum3A_1723[15] : f32 from vector<16xf32>
      %eq3A_1725 = arith.constant 9 : i32
      %eq3A_1726 = vector.broadcast %eq3A_1725 : i32 to vector<16xi32>
      %eq3A_1727 = arith.cmpi eq, %iota3A, %eq3A_1726 : vector<16xi32>
      %broadcast_in_dim3A_1728 = vector.broadcast %reduce_sum3A_1724 : f32 to vector<16xf32>
      %select_n3A_1729 = arith.select %eq3A_1727, %broadcast_in_dim3A_1728, %select_n3A_1701 : vector<16xi1>, vector<16xf32>
      %get3A_1730 = arith.constant 10 : i32
      %get3A_1731 = arith.index_cast %get3A_1730 : i32 to index
      %get3A_1732 = arith.constant 0 : index
      %get3A_1733 = tpu.vector_load %arg9[%get3A_1731, %get3A_1732] {strides = array<i32>} : memref<32x32xf32, #tpu.memory_space<vmem>>, vector<16xf32>,
      %get3A_1734 = arith.constant 10 : i32
      %get3A_1735 = arith.index_cast %get3A_1734 : i32 to index
      %get3A_1736 = arith.constant 16 : index
      %get3A_1737 = tpu.vector_load %arg9[%get3A_1735, %get3A_1736] {strides = array<i32>} : memref<32x32xf32, #tpu.memory_space<vmem>>, vector<16xf32>,
      %get3A_1738 = arith.constant 10 : i32
      %get3A_1739 = arith.index_cast %get3A_1738 : i32 to index
      %get3A_1740 = arith.constant 0 : index
      %get3A_1741 = tpu.vector_load %arg10[%get3A_1739, %get3A_1740] {strides = array<i32>} : memref<32x32xf32, #tpu.memory_space<vmem>>, vector<16xf32>,
      %get3A_1742 = arith.constant 10 : i32
      %get3A_1743 = arith.index_cast %get3A_1742 : i32 to index
      %get3A_1744 = arith.constant 16 : index
      %get3A_1745 = tpu.vector_load %arg10[%get3A_1743, %get3A_1744] {strides = array<i32>} : memref<32x32xf32, #tpu.memory_space<vmem>>, vector<16xf32>,
      %mul3A_1746 = arith.mulf %get3A_1733, %get3A_1741 : vector<16xf32>
      %mul3A_1747 = arith.mulf %get3A_1737, %get3A_1745 : vector<16xf32>
      %add3A_1748 = arith.addf %mul3A_1746, %mul3A_1747 : vector<16xf32>
      %reduce_sum3A_1749 = arith.constant true
      %reduce_sum3A_1750 = vector.broadcast %reduce_sum3A_1749 : i1 to vector<16xi1>
      %reduce_sum3A_1751 = tpu.scan <sum>, %add3A_1748 masked %reduce_sum3A_1750 : vector<16xf32>, vector<16xi1> -> vector<16xf32>
      %reduce_sum3A_1752 = vector.extract %reduce_sum3A_1751[15] : f32 from vector<16xf32>
      %eq3A_1753 = arith.constant 10 : i32
      %eq3A_1754 = vector.broadcast %eq3A_1753 : i32 to vector<16xi32>
      %eq3A_1755 = arith.cmpi eq, %iota3A, %eq3A_1754 : vector<16xi32>
      %broadcast_in_dim3A_1756 = vector.broadcast %reduce_sum3A_1752 : f32 to vector<16xf32>
      %select_n3A_1757 = arith.select %eq3A_1755, %broadcast_in_dim3A_1756, %select_n3A_1729 : vector<16xi1>, vector<16xf32>
      %get3A_1758 = arith.constant 11 : i32
      %get3A_1759 = arith.index_cast %get3A_1758 : i32 to index
      %get3A_1760 = arith.constant 0 : index
      %get3A_1761 = tpu.vector_load %arg9[%get3A_1759, %get3A_1760] {strides = array<i32>} : memref<32x32xf32, #tpu.memory_space<vmem>>, vector<16xf32>,
      %get3A_1762 = arith.constant 11 : i32
      %get3A_1763 = arith.index_cast %get3A_1762 : i32 to index
      %get3A_1764 = arith.constant 16 : index
      %get3A_1765 = tpu.vector_load %arg9[%get3A_1763, %get3A_1764] {strides = array<i32>} : memref<32x32xf32, #tpu.memory_space<vmem>>, vector<16xf32>,
      %get3A_1766 = arith.constant 11 : i32
      %get3A_1767 = arith.index_cast %get3A_1766 : i32 to index
      %get3A_1768 = arith.constant 0 : index
      %get3A_1769 = tpu.vector_load %arg10[%get3A_1767, %get3A_1768] {strides = array<i32>} : memref<32x32xf32, #tpu.memory_space<vmem>>, vector<16xf32>,
      %get3A_1770 = arith.constant 11 : i32
      %get3A_1771 = arith.index_cast %get3A_1770 : i32 to index
      %get3A_1772 = arith.constant 16 : index
      %get3A_1773 = tpu.vector_load %arg10[%get3A_1771, %get3A_1772] {strides = array<i32>} : memref<32x32xf32, #tpu.memory_space<vmem>>, vector<16xf32>,
      %mul3A_1774 = arith.mulf %get3A_1761, %get3A_1769 : vector<16xf32>
      %mul3A_1775 = arith.mulf %get3A_1765, %get3A_1773 : vector<16xf32>
      %add3A_1776 = arith.addf %mul3A_1774, %mul3A_1775 : vector<16xf32>
      %reduce_sum3A_1777 = arith.constant true
      %reduce_sum3A_1778 = vector.broadcast %reduce_sum3A_1777 : i1 to vector<16xi1>
      %reduce_sum3A_1779 = tpu.scan <sum>, %add3A_1776 masked %reduce_sum3A_1778 : vector<16xf32>, vector<16xi1> -> vector<16xf32>
      %reduce_sum3A_1780 = vector.extract %reduce_sum3A_1779[15] : f32 from vector<16xf32>
      %eq3A_1781 = arith.constant 11 : i32
      %eq3A_1782 = vector.broadcast %eq3A_1781 : i32 to vector<16xi32>
      %eq3A_1783 = arith.cmpi eq, %iota3A, %eq3A_1782 : vector<16xi32>
      %broadcast_in_dim3A_1784 = vector.broadcast %reduce_sum3A_1780 : f32 to vector<16xf32>
      %select_n3A_1785 = arith.select %eq3A_1783, %broadcast_in_dim3A_1784, %select_n3A_1757 : vector<16xi1>, vector<16xf32>
      %get3A_1786 = arith.constant 12 : i32
      %get3A_1787 = arith.index_cast %get3A_1786 : i32 to index
      %get3A_1788 = arith.constant 0 : index
      %get3A_1789 = tpu.vector_load %arg9[%get3A_1787, %get3A_1788] {strides = array<i32>} : memref<32x32xf32, #tpu.memory_space<vmem>>, vector<16xf32>,
      %get3A_1790 = arith.constant 12 : i32
      %get3A_1791 = arith.index_cast %get3A_1790 : i32 to index
      %get3A_1792 = arith.constant 16 : index
      %get3A_1793 = tpu.vector_load %arg9[%get3A_1791, %get3A_1792] {strides = array<i32>} : memref<32x32xf32, #tpu.memory_space<vmem>>, vector<16xf32>,
      %get3A_1794 = arith.constant 12 : i32
      %get3A_1795 = arith.index_cast %get3A_1794 : i32 to index
      %get3A_1796 = arith.constant 0 : index
      %get3A_1797 = tpu.vector_load %arg10[%get3A_1795, %get3A_1796] {strides = array<i32>} : memref<32x32xf32, #tpu.memory_space<vmem>>, vector<16xf32>,
      %get3A_1798 = arith.constant 12 : i32
      %get3A_1799 = arith.index_cast %get3A_1798 : i32 to index
      %get3A_1800 = arith.constant 16 : index
      %get3A_1801 = tpu.vector_load %arg10[%get3A_1799, %get3A_1800] {strides = array<i32>} : memref<32x32xf32, #tpu.memory_space<vmem>>, vector<16xf32>,
      %mul3A_1802 = arith.mulf %get3A_1789, %get3A_1797 : vector<16xf32>
      %mul3A_1803 = arith.mulf %get3A_1793, %get3A_1801 : vector<16xf32>
      %add3A_1804 = arith.addf %mul3A_1802, %mul3A_1803 : vector<16xf32>
      %reduce_sum3A_1805 = arith.constant true
      %reduce_sum3A_1806 = vector.broadcast %reduce_sum3A_1805 : i1 to vector<16xi1>
      %reduce_sum3A_1807 = tpu.scan <sum>, %add3A_1804 masked %reduce_sum3A_1806 : vector<16xf32>, vector<16xi1> -> vector<16xf32>
      %reduce_sum3A_1808 = vector.extract %reduce_sum3A_1807[15] : f32 from vector<16xf32>
      %eq3A_1809 = arith.constant 12 : i32
      %eq3A_1810 = vector.broadcast %eq3A_1809 : i32 to vector<16xi32>
      %eq3A_1811 = arith.cmpi eq, %iota3A, %eq3A_1810 : vector<16xi32>
      %broadcast_in_dim3A_1812 = vector.broadcast %reduce_sum3A_1808 : f32 to vector<16xf32>
      %select_n3A_1813 = arith.select %eq3A_1811, %broadcast_in_dim3A_1812, %select_n3A_1785 : vector<16xi1>, vector<16xf32>
      %get3A_1814 = arith.constant 13 : i32
      %get3A_1815 = arith.index_cast %get3A_1814 : i32 to index
      %get3A_1816 = arith.constant 0 : index
      %get3A_1817 = tpu.vector_load %arg9[%get3A_1815, %get3A_1816] {strides = array<i32>} : memref<32x32xf32, #tpu.memory_space<vmem>>, vector<16xf32>,
      %get3A_1818 = arith.constant 13 : i32
      %get3A_1819 = arith.index_cast %get3A_1818 : i32 to index
      %get3A_1820 = arith.constant 16 : index
      %get3A_1821 = tpu.vector_load %arg9[%get3A_1819, %get3A_1820] {strides = array<i32>} : memref<32x32xf32, #tpu.memory_space<vmem>>, vector<16xf32>,
      %get3A_1822 = arith.constant 13 : i32
      %get3A_1823 = arith.index_cast %get3A_1822 : i32 to index
      %get3A_1824 = arith.constant 0 : index
      %get3A_1825 = tpu.vector_load %arg10[%get3A_1823, %get3A_1824] {strides = array<i32>} : memref<32x32xf32, #tpu.memory_space<vmem>>, vector<16xf32>,
      %get3A_1826 = arith.constant 13 : i32
      %get3A_1827 = arith.index_cast %get3A_1826 : i32 to index
      %get3A_1828 = arith.constant 16 : index
      %get3A_1829 = tpu.vector_load %arg10[%get3A_1827, %get3A_1828] {strides = array<i32>} : memref<32x32xf32, #tpu.memory_space<vmem>>, vector<16xf32>,
      %mul3A_1830 = arith.mulf %get3A_1817, %get3A_1825 : vector<16xf32>
      %mul3A_1831 = arith.mulf %get3A_1821, %get3A_1829 : vector<16xf32>
      %add3A_1832 = arith.addf %mul3A_1830, %mul3A_1831 : vector<16xf32>
      %reduce_sum3A_1833 = arith.constant true
      %reduce_sum3A_1834 = vector.broadcast %reduce_sum3A_1833 : i1 to vector<16xi1>
      %reduce_sum3A_1835 = tpu.scan <sum>, %add3A_1832 masked %reduce_sum3A_1834 : vector<16xf32>, vector<16xi1> -> vector<16xf32>
      %reduce_sum3A_1836 = vector.extract %reduce_sum3A_1835[15] : f32 from vector<16xf32>
      %eq3A_1837 = arith.constant 13 : i32
      %eq3A_1838 = vector.broadcast %eq3A_1837 : i32 to vector<16xi32>
      %eq3A_1839 = arith.cmpi eq, %iota3A, %eq3A_1838 : vector<16xi32>
      %broadcast_in_dim3A_1840 = vector.broadcast %reduce_sum3A_1836 : f32 to vector<16xf32>
      %select_n3A_1841 = arith.select %eq3A_1839, %broadcast_in_dim3A_1840, %select_n3A_1813 : vector<16xi1>, vector<16xf32>
      %get3A_1842 = arith.constant 14 : i32
      %get3A_1843 = arith.index_cast %get3A_1842 : i32 to index
      %get3A_1844 = arith.constant 0 : index
      %get3A_1845 = tpu.vector_load %arg9[%get3A_1843, %get3A_1844] {strides = array<i32>} : memref<32x32xf32, #tpu.memory_space<vmem>>, vector<16xf32>,
      %get3A_1846 = arith.constant 14 : i32
      %get3A_1847 = arith.index_cast %get3A_1846 : i32 to index
      %get3A_1848 = arith.constant 16 : index
      %get3A_1849 = tpu.vector_load %arg9[%get3A_1847, %get3A_1848] {strides = array<i32>} : memref<32x32xf32, #tpu.memory_space<vmem>>, vector<16xf32>,
      %get3A_1850 = arith.constant 14 : i32
      %get3A_1851 = arith.index_cast %get3A_1850 : i32 to index
      %get3A_1852 = arith.constant 0 : index
      %get3A_1853 = tpu.vector_load %arg10[%get3A_1851, %get3A_1852] {strides = array<i32>} : memref<32x32xf32, #tpu.memory_space<vmem>>, vector<16xf32>,
      %get3A_1854 = arith.constant 14 : i32
      %get3A_1855 = arith.index_cast %get3A_1854 : i32 to index
      %get3A_1856 = arith.constant 16 : index
      %get3A_1857 = tpu.vector_load %arg10[%get3A_1855, %get3A_1856] {strides = array<i32>} : memref<32x32xf32, #tpu.memory_space<vmem>>, vector<16xf32>,
      %mul3A_1858 = arith.mulf %get3A_1845, %get3A_1853 : vector<16xf32>
      %mul3A_1859 = arith.mulf %get3A_1849, %get3A_1857 : vector<16xf32>
      %add3A_1860 = arith.addf %mul3A_1858, %mul3A_1859 : vector<16xf32>
      %reduce_sum3A_1861 = arith.constant true
      %reduce_sum3A_1862 = vector.broadcast %reduce_sum3A_1861 : i1 to vector<16xi1>
      %reduce_sum3A_1863 = tpu.scan <sum>, %add3A_1860 masked %reduce_sum3A_1862 : vector<16xf32>, vector<16xi1> -> vector<16xf32>
      %reduce_sum3A_1864 = vector.extract %reduce_sum3A_1863[15] : f32 from vector<16xf32>
      %eq3A_1865 = arith.constant 14 : i32
      %eq3A_1866 = vector.broadcast %eq3A_1865 : i32 to vector<16xi32>
      %eq3A_1867 = arith.cmpi eq, %iota3A, %eq3A_1866 : vector<16xi32>
      %broadcast_in_dim3A_1868 = vector.broadcast %reduce_sum3A_1864 : f32 to vector<16xf32>
      %select_n3A_1869 = arith.select %eq3A_1867, %broadcast_in_dim3A_1868, %select_n3A_1841 : vector<16xi1>, vector<16xf32>
      %get3A_1870 = arith.constant 15 : i32
      %get3A_1871 = arith.index_cast %get3A_1870 : i32 to index
      %get3A_1872 = arith.constant 0 : index
      %get3A_1873 = tpu.vector_load %arg9[%get3A_1871, %get3A_1872] {strides = array<i32>} : memref<32x32xf32, #tpu.memory_space<vmem>>, vector<16xf32>,
      %get3A_1874 = arith.constant 15 : i32
      %get3A_1875 = arith.index_cast %get3A_1874 : i32 to index
      %get3A_1876 = arith.constant 16 : index
      %get3A_1877 = tpu.vector_load %arg9[%get3A_1875, %get3A_1876] {strides = array<i32>} : memref<32x32xf32, #tpu.memory_space<vmem>>, vector<16xf32>,
      %get3A_1878 = arith.constant 15 : i32
      %get3A_1879 = arith.index_cast %get3A_1878 : i32 to index
      %get3A_1880 = arith.constant 0 : index
      %get3A_1881 = tpu.vector_load %arg10[%get3A_1879, %get3A_1880] {strides = array<i32>} : memref<32x32xf32, #tpu.memory_space<vmem>>, vector<16xf32>,
      %get3A_1882 = arith.constant 15 : i32
      %get3A_1883 = arith.index_cast %get3A_1882 : i32 to index
      %get3A_1884 = arith.constant 16 : index
      %get3A_1885 = tpu.vector_load %arg10[%get3A_1883, %get3A_1884] {strides = array<i32>} : memref<32x32xf32, #tpu.memory_space<vmem>>, vector<16xf32>,
      %mul3A_1886 = arith.mulf %get3A_1873, %get3A_1881 : vector<16xf32>
      %mul3A_1887 = arith.mulf %get3A_1877, %get3A_1885 : vector<16xf32>
      %add3A_1888 = arith.addf %mul3A_1886, %mul3A_1887 : vector<16xf32>
      %reduce_sum3A_1889 = arith.constant true
      %reduce_sum3A_1890 = vector.broadcast %reduce_sum3A_1889 : i1 to vector<16xi1>
      %reduce_sum3A_1891 = tpu.scan <sum>, %add3A_1888 masked %reduce_sum3A_1890 : vector<16xf32>, vector<16xi1> -> vector<16xf32>
      %reduce_sum3A_1892 = vector.extract %reduce_sum3A_1891[15] : f32 from vector<16xf32>
      %eq3A_1893 = arith.constant 15 : i32
      %eq3A_1894 = vector.broadcast %eq3A_1893 : i32 to vector<16xi32>
      %eq3A_1895 = arith.cmpi eq, %iota3A, %eq3A_1894 : vector<16xi32>
      %broadcast_in_dim3A_1896 = vector.broadcast %reduce_sum3A_1892 : f32 to vector<16xf32>
      %select_n3A_1897 = arith.select %eq3A_1895, %broadcast_in_dim3A_1896, %select_n3A_1869 : vector<16xi1>, vector<16xf32>
      %mul3A_1898 = arith.constant 2 : i32
      %mul3A_1899 = arith.muli %scan3A_14, %mul3A_1898 : i32
      %mul3A_1900 = arith.constant 16 : i32
      %mul3A_1901 = arith.muli %mul3A_1899, %mul3A_1900 : i32
      %add3A_1902 = arith.constant 0 : i32
      %add3A_1903 = arith.addi %mul3A_1901, %add3A_1902 : i32
      %swap3A = arith.index_cast %add3A_1903 : i32 to index
      %swap3A_1904 = tpu.vector_load %arg11[%swap3A] {strides = array<i32>} : memref<512xf32, #tpu.memory_space<vmem>>, vector<16xf32>,
      tpu.vector_store %arg11[%swap3A], %select_n3A_1897 {strides = array<i32>} : memref<512xf32, #tpu.memory_space<vmem>>, vector<16xf32>,
      %broadcast_in_dim3A_1905 = arith.constant 0.000000e+00 : f32
      %broadcast_in_dim3A_1906 = vector.broadcast %broadcast_in_dim3A_1905 : f32 to vector<16xf32>
      %get3A_1907 = arith.constant 16 : i32
      %get3A_1908 = arith.index_cast %get3A_1907 : i32 to index
      %get3A_1909 = arith.constant 0 : index
      %get3A_1910 = tpu.vector_load %arg9[%get3A_1908, %get3A_1909] {strides = array<i32>} : memref<32x32xf32, #tpu.memory_space<vmem>>, vector<16xf32>,
      %get3A_1911 = arith.constant 16 : i32
      %get3A_1912 = arith.index_cast %get3A_1911 : i32 to index
      %get3A_1913 = arith.constant 16 : index
      %get3A_1914 = tpu.vector_load %arg9[%get3A_1912, %get3A_1913] {strides = array<i32>} : memref<32x32xf32, #tpu.memory_space<vmem>>, vector<16xf32>,
      %get3A_1915 = arith.constant 16 : i32
      %get3A_1916 = arith.index_cast %get3A_1915 : i32 to index
      %get3A_1917 = arith.constant 0 : index
      %get3A_1918 = tpu.vector_load %arg10[%get3A_1916, %get3A_1917] {strides = array<i32>} : memref<32x32xf32, #tpu.memory_space<vmem>>, vector<16xf32>,
      %get3A_1919 = arith.constant 16 : i32
      %get3A_1920 = arith.index_cast %get3A_1919 : i32 to index
      %get3A_1921 = arith.constant 16 : index
      %get3A_1922 = tpu.vector_load %arg10[%get3A_1920, %get3A_1921] {strides = array<i32>} : memref<32x32xf32, #tpu.memory_space<vmem>>, vector<16xf32>,
      %mul3A_1923 = arith.mulf %get3A_1910, %get3A_1918 : vector<16xf32>
      %mul3A_1924 = arith.mulf %get3A_1914, %get3A_1922 : vector<16xf32>
      %add3A_1925 = arith.addf %mul3A_1923, %mul3A_1924 : vector<16xf32>
      %reduce_sum3A_1926 = arith.constant true
      %reduce_sum3A_1927 = vector.broadcast %reduce_sum3A_1926 : i1 to vector<16xi1>
      %reduce_sum3A_1928 = tpu.scan <sum>, %add3A_1925 masked %reduce_sum3A_1927 : vector<16xf32>, vector<16xi1> -> vector<16xf32>
      %reduce_sum3A_1929 = vector.extract %reduce_sum3A_1928[15] : f32 from vector<16xf32>
      %eq3A_1930 = arith.constant 0 : i32
      %eq3A_1931 = vector.broadcast %eq3A_1930 : i32 to vector<16xi32>
      %eq3A_1932 = arith.cmpi eq, %iota3A, %eq3A_1931 : vector<16xi32>
      %broadcast_in_dim3A_1933 = vector.broadcast %reduce_sum3A_1929 : f32 to vector<16xf32>
      %select_n3A_1934 = arith.select %eq3A_1932, %broadcast_in_dim3A_1933, %broadcast_in_dim3A_1906 : vector<16xi1>, vector<16xf32>
      %get3A_1935 = arith.constant 17 : i32
      %get3A_1936 = arith.index_cast %get3A_1935 : i32 to index
      %get3A_1937 = arith.constant 0 : index
      %get3A_1938 = tpu.vector_load %arg9[%get3A_1936, %get3A_1937] {strides = array<i32>} : memref<32x32xf32, #tpu.memory_space<vmem>>, vector<16xf32>,
      %get3A_1939 = arith.constant 17 : i32
      %get3A_1940 = arith.index_cast %get3A_1939 : i32 to index
      %get3A_1941 = arith.constant 16 : index
      %get3A_1942 = tpu.vector_load %arg9[%get3A_1940, %get3A_1941] {strides = array<i32>} : memref<32x32xf32, #tpu.memory_space<vmem>>, vector<16xf32>,
      %get3A_1943 = arith.constant 17 : i32
      %get3A_1944 = arith.index_cast %get3A_1943 : i32 to index
      %get3A_1945 = arith.constant 0 : index
      %get3A_1946 = tpu.vector_load %arg10[%get3A_1944, %get3A_1945] {strides = array<i32>} : memref<32x32xf32, #tpu.memory_space<vmem>>, vector<16xf32>,
      %get3A_1947 = arith.constant 17 : i32
      %get3A_1948 = arith.index_cast %get3A_1947 : i32 to index
      %get3A_1949 = arith.constant 16 : index
      %get3A_1950 = tpu.vector_load %arg10[%get3A_1948, %get3A_1949] {strides = array<i32>} : memref<32x32xf32, #tpu.memory_space<vmem>>, vector<16xf32>,
      %mul3A_1951 = arith.mulf %get3A_1938, %get3A_1946 : vector<16xf32>
      %mul3A_1952 = arith.mulf %get3A_1942, %get3A_1950 : vector<16xf32>
      %add3A_1953 = arith.addf %mul3A_1951, %mul3A_1952 : vector<16xf32>
      %reduce_sum3A_1954 = arith.constant true
      %reduce_sum3A_1955 = vector.broadcast %reduce_sum3A_1954 : i1 to vector<16xi1>
      %reduce_sum3A_1956 = tpu.scan <sum>, %add3A_1953 masked %reduce_sum3A_1955 : vector<16xf32>, vector<16xi1> -> vector<16xf32>
      %reduce_sum3A_1957 = vector.extract %reduce_sum3A_1956[15] : f32 from vector<16xf32>
      %eq3A_1958 = arith.constant 1 : i32
      %eq3A_1959 = vector.broadcast %eq3A_1958 : i32 to vector<16xi32>
      %eq3A_1960 = arith.cmpi eq, %iota3A, %eq3A_1959 : vector<16xi32>
      %broadcast_in_dim3A_1961 = vector.broadcast %reduce_sum3A_1957 : f32 to vector<16xf32>
      %select_n3A_1962 = arith.select %eq3A_1960, %broadcast_in_dim3A_1961, %select_n3A_1934 : vector<16xi1>, vector<16xf32>
      %get3A_1963 = arith.constant 18 : i32
      %get3A_1964 = arith.index_cast %get3A_1963 : i32 to index
      %get3A_1965 = arith.constant 0 : index
      %get3A_1966 = tpu.vector_load %arg9[%get3A_1964, %get3A_1965] {strides = array<i32>} : memref<32x32xf32, #tpu.memory_space<vmem>>, vector<16xf32>,
      %get3A_1967 = arith.constant 18 : i32
      %get3A_1968 = arith.index_cast %get3A_1967 : i32 to index
      %get3A_1969 = arith.constant 16 : index
      %get3A_1970 = tpu.vector_load %arg9[%get3A_1968, %get3A_1969] {strides = array<i32>} : memref<32x32xf32, #tpu.memory_space<vmem>>, vector<16xf32>,
      %get3A_1971 = arith.constant 18 : i32
      %get3A_1972 = arith.index_cast %get3A_1971 : i32 to index
      %get3A_1973 = arith.constant 0 : index
      %get3A_1974 = tpu.vector_load %arg10[%get3A_1972, %get3A_1973] {strides = array<i32>} : memref<32x32xf32, #tpu.memory_space<vmem>>, vector<16xf32>,
      %get3A_1975 = arith.constant 18 : i32
      %get3A_1976 = arith.index_cast %get3A_1975 : i32 to index
      %get3A_1977 = arith.constant 16 : index
      %get3A_1978 = tpu.vector_load %arg10[%get3A_1976, %get3A_1977] {strides = array<i32>} : memref<32x32xf32, #tpu.memory_space<vmem>>, vector<16xf32>,
      %mul3A_1979 = arith.mulf %get3A_1966, %get3A_1974 : vector<16xf32>
      %mul3A_1980 = arith.mulf %get3A_1970, %get3A_1978 : vector<16xf32>
      %add3A_1981 = arith.addf %mul3A_1979, %mul3A_1980 : vector<16xf32>
      %reduce_sum3A_1982 = arith.constant true
      %reduce_sum3A_1983 = vector.broadcast %reduce_sum3A_1982 : i1 to vector<16xi1>
      %reduce_sum3A_1984 = tpu.scan <sum>, %add3A_1981 masked %reduce_sum3A_1983 : vector<16xf32>, vector<16xi1> -> vector<16xf32>
      %reduce_sum3A_1985 = vector.extract %reduce_sum3A_1984[15] : f32 from vector<16xf32>
      %eq3A_1986 = arith.constant 2 : i32
      %eq3A_1987 = vector.broadcast %eq3A_1986 : i32 to vector<16xi32>
      %eq3A_1988 = arith.cmpi eq, %iota3A, %eq3A_1987 : vector<16xi32>
      %broadcast_in_dim3A_1989 = vector.broadcast %reduce_sum3A_1985 : f32 to vector<16xf32>
      %select_n3A_1990 = arith.select %eq3A_1988, %broadcast_in_dim3A_1989, %select_n3A_1962 : vector<16xi1>, vector<16xf32>
      %get3A_1991 = arith.constant 19 : i32
      %get3A_1992 = arith.index_cast %get3A_1991 : i32 to index
      %get3A_1993 = arith.constant 0 : index
      %get3A_1994 = tpu.vector_load %arg9[%get3A_1992, %get3A_1993] {strides = array<i32>} : memref<32x32xf32, #tpu.memory_space<vmem>>, vector<16xf32>,
      %get3A_1995 = arith.constant 19 : i32
      %get3A_1996 = arith.index_cast %get3A_1995 : i32 to index
      %get3A_1997 = arith.constant 16 : index
      %get3A_1998 = tpu.vector_load %arg9[%get3A_1996, %get3A_1997] {strides = array<i32>} : memref<32x32xf32, #tpu.memory_space<vmem>>, vector<16xf32>,
      %get3A_1999 = arith.constant 19 : i32
      %get3A_2000 = arith.index_cast %get3A_1999 : i32 to index
      %get3A_2001 = arith.constant 0 : index
      %get3A_2002 = tpu.vector_load %arg10[%get3A_2000, %get3A_2001] {strides = array<i32>} : memref<32x32xf32, #tpu.memory_space<vmem>>, vector<16xf32>,
      %get3A_2003 = arith.constant 19 : i32
      %get3A_2004 = arith.index_cast %get3A_2003 : i32 to index
      %get3A_2005 = arith.constant 16 : index
      %get3A_2006 = tpu.vector_load %arg10[%get3A_2004, %get3A_2005] {strides = array<i32>} : memref<32x32xf32, #tpu.memory_space<vmem>>, vector<16xf32>,
      %mul3A_2007 = arith.mulf %get3A_1994, %get3A_2002 : vector<16xf32>
      %mul3A_2008 = arith.mulf %get3A_1998, %get3A_2006 : vector<16xf32>
      %add3A_2009 = arith.addf %mul3A_2007, %mul3A_2008 : vector<16xf32>
      %reduce_sum3A_2010 = arith.constant true
      %reduce_sum3A_2011 = vector.broadcast %reduce_sum3A_2010 : i1 to vector<16xi1>
      %reduce_sum3A_2012 = tpu.scan <sum>, %add3A_2009 masked %reduce_sum3A_2011 : vector<16xf32>, vector<16xi1> -> vector<16xf32>
      %reduce_sum3A_2013 = vector.extract %reduce_sum3A_2012[15] : f32 from vector<16xf32>
      %eq3A_2014 = arith.constant 3 : i32
      %eq3A_2015 = vector.broadcast %eq3A_2014 : i32 to vector<16xi32>
      %eq3A_2016 = arith.cmpi eq, %iota3A, %eq3A_2015 : vector<16xi32>
      %broadcast_in_dim3A_2017 = vector.broadcast %reduce_sum3A_2013 : f32 to vector<16xf32>
      %select_n3A_2018 = arith.select %eq3A_2016, %broadcast_in_dim3A_2017, %select_n3A_1990 : vector<16xi1>, vector<16xf32>
      %get3A_2019 = arith.constant 20 : i32
      %get3A_2020 = arith.index_cast %get3A_2019 : i32 to index
      %get3A_2021 = arith.constant 0 : index
      %get3A_2022 = tpu.vector_load %arg9[%get3A_2020, %get3A_2021] {strides = array<i32>} : memref<32x32xf32, #tpu.memory_space<vmem>>, vector<16xf32>,
      %get3A_2023 = arith.constant 20 : i32
      %get3A_2024 = arith.index_cast %get3A_2023 : i32 to index
      %get3A_2025 = arith.constant 16 : index
      %get3A_2026 = tpu.vector_load %arg9[%get3A_2024, %get3A_2025] {strides = array<i32>} : memref<32x32xf32, #tpu.memory_space<vmem>>, vector<16xf32>,
      %get3A_2027 = arith.constant 20 : i32
      %get3A_2028 = arith.index_cast %get3A_2027 : i32 to index
      %get3A_2029 = arith.constant 0 : index
      %get3A_2030 = tpu.vector_load %arg10[%get3A_2028, %get3A_2029] {strides = array<i32>} : memref<32x32xf32, #tpu.memory_space<vmem>>, vector<16xf32>,
      %get3A_2031 = arith.constant 20 : i32
      %get3A_2032 = arith.index_cast %get3A_2031 : i32 to index
      %get3A_2033 = arith.constant 16 : index
      %get3A_2034 = tpu.vector_load %arg10[%get3A_2032, %get3A_2033] {strides = array<i32>} : memref<32x32xf32, #tpu.memory_space<vmem>>, vector<16xf32>,
      %mul3A_2035 = arith.mulf %get3A_2022, %get3A_2030 : vector<16xf32>
      %mul3A_2036 = arith.mulf %get3A_2026, %get3A_2034 : vector<16xf32>
      %add3A_2037 = arith.addf %mul3A_2035, %mul3A_2036 : vector<16xf32>
      %reduce_sum3A_2038 = arith.constant true
      %reduce_sum3A_2039 = vector.broadcast %reduce_sum3A_2038 : i1 to vector<16xi1>
      %reduce_sum3A_2040 = tpu.scan <sum>, %add3A_2037 masked %reduce_sum3A_2039 : vector<16xf32>, vector<16xi1> -> vector<16xf32>
      %reduce_sum3A_2041 = vector.extract %reduce_sum3A_2040[15] : f32 from vector<16xf32>
      %eq3A_2042 = arith.constant 4 : i32
      %eq3A_2043 = vector.broadcast %eq3A_2042 : i32 to vector<16xi32>
      %eq3A_2044 = arith.cmpi eq, %iota3A, %eq3A_2043 : vector<16xi32>
      %broadcast_in_dim3A_2045 = vector.broadcast %reduce_sum3A_2041 : f32 to vector<16xf32>
      %select_n3A_2046 = arith.select %eq3A_2044, %broadcast_in_dim3A_2045, %select_n3A_2018 : vector<16xi1>, vector<16xf32>
      %get3A_2047 = arith.constant 21 : i32
      %get3A_2048 = arith.index_cast %get3A_2047 : i32 to index
      %get3A_2049 = arith.constant 0 : index
      %get3A_2050 = tpu.vector_load %arg9[%get3A_2048, %get3A_2049] {strides = array<i32>} : memref<32x32xf32, #tpu.memory_space<vmem>>, vector<16xf32>,
      %get3A_2051 = arith.constant 21 : i32
      %get3A_2052 = arith.index_cast %get3A_2051 : i32 to index
      %get3A_2053 = arith.constant 16 : index
      %get3A_2054 = tpu.vector_load %arg9[%get3A_2052, %get3A_2053] {strides = array<i32>} : memref<32x32xf32, #tpu.memory_space<vmem>>, vector<16xf32>,
      %get3A_2055 = arith.constant 21 : i32
      %get3A_2056 = arith.index_cast %get3A_2055 : i32 to index
      %get3A_2057 = arith.constant 0 : index
      %get3A_2058 = tpu.vector_load %arg10[%get3A_2056, %get3A_2057] {strides = array<i32>} : memref<32x32xf32, #tpu.memory_space<vmem>>, vector<16xf32>,
      %get3A_2059 = arith.constant 21 : i32
      %get3A_2060 = arith.index_cast %get3A_2059 : i32 to index
      %get3A_2061 = arith.constant 16 : index
      %get3A_2062 = tpu.vector_load %arg10[%get3A_2060, %get3A_2061] {strides = array<i32>} : memref<32x32xf32, #tpu.memory_space<vmem>>, vector<16xf32>,
      %mul3A_2063 = arith.mulf %get3A_2050, %get3A_2058 : vector<16xf32>
      %mul3A_2064 = arith.mulf %get3A_2054, %get3A_2062 : vector<16xf32>
      %add3A_2065 = arith.addf %mul3A_2063, %mul3A_2064 : vector<16xf32>
      %reduce_sum3A_2066 = arith.constant true
      %reduce_sum3A_2067 = vector.broadcast %reduce_sum3A_2066 : i1 to vector<16xi1>
      %reduce_sum3A_2068 = tpu.scan <sum>, %add3A_2065 masked %reduce_sum3A_2067 : vector<16xf32>, vector<16xi1> -> vector<16xf32>
      %reduce_sum3A_2069 = vector.extract %reduce_sum3A_2068[15] : f32 from vector<16xf32>
      %eq3A_2070 = arith.constant 5 : i32
      %eq3A_2071 = vector.broadcast %eq3A_2070 : i32 to vector<16xi32>
      %eq3A_2072 = arith.cmpi eq, %iota3A, %eq3A_2071 : vector<16xi32>
      %broadcast_in_dim3A_2073 = vector.broadcast %reduce_sum3A_2069 : f32 to vector<16xf32>
      %select_n3A_2074 = arith.select %eq3A_2072, %broadcast_in_dim3A_2073, %select_n3A_2046 : vector<16xi1>, vector<16xf32>
      %get3A_2075 = arith.constant 22 : i32
      %get3A_2076 = arith.index_cast %get3A_2075 : i32 to index
      %get3A_2077 = arith.constant 0 : index
      %get3A_2078 = tpu.vector_load %arg9[%get3A_2076, %get3A_2077] {strides = array<i32>} : memref<32x32xf32, #tpu.memory_space<vmem>>, vector<16xf32>,
      %get3A_2079 = arith.constant 22 : i32
      %get3A_2080 = arith.index_cast %get3A_2079 : i32 to index
      %get3A_2081 = arith.constant 16 : index
      %get3A_2082 = tpu.vector_load %arg9[%get3A_2080, %get3A_2081] {strides = array<i32>} : memref<32x32xf32, #tpu.memory_space<vmem>>, vector<16xf32>,
      %get3A_2083 = arith.constant 22 : i32
      %get3A_2084 = arith.index_cast %get3A_2083 : i32 to index
      %get3A_2085 = arith.constant 0 : index
      %get3A_2086 = tpu.vector_load %arg10[%get3A_2084, %get3A_2085] {strides = array<i32>} : memref<32x32xf32, #tpu.memory_space<vmem>>, vector<16xf32>,
      %get3A_2087 = arith.constant 22 : i32
      %get3A_2088 = arith.index_cast %get3A_2087 : i32 to index
      %get3A_2089 = arith.constant 16 : index
      %get3A_2090 = tpu.vector_load %arg10[%get3A_2088, %get3A_2089] {strides = array<i32>} : memref<32x32xf32, #tpu.memory_space<vmem>>, vector<16xf32>,
      %mul3A_2091 = arith.mulf %get3A_2078, %get3A_2086 : vector<16xf32>
      %mul3A_2092 = arith.mulf %get3A_2082, %get3A_2090 : vector<16xf32>
      %add3A_2093 = arith.addf %mul3A_2091, %mul3A_2092 : vector<16xf32>
      %reduce_sum3A_2094 = arith.constant true
      %reduce_sum3A_2095 = vector.broadcast %reduce_sum3A_2094 : i1 to vector<16xi1>
      %reduce_sum3A_2096 = tpu.scan <sum>, %add3A_2093 masked %reduce_sum3A_2095 : vector<16xf32>, vector<16xi1> -> vector<16xf32>
      %reduce_sum3A_2097 = vector.extract %reduce_sum3A_2096[15] : f32 from vector<16xf32>
      %eq3A_2098 = arith.constant 6 : i32
      %eq3A_2099 = vector.broadcast %eq3A_2098 : i32 to vector<16xi32>
      %eq3A_2100 = arith.cmpi eq, %iota3A, %eq3A_2099 : vector<16xi32>
      %broadcast_in_dim3A_2101 = vector.broadcast %reduce_sum3A_2097 : f32 to vector<16xf32>
      %select_n3A_2102 = arith.select %eq3A_2100, %broadcast_in_dim3A_2101, %select_n3A_2074 : vector<16xi1>, vector<16xf32>
      %get3A_2103 = arith.constant 23 : i32
      %get3A_2104 = arith.index_cast %get3A_2103 : i32 to index
      %get3A_2105 = arith.constant 0 : index
      %get3A_2106 = tpu.vector_load %arg9[%get3A_2104, %get3A_2105] {strides = array<i32>} : memref<32x32xf32, #tpu.memory_space<vmem>>, vector<16xf32>,
      %get3A_2107 = arith.constant 23 : i32
      %get3A_2108 = arith.index_cast %get3A_2107 : i32 to index
      %get3A_2109 = arith.constant 16 : index
      %get3A_2110 = tpu.vector_load %arg9[%get3A_2108, %get3A_2109] {strides = array<i32>} : memref<32x32xf32, #tpu.memory_space<vmem>>, vector<16xf32>,
      %get3A_2111 = arith.constant 23 : i32
      %get3A_2112 = arith.index_cast %get3A_2111 : i32 to index
      %get3A_2113 = arith.constant 0 : index
      %get3A_2114 = tpu.vector_load %arg10[%get3A_2112, %get3A_2113] {strides = array<i32>} : memref<32x32xf32, #tpu.memory_space<vmem>>, vector<16xf32>,
      %get3A_2115 = arith.constant 23 : i32
      %get3A_2116 = arith.index_cast %get3A_2115 : i32 to index
      %get3A_2117 = arith.constant 16 : index
      %get3A_2118 = tpu.vector_load %arg10[%get3A_2116, %get3A_2117] {strides = array<i32>} : memref<32x32xf32, #tpu.memory_space<vmem>>, vector<16xf32>,
      %mul3A_2119 = arith.mulf %get3A_2106, %get3A_2114 : vector<16xf32>
      %mul3A_2120 = arith.mulf %get3A_2110, %get3A_2118 : vector<16xf32>
      %add3A_2121 = arith.addf %mul3A_2119, %mul3A_2120 : vector<16xf32>
      %reduce_sum3A_2122 = arith.constant true
      %reduce_sum3A_2123 = vector.broadcast %reduce_sum3A_2122 : i1 to vector<16xi1>
      %reduce_sum3A_2124 = tpu.scan <sum>, %add3A_2121 masked %reduce_sum3A_2123 : vector<16xf32>, vector<16xi1> -> vector<16xf32>
      %reduce_sum3A_2125 = vector.extract %reduce_sum3A_2124[15] : f32 from vector<16xf32>
      %eq3A_2126 = arith.constant 7 : i32
      %eq3A_2127 = vector.broadcast %eq3A_2126 : i32 to vector<16xi32>
      %eq3A_2128 = arith.cmpi eq, %iota3A, %eq3A_2127 : vector<16xi32>
      %broadcast_in_dim3A_2129 = vector.broadcast %reduce_sum3A_2125 : f32 to vector<16xf32>
      %select_n3A_2130 = arith.select %eq3A_2128, %broadcast_in_dim3A_2129, %select_n3A_2102 : vector<16xi1>, vector<16xf32>
      %get3A_2131 = arith.constant 24 : i32
      %get3A_2132 = arith.index_cast %get3A_2131 : i32 to index
      %get3A_2133 = arith.constant 0 : index
      %get3A_2134 = tpu.vector_load %arg9[%get3A_2132, %get3A_2133] {strides = array<i32>} : memref<32x32xf32, #tpu.memory_space<vmem>>, vector<16xf32>,
      %get3A_2135 = arith.constant 24 : i32
      %get3A_2136 = arith.index_cast %get3A_2135 : i32 to index
      %get3A_2137 = arith.constant 16 : index
      %get3A_2138 = tpu.vector_load %arg9[%get3A_2136, %get3A_2137] {strides = array<i32>} : memref<32x32xf32, #tpu.memory_space<vmem>>, vector<16xf32>,
      %get3A_2139 = arith.constant 24 : i32
      %get3A_2140 = arith.index_cast %get3A_2139 : i32 to index
      %get3A_2141 = arith.constant 0 : index
      %get3A_2142 = tpu.vector_load %arg10[%get3A_2140, %get3A_2141] {strides = array<i32>} : memref<32x32xf32, #tpu.memory_space<vmem>>, vector<16xf32>,
      %get3A_2143 = arith.constant 24 : i32
      %get3A_2144 = arith.index_cast %get3A_2143 : i32 to index
      %get3A_2145 = arith.constant 16 : index
      %get3A_2146 = tpu.vector_load %arg10[%get3A_2144, %get3A_2145] {strides = array<i32>} : memref<32x32xf32, #tpu.memory_space<vmem>>, vector<16xf32>,
      %mul3A_2147 = arith.mulf %get3A_2134, %get3A_2142 : vector<16xf32>
      %mul3A_2148 = arith.mulf %get3A_2138, %get3A_2146 : vector<16xf32>
      %add3A_2149 = arith.addf %mul3A_2147, %mul3A_2148 : vector<16xf32>
      %reduce_sum3A_2150 = arith.constant true
      %reduce_sum3A_2151 = vector.broadcast %reduce_sum3A_2150 : i1 to vector<16xi1>
      %reduce_sum3A_2152 = tpu.scan <sum>, %add3A_2149 masked %reduce_sum3A_2151 : vector<16xf32>, vector<16xi1> -> vector<16xf32>
      %reduce_sum3A_2153 = vector.extract %reduce_sum3A_2152[15] : f32 from vector<16xf32>
      %eq3A_2154 = arith.constant 8 : i32
      %eq3A_2155 = vector.broadcast %eq3A_2154 : i32 to vector<16xi32>
      %eq3A_2156 = arith.cmpi eq, %iota3A, %eq3A_2155 : vector<16xi32>
      %broadcast_in_dim3A_2157 = vector.broadcast %reduce_sum3A_2153 : f32 to vector<16xf32>
      %select_n3A_2158 = arith.select %eq3A_2156, %broadcast_in_dim3A_2157, %select_n3A_2130 : vector<16xi1>, vector<16xf32>
      %get3A_2159 = arith.constant 25 : i32
      %get3A_2160 = arith.index_cast %get3A_2159 : i32 to index
      %get3A_2161 = arith.constant 0 : index
      %get3A_2162 = tpu.vector_load %arg9[%get3A_2160, %get3A_2161] {strides = array<i32>} : memref<32x32xf32, #tpu.memory_space<vmem>>, vector<16xf32>,
      %get3A_2163 = arith.constant 25 : i32
      %get3A_2164 = arith.index_cast %get3A_2163 : i32 to index
      %get3A_2165 = arith.constant 16 : index
      %get3A_2166 = tpu.vector_load %arg9[%get3A_2164, %get3A_2165] {strides = array<i32>} : memref<32x32xf32, #tpu.memory_space<vmem>>, vector<16xf32>,
      %get3A_2167 = arith.constant 25 : i32
      %get3A_2168 = arith.index_cast %get3A_2167 : i32 to index
      %get3A_2169 = arith.constant 0 : index
      %get3A_2170 = tpu.vector_load %arg10[%get3A_2168, %get3A_2169] {strides = array<i32>} : memref<32x32xf32, #tpu.memory_space<vmem>>, vector<16xf32>,
      %get3A_2171 = arith.constant 25 : i32
      %get3A_2172 = arith.index_cast %get3A_2171 : i32 to index
      %get3A_2173 = arith.constant 16 : index
      %get3A_2174 = tpu.vector_load %arg10[%get3A_2172, %get3A_2173] {strides = array<i32>} : memref<32x32xf32, #tpu.memory_space<vmem>>, vector<16xf32>,
      %mul3A_2175 = arith.mulf %get3A_2162, %get3A_2170 : vector<16xf32>
      %mul3A_2176 = arith.mulf %get3A_2166, %get3A_2174 : vector<16xf32>
      %add3A_2177 = arith.addf %mul3A_2175, %mul3A_2176 : vector<16xf32>
      %reduce_sum3A_2178 = arith.constant true
      %reduce_sum3A_2179 = vector.broadcast %reduce_sum3A_2178 : i1 to vector<16xi1>
      %reduce_sum3A_2180 = tpu.scan <sum>, %add3A_2177 masked %reduce_sum3A_2179 : vector<16xf32>, vector<16xi1> -> vector<16xf32>
      %reduce_sum3A_2181 = vector.extract %reduce_sum3A_2180[15] : f32 from vector<16xf32>
      %eq3A_2182 = arith.constant 9 : i32
      %eq3A_2183 = vector.broadcast %eq3A_2182 : i32 to vector<16xi32>
      %eq3A_2184 = arith.cmpi eq, %iota3A, %eq3A_2183 : vector<16xi32>
      %broadcast_in_dim3A_2185 = vector.broadcast %reduce_sum3A_2181 : f32 to vector<16xf32>
      %select_n3A_2186 = arith.select %eq3A_2184, %broadcast_in_dim3A_2185, %select_n3A_2158 : vector<16xi1>, vector<16xf32>
      %get3A_2187 = arith.constant 26 : i32
      %get3A_2188 = arith.index_cast %get3A_2187 : i32 to index
      %get3A_2189 = arith.constant 0 : index
      %get3A_2190 = tpu.vector_load %arg9[%get3A_2188, %get3A_2189] {strides = array<i32>} : memref<32x32xf32, #tpu.memory_space<vmem>>, vector<16xf32>,
      %get3A_2191 = arith.constant 26 : i32
      %get3A_2192 = arith.index_cast %get3A_2191 : i32 to index
      %get3A_2193 = arith.constant 16 : index
      %get3A_2194 = tpu.vector_load %arg9[%get3A_2192, %get3A_2193] {strides = array<i32>} : memref<32x32xf32, #tpu.memory_space<vmem>>, vector<16xf32>,
      %get3A_2195 = arith.constant 26 : i32
      %get3A_2196 = arith.index_cast %get3A_2195 : i32 to index
      %get3A_2197 = arith.constant 0 : index
      %get3A_2198 = tpu.vector_load %arg10[%get3A_2196, %get3A_2197] {strides = array<i32>} : memref<32x32xf32, #tpu.memory_space<vmem>>, vector<16xf32>,
      %get3A_2199 = arith.constant 26 : i32
      %get3A_2200 = arith.index_cast %get3A_2199 : i32 to index
      %get3A_2201 = arith.constant 16 : index
      %get3A_2202 = tpu.vector_load %arg10[%get3A_2200, %get3A_2201] {strides = array<i32>} : memref<32x32xf32, #tpu.memory_space<vmem>>, vector<16xf32>,
      %mul3A_2203 = arith.mulf %get3A_2190, %get3A_2198 : vector<16xf32>
      %mul3A_2204 = arith.mulf %get3A_2194, %get3A_2202 : vector<16xf32>
      %add3A_2205 = arith.addf %mul3A_2203, %mul3A_2204 : vector<16xf32>
      %reduce_sum3A_2206 = arith.constant true
      %reduce_sum3A_2207 = vector.broadcast %reduce_sum3A_2206 : i1 to vector<16xi1>
      %reduce_sum3A_2208 = tpu.scan <sum>, %add3A_2205 masked %reduce_sum3A_2207 : vector<16xf32>, vector<16xi1> -> vector<16xf32>
      %reduce_sum3A_2209 = vector.extract %reduce_sum3A_2208[15] : f32 from vector<16xf32>
      %eq3A_2210 = arith.constant 10 : i32
      %eq3A_2211 = vector.broadcast %eq3A_2210 : i32 to vector<16xi32>
      %eq3A_2212 = arith.cmpi eq, %iota3A, %eq3A_2211 : vector<16xi32>
      %broadcast_in_dim3A_2213 = vector.broadcast %reduce_sum3A_2209 : f32 to vector<16xf32>
      %select_n3A_2214 = arith.select %eq3A_2212, %broadcast_in_dim3A_2213, %select_n3A_2186 : vector<16xi1>, vector<16xf32>
      %get3A_2215 = arith.constant 27 : i32
      %get3A_2216 = arith.index_cast %get3A_2215 : i32 to index
      %get3A_2217 = arith.constant 0 : index
      %get3A_2218 = tpu.vector_load %arg9[%get3A_2216, %get3A_2217] {strides = array<i32>} : memref<32x32xf32, #tpu.memory_space<vmem>>, vector<16xf32>,
      %get3A_2219 = arith.constant 27 : i32
      %get3A_2220 = arith.index_cast %get3A_2219 : i32 to index
      %get3A_2221 = arith.constant 16 : index
      %get3A_2222 = tpu.vector_load %arg9[%get3A_2220, %get3A_2221] {strides = array<i32>} : memref<32x32xf32, #tpu.memory_space<vmem>>, vector<16xf32>,
      %get3A_2223 = arith.constant 27 : i32
      %get3A_2224 = arith.index_cast %get3A_2223 : i32 to index
      %get3A_2225 = arith.constant 0 : index
      %get3A_2226 = tpu.vector_load %arg10[%get3A_2224, %get3A_2225] {strides = array<i32>} : memref<32x32xf32, #tpu.memory_space<vmem>>, vector<16xf32>,
      %get3A_2227 = arith.constant 27 : i32
      %get3A_2228 = arith.index_cast %get3A_2227 : i32 to index
      %get3A_2229 = arith.constant 16 : index
      %get3A_2230 = tpu.vector_load %arg10[%get3A_2228, %get3A_2229] {strides = array<i32>} : memref<32x32xf32, #tpu.memory_space<vmem>>, vector<16xf32>,
      %mul3A_2231 = arith.mulf %get3A_2218, %get3A_2226 : vector<16xf32>
      %mul3A_2232 = arith.mulf %get3A_2222, %get3A_2230 : vector<16xf32>
      %add3A_2233 = arith.addf %mul3A_2231, %mul3A_2232 : vector<16xf32>
      %reduce_sum3A_2234 = arith.constant true
      %reduce_sum3A_2235 = vector.broadcast %reduce_sum3A_2234 : i1 to vector<16xi1>
      %reduce_sum3A_2236 = tpu.scan <sum>, %add3A_2233 masked %reduce_sum3A_2235 : vector<16xf32>, vector<16xi1> -> vector<16xf32>
      %reduce_sum3A_2237 = vector.extract %reduce_sum3A_2236[15] : f32 from vector<16xf32>
      %eq3A_2238 = arith.constant 11 : i32
      %eq3A_2239 = vector.broadcast %eq3A_2238 : i32 to vector<16xi32>
      %eq3A_2240 = arith.cmpi eq, %iota3A, %eq3A_2239 : vector<16xi32>
      %broadcast_in_dim3A_2241 = vector.broadcast %reduce_sum3A_2237 : f32 to vector<16xf32>
      %select_n3A_2242 = arith.select %eq3A_2240, %broadcast_in_dim3A_2241, %select_n3A_2214 : vector<16xi1>, vector<16xf32>
      %get3A_2243 = arith.constant 28 : i32
      %get3A_2244 = arith.index_cast %get3A_2243 : i32 to index
      %get3A_2245 = arith.constant 0 : index
      %get3A_2246 = tpu.vector_load %arg9[%get3A_2244, %get3A_2245] {strides = array<i32>} : memref<32x32xf32, #tpu.memory_space<vmem>>, vector<16xf32>,
      %get3A_2247 = arith.constant 28 : i32
      %get3A_2248 = arith.index_cast %get3A_2247 : i32 to index
      %get3A_2249 = arith.constant 16 : index
      %get3A_2250 = tpu.vector_load %arg9[%get3A_2248, %get3A_2249] {strides = array<i32>} : memref<32x32xf32, #tpu.memory_space<vmem>>, vector<16xf32>,
      %get3A_2251 = arith.constant 28 : i32
      %get3A_2252 = arith.index_cast %get3A_2251 : i32 to index
      %get3A_2253 = arith.constant 0 : index
      %get3A_2254 = tpu.vector_load %arg10[%get3A_2252, %get3A_2253] {strides = array<i32>} : memref<32x32xf32, #tpu.memory_space<vmem>>, vector<16xf32>,
      %get3A_2255 = arith.constant 28 : i32
      %get3A_2256 = arith.index_cast %get3A_2255 : i32 to index
      %get3A_2257 = arith.constant 16 : index
      %get3A_2258 = tpu.vector_load %arg10[%get3A_2256, %get3A_2257] {strides = array<i32>} : memref<32x32xf32, #tpu.memory_space<vmem>>, vector<16xf32>,
      %mul3A_2259 = arith.mulf %get3A_2246, %get3A_2254 : vector<16xf32>
      %mul3A_2260 = arith.mulf %get3A_2250, %get3A_2258 : vector<16xf32>
      %add3A_2261 = arith.addf %mul3A_2259, %mul3A_2260 : vector<16xf32>
      %reduce_sum3A_2262 = arith.constant true
      %reduce_sum3A_2263 = vector.broadcast %reduce_sum3A_2262 : i1 to vector<16xi1>
      %reduce_sum3A_2264 = tpu.scan <sum>, %add3A_2261 masked %reduce_sum3A_2263 : vector<16xf32>, vector<16xi1> -> vector<16xf32>
      %reduce_sum3A_2265 = vector.extract %reduce_sum3A_2264[15] : f32 from vector<16xf32>
      %eq3A_2266 = arith.constant 12 : i32
      %eq3A_2267 = vector.broadcast %eq3A_2266 : i32 to vector<16xi32>
      %eq3A_2268 = arith.cmpi eq, %iota3A, %eq3A_2267 : vector<16xi32>
      %broadcast_in_dim3A_2269 = vector.broadcast %reduce_sum3A_2265 : f32 to vector<16xf32>
      %select_n3A_2270 = arith.select %eq3A_2268, %broadcast_in_dim3A_2269, %select_n3A_2242 : vector<16xi1>, vector<16xf32>
      %get3A_2271 = arith.constant 29 : i32
      %get3A_2272 = arith.index_cast %get3A_2271 : i32 to index
      %get3A_2273 = arith.constant 0 : index
      %get3A_2274 = tpu.vector_load %arg9[%get3A_2272, %get3A_2273] {strides = array<i32>} : memref<32x32xf32, #tpu.memory_space<vmem>>, vector<16xf32>,
      %get3A_2275 = arith.constant 29 : i32
      %get3A_2276 = arith.index_cast %get3A_2275 : i32 to index
      %get3A_2277 = arith.constant 16 : index
      %get3A_2278 = tpu.vector_load %arg9[%get3A_2276, %get3A_2277] {strides = array<i32>} : memref<32x32xf32, #tpu.memory_space<vmem>>, vector<16xf32>,
      %get3A_2279 = arith.constant 29 : i32
      %get3A_2280 = arith.index_cast %get3A_2279 : i32 to index
      %get3A_2281 = arith.constant 0 : index
      %get3A_2282 = tpu.vector_load %arg10[%get3A_2280, %get3A_2281] {strides = array<i32>} : memref<32x32xf32, #tpu.memory_space<vmem>>, vector<16xf32>,
      %get3A_2283 = arith.constant 29 : i32
      %get3A_2284 = arith.index_cast %get3A_2283 : i32 to index
      %get3A_2285 = arith.constant 16 : index
      %get3A_2286 = tpu.vector_load %arg10[%get3A_2284, %get3A_2285] {strides = array<i32>} : memref<32x32xf32, #tpu.memory_space<vmem>>, vector<16xf32>,
      %mul3A_2287 = arith.mulf %get3A_2274, %get3A_2282 : vector<16xf32>
      %mul3A_2288 = arith.mulf %get3A_2278, %get3A_2286 : vector<16xf32>
      %add3A_2289 = arith.addf %mul3A_2287, %mul3A_2288 : vector<16xf32>
      %reduce_sum3A_2290 = arith.constant true
      %reduce_sum3A_2291 = vector.broadcast %reduce_sum3A_2290 : i1 to vector<16xi1>
      %reduce_sum3A_2292 = tpu.scan <sum>, %add3A_2289 masked %reduce_sum3A_2291 : vector<16xf32>, vector<16xi1> -> vector<16xf32>
      %reduce_sum3A_2293 = vector.extract %reduce_sum3A_2292[15] : f32 from vector<16xf32>
      %eq3A_2294 = arith.constant 13 : i32
      %eq3A_2295 = vector.broadcast %eq3A_2294 : i32 to vector<16xi32>
      %eq3A_2296 = arith.cmpi eq, %iota3A, %eq3A_2295 : vector<16xi32>
      %broadcast_in_dim3A_2297 = vector.broadcast %reduce_sum3A_2293 : f32 to vector<16xf32>
      %select_n3A_2298 = arith.select %eq3A_2296, %broadcast_in_dim3A_2297, %select_n3A_2270 : vector<16xi1>, vector<16xf32>
      %get3A_2299 = arith.constant 30 : i32
      %get3A_2300 = arith.index_cast %get3A_2299 : i32 to index
      %get3A_2301 = arith.constant 0 : index
      %get3A_2302 = tpu.vector_load %arg9[%get3A_2300, %get3A_2301] {strides = array<i32>} : memref<32x32xf32, #tpu.memory_space<vmem>>, vector<16xf32>,
      %get3A_2303 = arith.constant 30 : i32
      %get3A_2304 = arith.index_cast %get3A_2303 : i32 to index
      %get3A_2305 = arith.constant 16 : index
      %get3A_2306 = tpu.vector_load %arg9[%get3A_2304, %get3A_2305] {strides = array<i32>} : memref<32x32xf32, #tpu.memory_space<vmem>>, vector<16xf32>,
      %get3A_2307 = arith.constant 30 : i32
      %get3A_2308 = arith.index_cast %get3A_2307 : i32 to index
      %get3A_2309 = arith.constant 0 : index
      %get3A_2310 = tpu.vector_load %arg10[%get3A_2308, %get3A_2309] {strides = array<i32>} : memref<32x32xf32, #tpu.memory_space<vmem>>, vector<16xf32>,
      %get3A_2311 = arith.constant 30 : i32
      %get3A_2312 = arith.index_cast %get3A_2311 : i32 to index
      %get3A_2313 = arith.constant 16 : index
      %get3A_2314 = tpu.vector_load %arg10[%get3A_2312, %get3A_2313] {strides = array<i32>} : memref<32x32xf32, #tpu.memory_space<vmem>>, vector<16xf32>,
      %mul3A_2315 = arith.mulf %get3A_2302, %get3A_2310 : vector<16xf32>
      %mul3A_2316 = arith.mulf %get3A_2306, %get3A_2314 : vector<16xf32>
      %add3A_2317 = arith.addf %mul3A_2315, %mul3A_2316 : vector<16xf32>
      %reduce_sum3A_2318 = arith.constant true
      %reduce_sum3A_2319 = vector.broadcast %reduce_sum3A_2318 : i1 to vector<16xi1>
      %reduce_sum3A_2320 = tpu.scan <sum>, %add3A_2317 masked %reduce_sum3A_2319 : vector<16xf32>, vector<16xi1> -> vector<16xf32>
      %reduce_sum3A_2321 = vector.extract %reduce_sum3A_2320[15] : f32 from vector<16xf32>
      %eq3A_2322 = arith.constant 14 : i32
      %eq3A_2323 = vector.broadcast %eq3A_2322 : i32 to vector<16xi32>
      %eq3A_2324 = arith.cmpi eq, %iota3A, %eq3A_2323 : vector<16xi32>
      %broadcast_in_dim3A_2325 = vector.broadcast %reduce_sum3A_2321 : f32 to vector<16xf32>
      %select_n3A_2326 = arith.select %eq3A_2324, %broadcast_in_dim3A_2325, %select_n3A_2298 : vector<16xi1>, vector<16xf32>
      %get3A_2327 = arith.constant 31 : i32
      %get3A_2328 = arith.index_cast %get3A_2327 : i32 to index
      %get3A_2329 = arith.constant 0 : index
      %get3A_2330 = tpu.vector_load %arg9[%get3A_2328, %get3A_2329] {strides = array<i32>} : memref<32x32xf32, #tpu.memory_space<vmem>>, vector<16xf32>,
      %get3A_2331 = arith.constant 31 : i32
      %get3A_2332 = arith.index_cast %get3A_2331 : i32 to index
      %get3A_2333 = arith.constant 16 : index
      %get3A_2334 = tpu.vector_load %arg9[%get3A_2332, %get3A_2333] {strides = array<i32>} : memref<32x32xf32, #tpu.memory_space<vmem>>, vector<16xf32>,
      %get3A_2335 = arith.constant 31 : i32
      %get3A_2336 = arith.index_cast %get3A_2335 : i32 to index
      %get3A_2337 = arith.constant 0 : index
      %get3A_2338 = tpu.vector_load %arg10[%get3A_2336, %get3A_2337] {strides = array<i32>} : memref<32x32xf32, #tpu.memory_space<vmem>>, vector<16xf32>,
      %get3A_2339 = arith.constant 31 : i32
      %get3A_2340 = arith.index_cast %get3A_2339 : i32 to index
      %get3A_2341 = arith.constant 16 : index
      %get3A_2342 = tpu.vector_load %arg10[%get3A_2340, %get3A_2341] {strides = array<i32>} : memref<32x32xf32, #tpu.memory_space<vmem>>, vector<16xf32>,
      %mul3A_2343 = arith.mulf %get3A_2330, %get3A_2338 : vector<16xf32>
      %mul3A_2344 = arith.mulf %get3A_2334, %get3A_2342 : vector<16xf32>
      %add3A_2345 = arith.addf %mul3A_2343, %mul3A_2344 : vector<16xf32>
      %reduce_sum3A_2346 = arith.constant true
      %reduce_sum3A_2347 = vector.broadcast %reduce_sum3A_2346 : i1 to vector<16xi1>
      %reduce_sum3A_2348 = tpu.scan <sum>, %add3A_2345 masked %reduce_sum3A_2347 : vector<16xf32>, vector<16xi1> -> vector<16xf32>
      %reduce_sum3A_2349 = vector.extract %reduce_sum3A_2348[15] : f32 from vector<16xf32>
      %eq3A_2350 = arith.constant 15 : i32
      %eq3A_2351 = vector.broadcast %eq3A_2350 : i32 to vector<16xi32>
      %eq3A_2352 = arith.cmpi eq, %iota3A, %eq3A_2351 : vector<16xi32>
      %broadcast_in_dim3A_2353 = vector.broadcast %reduce_sum3A_2349 : f32 to vector<16xf32>
      %select_n3A_2354 = arith.select %eq3A_2352, %broadcast_in_dim3A_2353, %select_n3A_2326 : vector<16xi1>, vector<16xf32>
      %mul3A_2355 = arith.constant 2 : i32
      %mul3A_2356 = arith.muli %scan3A_14, %mul3A_2355 : i32
      %mul3A_2357 = arith.constant 16 : i32
      %mul3A_2358 = arith.muli %mul3A_2356, %mul3A_2357 : i32
      %add3A_2359 = arith.constant 16 : i32
      %add3A_2360 = arith.addi %mul3A_2358, %add3A_2359 : i32
      %swap3A_2361 = arith.index_cast %add3A_2360 : i32 to index
      %swap3A_2362 = tpu.vector_load %arg11[%swap3A_2361] {strides = array<i32>} : memref<512xf32, #tpu.memory_space<vmem>>, vector<16xf32>,
      tpu.vector_store %arg11[%swap3A_2361], %select_n3A_2354 {strides = array<i32>} : memref<512xf32, #tpu.memory_space<vmem>>, vector<16xf32>,
    }
    %scan3A_13 = arith.constant 16 : i32
    "tpu.region"() ({
      %run_scoped3A = tpu.sem_alloc : memref<!tpu.dma_semaphore, #tpu.memory_space<semaphore_mem>>
      %dma_start3A_14 = tpu.memref_slice %arg6[%mul3A_2] : memref<16384xf32, #tpu.memory_space<hbm>> -> memref<512xf32, #tpu.memory_space<hbm>>
      %dma_start3A_15 = tpu.memref_slice %arg6[%mul3A_2] : memref<16384xf32, #tpu.memory_space<hbm>> -> memref<512xf32, #tpu.memory_space<hbm>>
      tpu.enqueue_dma source(%arg11 : memref<512xf32, #tpu.memory_space<vmem>>) target(%dma_start3A_15 : memref<512xf32, #tpu.memory_space<hbm>>) target_semaphore(%run_scoped3A : memref<!tpu.dma_semaphore, #tpu.memory_space<semaphore_mem>>)
      %dma_wait3A_16 = tpu.memref_slice %arg6[%mul3A_2] : memref<16384xf32, #tpu.memory_space<hbm>> -> memref<512xf32, #tpu.memory_space<hbm>>
      %dma_wait3A_17 = tpu.memref_slice %arg6[%mul3A_2] : memref<16384xf32, #tpu.memory_space<hbm>> -> memref<512xf32, #tpu.memory_space<hbm>>
      tpu.wait_dma2 semaphore(%run_scoped3A : memref<!tpu.dma_semaphore, #tpu.memory_space<semaphore_mem>>) src(%arg11 : memref<512xf32, #tpu.memory_space<vmem>>) dst(%dma_wait3A_17 : memref<512xf32, #tpu.memory_space<hbm>>)
      tpu.yield
    }) : () -> ()
    return
  }
}

</mosaic_0001>

<sc_bundles>
// kernel: _bprmf_sc.3.cloned.1.call-start
scs
__scs_entry_jumppad:
0x0: {  	(pc) =	sbr.rel $0x88, $3  }
0x1: {  	(tag) =	ssettag $0x0;
	lr =	simm.s32 $0x1  }
0x2: {  	[smem:$0x3F9D] =	sst lr;
	_ =	strace $0xD0000000  }
0x3: {  	_ = 	snop  }
0x4: {  	_ = 	snop  }
0x5: {  	_ = 	snop  }
0x6: {  	_ = 	snop  }
0x7: {  	_ = 	snop  }
__scs_overlays_trampoline_lowered:
0x8: {  	[smem:$0x3FAC] =	sst s0  }
0x9: {  	[smem:$0x3FAD] =	sst s1  }
0xa: {  	[smem:$0x3FAE] =	sst s2  }
0xb: {  	[smem:$0x3FAF] =	sst s3  }
0xc: {  	[smem:$0x3FB0] =	sst s4  }
0xd: {  	[smem:$0x3FB1] =	sst s5  }
0xe: {  	[smem:$0x3FB2] =	sst s6  }
0xf: {  	[smem:$0x3FB3] =	sst s7  }
0x10: {  	[smem:$0x3FB4] =	sst s8  }
0x11: {  	[smem:$0x3FB5] =	sst s9;
	s0 =	simm.s32 @!p0 $0x0  }
0x12: {  	s1 =	sld [smem:$0x3F9B];
	s0 =	simm.s32 @p0 $0x1  }
0x13: {  	[smem:$0x3FB6] =	sst s0;
	s0 =	simm.s32 @!p1 $0x0  }
0x14: {  	s2 =	sld [smem:$0x3F9A];
	s0 =	simm.s32 @p1 $0x1  }
0x15: {  	[smem:$0x3FB7] =	sst s0;
	s0 =	simm.s32 @!p2 $0x0  }
0x16: {  	s3 =	sld [smem:$0x3FDB];
	s0 =	simm.s32 @p2 $0x1  }
0x17: {  	s4 =	simm.s32 $0x1BF5;
	[smem:$0x3FB9] =	sst s0  }
0x18: {  	s0 =	sld [smem:$0x3F9C];
	_ =	swait.ge [sflag:s4], $0x0  }
0x19: {  	s7 =	sld [smem:$0x3F9D]  }
0x1a: {  	s8 =	sadd.s32 $0xFFFFE003, lr  }
0x1b: {  	s9 =	sadd.s32 $0xFFFFFEF7, lr;
	s5 =	simm.s32 $0xFFFFFFFF;
	p2 =	slt.u32 s8, $0xFFFFF086  }
0x1c: {  	p1 =	slt.u32 s9, $0xF7A;
	s5 =	simm.s32 @!p2 $0x0  }
0x1d: {  	s5 =	simm.s32 @p1 $0x1;
	p0 =	seq.s32 s7, s2  }
0x1e: {  	s7 =	smul.u32 @!p0 $0xF7A, s2;
	p2 =	seq.s32 @!p0 s5, $0x0  }
0x1f: {  	s9 =	smul.u32 $0xF7A, s1;
	s8 =	simm.s32 @!p0 $0x1BF5;
	p2 =	por !p2, p0  }
0x20: {  	[sflag:s8] =	ssyncset.s32 @!p0 $0xFFFFF086;
	s6 =	sadd.s32 @!p0 s3, s7;
	s7 =	simm.s32 @!p0 $0x108  }
0x21: {  	s3 =	sadd.s32 s3, s9;
	s6 =	sadd.s32 @!p0 $0x88, s6;
	s7 =	simm.s32 @p2 $0x1082  }
0x22: {  	[simem:s7], [sflag:s8] =	dma.local @!p0 [hbm:s6], $0xF7A  }
0x23: {  	s9 =	sor.u32 $0xD0000000, s2;
	s6 =	simm.s32 $0x108;
	_ =	swait.ge @!p0 [sflag:s8], $0x0  }
0x24: {  	s3 =	sadd.s32 $0x88, s3;
	s6 =	simm.s32 @!p1 $0x1082;
	[sflag:s4] =	ssyncset.s32 $0xFFFFF086  }
0x25: {  	[simem:s6], [sflag:s4] =	dma.local [hbm:s3], $0xF7A  }
0x26: {  	[smem:$0x3F9D] =	sst s1;
	(tag) =	ssettag s2;
	_ =	strace s9  }
0x27: {  	s1 =	sld [smem:$0x3FAD]  }
0x28: {  	s2 =	sld [smem:$0x3FAE]  }
0x29: {  	s4 =	sld [smem:$0x3FB0]  }
0x2a: {  	p0 =	seq.s32 s5, $0x0;
	s5 =	sld [smem:$0x3FB1]  }
0x2b: {  	s6 =	sld [smem:$0x3FB2]  }
0x2c: {  	s7 =	sld [smem:$0x3FB3]  }
0x2d: {  	s3 =	simm.s32 $0x108;
	s8 =	sld [smem:$0x3FB4]  }
0x2e: {  	s3 =	simm.s32 @!p0 $0x1082;
	s9 =	sld [smem:$0x3FB5]  }
0x2f: {  	lr =	sadd.s32 s0, s3;
	s0 =	sld [smem:$0x3FAC]  }
0x30: {  	s3 =	sld [smem:$0x3FAF]  }
0x31: {  	[smem:$0x3FB8] =	sst s10  }
0x32: {  	s10 =	sld [smem:$0x3FB6];
	_ =	sdelay $0x3  }
0x33: {  	p0 =	seq.s32 s10, $0x1;
	s10 =	sld [smem:$0x3FB8];
	_ =	sdelay $0x3  }
0x34: {  	[smem:$0x3FB8] =	sst s10  }
0x35: {  	s10 =	sld [smem:$0x3FB7];
	_ =	sdelay $0x3  }
0x36: {  	p1 =	seq.s32 s10, $0x1;
	s10 =	sld [smem:$0x3FB8];
	_ =	sdelay $0x3  }
0x37: {  	[smem:$0x3FB8] =	sst s10  }
0x38: {  	s10 =	sld [smem:$0x3FB9]  }
0x39: {  	_ = 	snop;
	(pc) =	sbr.ind lr, $3  }
0x3a: {  	_ = 	snop  }
0x3b: {  	_ = 	snop  }
0x3c: {  	p2 =	seq.s32 s10, $0x1;
	s10 =	sld [smem:$0x3FB8]  }
0x3d: {  	_ =	shalt  }
0x3e: {  	_ =	shalt  }
0x3f: {  	_ =	shalt  }
0x40: {  	_ =	shalt  }
0x41: {  	_ =	shalt  }
0x42: {  	_ =	shalt  }
0x43: {  	_ =	shalt  }
0x44: {  	_ =	shalt  }
0x45: {  	_ =	shalt  }
0x46: {  	_ =	shalt  }
0x47: {  	_ =	shalt  }
0x48: {  	_ =	shalt  }
0x49: {  	_ =	shalt  }
0x4a: {  	_ =	shalt  }
0x4b: {  	_ =	shalt  }
0x4c: {  	_ =	shalt  }
0x4d: {  	_ =	shalt  }
0x4e: {  	_ =	shalt  }
0x4f: {  	_ =	shalt  }
0x50: {  	_ =	shalt  }
0x51: {  	_ =	shalt  }
0x52: {  	_ =	shalt  }
0x53: {  	_ =	shalt  }
0x54: {  	_ =	shalt  }
0x55: {  	_ =	shalt  }
0x56: {  	_ =	shalt  }
0x57: {  	_ =	shalt  }
0x58: {  	_ =	shalt  }
0x59: {  	_ =	shalt  }
0x5a: {  	_ =	shalt  }
0x5b: {  	_ =	shalt  }
0x5c: {  	_ =	shalt  }
0x5d: {  	_ =	shalt  }
0x5e: {  	_ =	shalt  }
0x5f: {  	_ =	shalt  }
0x60: {  	_ =	shalt  }
0x61: {  	_ =	shalt  }
0x62: {  	_ =	shalt  }
0x63: {  	_ =	shalt  }
0x64: {  	_ =	shalt  }
0x65: {  	_ =	shalt  }
0x66: {  	_ =	shalt  }
0x67: {  	_ =	shalt  }
0x68: {  	_ =	shalt  }
0x69: {  	_ =	shalt  }
0x6a: {  	_ =	shalt  }
0x6b: {  	_ =	shalt  }
0x6c: {  	_ =	shalt  }
0x6d: {  	_ =	shalt  }
0x6e: {  	_ =	shalt  }
0x6f: {  	_ =	shalt  }
0x70: {  	_ =	shalt  }
0x71: {  	_ =	shalt  }
0x72: {  	_ =	shalt  }
0x73: {  	_ =	shalt  }
0x74: {  	_ =	shalt  }
0x75: {  	_ =	shalt  }
0x76: {  	_ =	shalt  }
0x77: {  	_ =	shalt  }
0x78: {  	_ =	shalt  }
0x79: {  	_ =	shalt  }
0x7a: {  	_ =	shalt  }
0x7b: {  	_ =	shalt  }
0x7c: {  	_ =	shalt  }
0x7d: {  	_ =	shalt  }
0x7e: {  	_ =	shalt  }
0x7f: {  	_ =	shalt  }
0x80: {  	_ =	shalt  }
0x81: {  	_ =	shalt  }
0x82: {  	_ =	shalt  }
0x83: {  	_ =	shalt  }
0x84: {  	_ =	shalt  }
0x85: {  	_ =	shalt  }
0x86: {  	_ =	shalt  }
0x87: {  	_ =	shalt  }
.Lfunc_end0:
.L_simem_size_0:
called_computation_lowered:
.L_overlay_start_0:
0x88: {  	s2 =	sld [smem:$0x3FD9]  }
0x89: {  	s3 =	sld [smem:$0x3FFE];
	_ =	sdelay $0x1  }
0x8a: {  	s1 =	srdreg.scid  }
0x8b: {  	s0 =	sand.u32 $0x1, s1  }
0x8c: {  	s17 =	sshll.u32 s0, $0xA;
	s2 =	sadd.s32 s3, s2  }
0x8d: {  	s2 =	sadd.s32 s2, s17  }
0x8e: {  	[smem:$0x3FC4] =	sst s2  }
0x8f: {  	_ = 	snop  }
0x90: {  	s2 =	sld [smem:$0x3FC9]  }
0x91: {  	s18 =	sld [smem:$0x3FC8]  }
0x92: {  	s4 =	sld [smem:$0x3FD0];
	(tm) =	ssettm $0x1  }
0x93: {  	s5 =	sld [smem:$0x3FFB];
	_ =	sdelay $0x3  }
0x94: {  	_ =	strace s5  }
0x95: {  	s5 =	sld [smem:$0x3FFC];
	_ =	sdelay $0x3  }
0x96: {  	_ =	strace s5  }
0x97: {  	s5 =	sld [smem:$0x3FFD];
	_ =	sdelay $0x3  }
0x98: {  	_ =	strace s5  }
0x99: {  	_ =	strace $0x8FFFFFFF  }
0x9a: {  	s19 =	sld [smem:$0x3FDB];
	_ =	sdelay $0x1  }
0x9b: {  	s6 =	simm.s32 $_scs_section_size  }
0x9c: {  	s7 =	simm.s32 $_size__tile_overlayer_lowered;
	s8 =	simm.s32 $_tile_overlayer_lowered  }
0x9d: {  	s22 =	simm.s32 $0x1BFF;
	s21 =	sshll.u32 s8, $0x1;
	s5 =	sadd.s32 s6, s19  }
0x9e: {  	s9 =	simm.s32 $0x0;
	s20 =	sshll.u32 s7, $0x1;
	s7 =	sadd.s32 s21, s5  }
0x9f: {  	[timem:s9], [sflag:s22] =	dma.local [hbm:s7], s20  }
0xa0: {  	_ =	swait.ge [sflag:s22], s20  }
0xa1: {  	s6 =	ssub.s32 $0x0, s20;
	[sflag:s22] =	ssyncset.done $0x0  }
0xa2: {  	[sflag:s22] =	ssyncadd.s32 s6;
	_ =	sdelay $0x1  }
0xa3: {  	s23 =	simm.s32 $0x1B8B  }
0xa4: {  	_ =	swait.ge [sflag:s23], $0x1  }
0xa5: {  	[sflag:s23] =	ssyncset.done $0x0  }
0xa6: {  	s25 =	simm.s32 $0x1B8E;
	s24 =	sld [smem:$0x3FFE];
	[sflag:s23] =	ssyncadd.s32 $0xFFFFFFFF  }
0xa7: {  	s26 =	simm.s32 $execute0_lowered;
	[smem:$0x3FD2] =	sst s25  }
0xa8: {  	s7 =	sshll.u32 s26, $0x1;
	_ =	strace $0x80000046;
	[dreg:$0x1] =	wrdreg $0xFFFFFFFF  }
0xa9: {  	s28 =	simm.s32 $_size_execute0_lowered;
	s5 =	sadd.s32 s5, s7;
	[dreg:$0x0] =	wrdreg $0x0  }
0xaa: {  	s7 =	sshll.u32 s28, $0x1;
	[dreg:$0x2] =	wrdreg s5  }
0xab: {  	[dreg:$0x3] =	wrdreg s7  }
0xac: {  	[dreg:$0x4] =	wrdreg $0xC0  }
0xad: {  	_ =	task [dreg:s9], $0x5FFFF  }
0xae: {  	[dreg:$0x1] =	wrdreg $0xFFFFFFFF  }
0xaf: {  	[dreg:$0x0] =	wrdreg $0x60  }
0xb0: {  	[dreg:$0x2] =	wrdreg s2  }
0xb1: {  	[dreg:$0x3] =	wrdreg s18  }
0xb2: {  	[dreg:$0x4] =	wrdreg s24  }
0xb3: {  	[dreg:$0x5] =	wrdreg s4  }
0xb4: {  	[dreg:$0x6] =	wrdreg $0x9  }
0xb5: {  	_ =	task.clear_ibuf [dreg:s9], $0x7FFFF;
	_ =	strace $0x90000046  }
0xb6: {  	s29 =	simm.s32 $0x9;
	_ =	strace $0x80000048  }
0xb7: {  	_ =	swait.ge [sflag:s29], $0x1  }
0xb8: {  	[sflag:s29] =	ssyncadd.s32 $0xFFFFFFFF  }
0xb9: {  	_ =	strace $0x90000048  }
0xba: {  	_ =	sfence  }
0xbb: {  	s30 =	sld [smem:$0x0];
	_ =	sdelay $0x2  }
0xbc: {  	s31 =	sshll.u32 s1, $0xD;
	s1 =	sshrl.u32 s1, $0x2  }
0xbd: {  	s3 =	sand.u32 $0x4000, s31;
	s1 =	sadd.s32 s1, s30  }
0xbe: {  	s0 =	sor.u32 s3, s0;
	s1 =	sshll.u32 s1, $0x11  }
0xbf: {  	s0 =	sor.u32 s1, s0  }
0xc0: {  	s0 =	sadd.s32 $0x8F2B, s0  }
0xc1: {  	[sflag:s0] =	ssyncadd.remote.s32 $0x1  }
0xc2: {  	_ =	sfence.sel $0xFFFF  }
0xc3: {  	[dreg:$0x0] =	wrdreg $0xFFFFFFFF;
	(pc) =	sbr.abs _section_cstart, $3  }
0xc4: {  	[dreg:$0x1] =	wrdreg $0xFFFFFFFF  }
0xc5: {  	_ =	task.clear_ibuf [dreg:s9], $0x2FFFF;
	_ =	strace $0x9FFFFFFF  }
0xc6: {  	(tm) =	ssettm $0x7FFFFFFF  }
0xc7: {  	_ =	shalt  }
tec
execute0_lowered:
.L_overlay_start_1:
0x0: {  	(tag) =	ssettag $0x1  }
0x1: {  	s5 =	rddreg [dreg:$0x0]  }
0x2: {  	s6 =	rddreg [dreg:$0x1]  }
0x3: {  	s3 =	rddreg [dreg:$0x2]  }
0x4: {  	s7 =	rddreg [dreg:$0x3]  }
0x5: {  	s0 =	rddreg [dreg:$0x4];
	s1 =	simm.s32 $0x0  }
0x6: {  	s2 =	simm.s32 $0x400;
	[smem:$0x7FF] =	sst s1  }
0x7: {  	s17 =	simm.s32 $0x1400;
	_ =	strace $0x80000047;
	[dreg:$0x5] =	wrdreg s2  }
0x8: {  	s18 =	simm.s32 $0x480;
	[dreg:$0x6] =	wrdreg s17  }
0x9: {  	s19 =	simm.s32 $0x1480;
	[dreg:$0x7] =	wrdreg s18  }
0xa: {  	s20 =	simm.s32 $0x500;
	[dreg:$0x8] =	wrdreg s19  }
0xb: {  	s21 =	simm.s32 $0x1500;
	[dreg:$0x9] =	wrdreg s20  }
0xc: {  	s22 =	simm.s32 $0x580;
	[dreg:$0xa] =	wrdreg s21  }
0xd: {  	s23 =	simm.s32 $0x1580;
	[dreg:$0xb] =	wrdreg s22  }
0xe: {  	s24 =	simm.s32 $0x600;
	[dreg:$0xc] =	wrdreg s23  }
0xf: {  	s25 =	simm.s32 $0x1600;
	[dreg:$0xd] =	wrdreg s24  }
0x10: {  	s26 =	simm.s32 $0x680;
	[dreg:$0xe] =	wrdreg s25  }
0x11: {  	s28 =	simm.s32 $0x1680;
	[dreg:$0xf] =	wrdreg s26  }
0x12: {  	s29 =	simm.s32 $0x700;
	[dreg:$0x10] =	wrdreg s28  }
0x13: {  	s30 =	simm.s32 $0x1700;
	[dreg:$0x11] =	wrdreg s29  }
0x14: {  	s31 =	simm.s32 $0x780;
	[dreg:$0x12] =	wrdreg s30  }
0x15: {  	s4 =	simm.s32 $0x1780;
	[dreg:$0x13] =	wrdreg s31  }
0x16: {  	s8 =	simm.s32 $0x800;
	[dreg:$0x14] =	wrdreg s4  }
0x17: {  	s9 =	simm.s32 $0x1800;
	[dreg:$0x15] =	wrdreg s8  }
0x18: {  	s10 =	simm.s32 $0x880;
	[dreg:$0x16] =	wrdreg s9  }
0x19: {  	s11 =	simm.s32 $0x1880;
	[dreg:$0x17] =	wrdreg s10  }
0x1a: {  	s12 =	simm.s32 $0x900;
	[dreg:$0x18] =	wrdreg s11  }
0x1b: {  	s13 =	simm.s32 $0x1900;
	[dreg:$0x19] =	wrdreg s12  }
0x1c: {  	s14 =	simm.s32 $0x980;
	[dreg:$0x1a] =	wrdreg s13  }
0x1d: {  	s15 =	simm.s32 $0x1980;
	[dreg:$0x1b] =	wrdreg s14  }
0x1e: {  	s16 =	simm.s32 $0xA00;
	[dreg:$0x1c] =	wrdreg s15  }
0x1f: {  	[dreg:$0x1d] =	wrdreg s16;
	s17 =	simm.s32 $0x1A00  }
0x20: {  	s18 =	simm.s32 $0xA80;
	[dreg:$0x1e] =	wrdreg s17  }
0x21: {  	s19 =	simm.s32 $0x1A80;
	[dreg:$0x1f] =	wrdreg s18  }
0x22: {  	s20 =	simm.s32 $0xB00;
	[smem:$0x7D9] =	sst s19  }
0x23: {  	s21 =	simm.s32 $0x1B00;
	[smem:$0x7DA] =	sst s20  }
0x24: {  	s22 =	simm.s32 $0xB80;
	[smem:$0x7DB] =	sst s21  }
0x25: {  	s23 =	simm.s32 $0x1B80;
	[smem:$0x7DC] =	sst s22  }
0x26: {  	s24 =	simm.s32 $0xC00;
	[smem:$0x7DD] =	sst s23  }
0x27: {  	s25 =	simm.s32 $0x1C00;
	[smem:$0x7DE] =	sst s24  }
0x28: {  	s26 =	simm.s32 $0xC80;
	[smem:$0x7DF] =	sst s25  }
0x29: {  	s28 =	simm.s32 $0x1C80;
	[smem:$0x7E0] =	sst s26  }
0x2a: {  	s29 =	simm.s32 $0xD00;
	[smem:$0x7E1] =	sst s28  }
0x2b: {  	s30 =	simm.s32 $0x1D00;
	[smem:$0x7E2] =	sst s29  }
0x2c: {  	s31 =	simm.s32 $0xD80;
	[smem:$0x7E3] =	sst s30  }
0x2d: {  	s4 =	simm.s32 $0x1D80;
	[smem:$0x7E4] =	sst s31  }
0x2e: {  	s8 =	simm.s32 $0xE00;
	[smem:$0x7E5] =	sst s4  }
0x2f: {  	s9 =	simm.s32 $0x1E00;
	[smem:$0x7E6] =	sst s8  }
0x30: {  	s10 =	simm.s32 $0xE80;
	[smem:$0x7E7] =	sst s9  }
0x31: {  	s11 =	simm.s32 $0x1E80;
	[smem:$0x7E8] =	sst s10  }
0x32: {  	s12 =	simm.s32 $0xF00;
	[smem:$0x7E9] =	sst s11  }
0x33: {  	s13 =	simm.s32 $0x1F00;
	[smem:$0x7EA] =	sst s12  }
0x34: {  	s14 =	simm.s32 $0x1F80;
	[smem:$0x7EB] =	sst s13  }
0x35: {  	s15 =	simm.s32 $0x1000;
	[smem:$0x7ED] =	sst s14  }
0x36: {  	s16 =	simm.s32 $0x1080;
	[smem:$0x7EE] =	sst s15  }
0x37: {  	s4 =	simm.s32 $0xF80;
	[smem:$0x7F0] =	sst s16  }
0x38: {  	s9 =	simm.s32 $0x2000;
	[smem:$0x7EC] =	sst s4  }
0x39: {  	s17 =	simm.s32 $0x2080;
	[smem:$0x7EF] =	sst s9  }
0x3a: {  	s18 =	simm.s32 $0x1100;
	[smem:$0x7F1] =	sst s17  }
0x3b: {  	s2 =	sadd.s32 $0x400, s3;
	s19 =	simm.s32 $0x2100;
	[smem:$0x7F2] =	sst s18  }
0x3c: {  	s3 =	sadd.s32 $0xF42800, s3;
	s20 =	simm.s32 $0x1180;
	[smem:$0x7F3] =	sst s19  }
0x3d: {  	s8 =	srdreg.scid;
	s22 =	simm.s32 $0x2180;
	[smem:$0x7F4] =	sst s20  }
0x3e: {  	s23 =	simm.s32 $0x1200;
	s24 =	simm.s32 $0x2200;
	[smem:$0x7F5] =	sst s22  }
0x3f: {  	s25 =	simm.s32 $0x1280;
	s26 =	simm.s32 $0x2280;
	[smem:$0x7F6] =	sst s23  }
0x40: {  	s28 =	simm.s32 $0x1300;
	s29 =	simm.s32 $0x2300;
	[smem:$0x7F7] =	sst s24  }
0x41: {  	s30 =	simm.s32 $0x1380;
	s31 =	simm.s32 $0x2380;
	[smem:$0x7F8] =	sst s25  }
0x42: {  	s12 =	simm.s32 $0x3;
	s13 =	simm.s32 $0x4;
	[smem:$0x7F9] =	sst s26  }
0x43: {  	s14 =	simm.s32 $0x5;
	s15 =	simm.s32 $0x6;
	[smem:$0x7FA] =	sst s28  }
0x44: {  	s16 =	simm.s32 $0x7;
	s4 =	stileid.u32;
	[smem:$0x7FB] =	sst s29  }
0x45: {  	s8 =	sand.u32 $0x1, s8;
	s9 =	simm.s32 $0x200;
	[smem:$0x7FC] =	sst s30  }
0x46: {  	[smem:$0x7FD] =	sst s31;
	s17 =	simm.s32 $0x8;
	s18 =	simm.s32 $0x9  }
0x47: {  	vm0 =	vmmov $0x1;
	vm1 =	vmmov $0x3;
	vm2 =	vmmov $0x7;
	s19 =	simm.s32 $0x2400;
	s20 =	simm.s32 $0xA;
	s10 =	ssub.s32 $0x2, s8  }
0x48: {  	vm3 =	vmmov $0xf;
	vm4 =	vmmov $0x1f;
	vm5 =	vmmov $0x3f;
	s21 =	sshll.u32 s4, $0x7;
	s8 =	sshll.u32 s8, $0x6;
	s11 =	sshrl.u32 s10, $0x1  }
0x49: {  	vm6 =	vmmov $0x7f;
	vm7 =	vmmov $0xff;
	vm8 =	vmmov $0x1ff;
	s8 =	sor.u32 s8, s21;
	s21 =	simm.s32 $0x0;
	s10 =	ssub.s32 s10, s11  }
0x4a: {  	vm9 =	vmmov $0x3ff;
	vm10 =	vmmov $0x7ff;
	vm11 =	vmmov $0xfff;
	s5 =	sadd.s32 s5, s8;
	s6 =	sadd.s32 s6, s8;
	s7 =	sadd.s32 s7, s8  }
0x4b: {  	vm12 =	vmmov $0x1fff;
	vm13 =	vmmov $0x3fff;
	vm14 =	vmmov $0x7fff;
	s11 =	simm.s32 $0x2;
	s8 =	smax.u32 s10, $0x1;
	s10 =	simm.s32 $0x1  }
.LBB2_1:
0x4c: {  	[tilespmem:s1], [sflag:$0x1] =	stream.linear.gather [hbm4b:s5+s1], $0x200, $0x38;
	[tilespmem:$0x2600] =	vst v63  }
0x4d: {  	_ = 	snop  }
0x4e: {  	[tilespmem:s9], [sflag:$0x1] =	stream.linear.gather [hbm4b:s6+s1], $0x200, $0x38;
	[tilespmem:$0x2600] =	vst v63  }
0x4f: {  	_ =	swait.ge [sflag:s10], $0x200  }
0x50: {  	[sflag:s10] =	ssyncset.done $0x0  }
0x51: {  	[sflag:s10] =	ssyncadd.s32 $0xFFFFFE00  }
0x52: {  	_ =	swait.ge [sflag:s10], $0x200  }
0x53: {  	[sflag:s10] =	ssyncset.done $0x0  }
0x54: {  	s22 =	simm.s32 $0x0;
	[sflag:s10] =	ssyncadd.s32 $0xFFFFFE00  }
.LBB2_2:
0x55: {  	s23 =	sshra.s32 s22, $0x2  }
0x56: {  	v0 =	vld [tilespmem:s23+$0x0];
	_ =	sdelay $0x3  }
0x57: {  	v2 =	vld [tilespmem:s23+$0x200]  }
0x58: {  	v1 =	vshll.u32 v0, $0x4  }
0x59: {  	(v2sf) =	vpush v1, $0x0;
	_ =	sdelay $0x2  }
0x5a: {  	v51 =	vshll.u32 v2, $0x4  }
0x5b: {  	(v2sf) =	vpush v51, $0x0;
	_ =	sdelay $0x1  }
0x5c: {  	(v2sf) =	vpush v1, $0x1;
	_ =	sdelay $0x2  }
0x5d: {  	(v2sf) =	vpush v51, $0x1;
	_ =	sdelay $0x5  }
0x5e: {  	s24 =	spop (v2sf);
	(v2sf) =	vpush v1, $0x2  }
0x5f: {  	s24 =	sand.u32 $0x1FFFFFF0, s24  }
0x60: {  	s25 =	rddreg [dreg:$0x5];
	s24 =	sadd.s32 s2, s24  }
0x61: {  	[tilespmem:s25], [sflag:$0x2] =	stream.linear.gather [hbm4b:s24+s1], $0x80, $0x38;
	[tilespmem:$0x2600] =	vst v63  }
0x62: {  	s25 =	spop (v2sf);
	(v2sf) =	vpush v51, $0x2;
	_ =	sdelay $0x1  }
0x63: {  	s28 =	spop (v2sf);
	(v2sf) =	vpush v1, $0x3;
	_ =	sdelay $0x2  }
0x64: {  	s30 =	spop (v2sf);
	(v2sf) =	vpush v51, $0x3;
	_ =	sdelay $0x5  }
0x65: {  	s24 =	sand.u32 $0x1FFFFFF0, s25;
	s25 =	spop (v2sf);
	(v2sf) =	vpush v1, $0x4  }
0x66: {  	s26 =	rddreg [dreg:$0x6];
	s24 =	sadd.s32 s3, s24  }
0x67: {  	[tilespmem:s26], [sflag:$0x3] =	stream.linear.gather [hbm4b:s24+s1], $0x80, $0x38;
	[tilespmem:$0x2600] =	vst v63  }
0x68: {  	s24 =	sand.u32 $0x1FFFFFF0, s28  }
0x69: {  	s29 =	rddreg [dreg:$0x7];
	s24 =	sadd.s32 s2, s24;
	s28 =	spop (v2sf);
	(v2sf) =	vpush v51, $0x4  }
0x6a: {  	[tilespmem:s29], [sflag:$0x4] =	stream.linear.gather [hbm4b:s24+s1], $0x80, $0x38;
	[tilespmem:$0x2600] =	vst v63  }
0x6b: {  	s24 =	sand.u32 $0x1FFFFFF0, s30;
	s30 =	spop (v2sf);
	(v2sf) =	vpush v1, $0x5  }
0x6c: {  	s31 =	rddreg [dreg:$0x8];
	s24 =	sadd.s32 s3, s24  }
0x6d: {  	[tilespmem:s31], [sflag:$0x5] =	stream.linear.gather [hbm4b:s24+s1], $0x80, $0x38;
	[tilespmem:$0x2600] =	vst v63  }
0x6e: {  	s24 =	sand.u32 $0x1FFFFFF0, s25;
	s25 =	spop (v2sf);
	(v2sf) =	vpush v51, $0x5  }
0x6f: {  	s26 =	rddreg [dreg:$0x9];
	s24 =	sadd.s32 s2, s24  }
0x70: {  	[tilespmem:s26], [sflag:$0x6] =	stream.linear.gather [hbm4b:s24+s1], $0x80, $0x38;
	[tilespmem:$0x2600] =	vst v63  }
0x71: {  	s24 =	sand.u32 $0x1FFFFFF0, s28  }
0x72: {  	s29 =	rddreg [dreg:$0xa];
	s24 =	sadd.s32 s3, s24  }
0x73: {  	[tilespmem:s29], [sflag:$0x7] =	stream.linear.gather [hbm4b:s24+s1], $0x80, $0x38;
	[tilespmem:$0x2600] =	vst v63  }
0x74: {  	s24 =	sand.u32 $0x1FFFFFF0, s30;
	s28 =	spop (v2sf);
	(v2sf) =	vpush v1, $0x6  }
0x75: {  	s31 =	rddreg [dreg:$0xb];
	s24 =	sadd.s32 s2, s24  }
0x76: {  	[tilespmem:s31], [sflag:$0x8] =	stream.linear.gather [hbm4b:s24+s1], $0x80, $0x38;
	[tilespmem:$0x2600] =	vst v63  }
0x77: {  	s24 =	sand.u32 $0x1FFFFFF0, s25  }
0x78: {  	s26 =	rddreg [dreg:$0xc];
	s24 =	sadd.s32 s3, s24;
	s30 =	spop (v2sf);
	(v2sf) =	vpush v51, $0x6  }
0x79: {  	[tilespmem:s26], [sflag:$0x9] =	stream.linear.gather [hbm4b:s24+s1], $0x80, $0x38;
	[tilespmem:$0x2600] =	vst v63  }
0x7a: {  	s24 =	sand.u32 $0x1FFFFFF0, s28;
	s25 =	spop (v2sf);
	(v2sf) =	vpush v1, $0x7  }
0x7b: {  	s29 =	rddreg [dreg:$0xd];
	s24 =	sadd.s32 s2, s24  }
0x7c: {  	[tilespmem:s29], [sflag:$0x2] =	stream.linear.gather [hbm4b:s24+s1], $0x80, $0x38;
	[tilespmem:$0x2600] =	vst v63  }
0x7d: {  	s24 =	sand.u32 $0x1FFFFFF0, s30;
	s28 =	spop (v2sf);
	(v2sf) =	vpush v51, $0x7  }
0x7e: {  	s31 =	rddreg [dreg:$0xe];
	s24 =	sadd.s32 s3, s24  }
0x7f: {  	[tilespmem:s31], [sflag:$0x3] =	stream.linear.gather [hbm4b:s24+s1], $0x80, $0x38;
	[tilespmem:$0x2600] =	vst v63  }
0x80: {  	s24 =	sand.u32 $0x1FFFFFF0, s25  }
0x81: {  	s26 =	rddreg [dreg:$0xf];
	s24 =	sadd.s32 s2, s24  }
0x82: {  	[tilespmem:s26], [sflag:$0x4] =	stream.linear.gather [hbm4b:s24+s1], $0x80, $0x38;
	[tilespmem:$0x2600] =	vst v63  }
0x83: {  	s24 =	sand.u32 $0x1FFFFFF0, s28;
	s30 =	spop (v2sf);
	(v2sf) =	vpush v1, $0x8  }
0x84: {  	s29 =	rddreg [dreg:$0x10];
	s24 =	sadd.s32 s3, s24  }
0x85: {  	[tilespmem:s29], [sflag:$0x5] =	stream.linear.gather [hbm4b:s24+s1], $0x80, $0x38;
	[tilespmem:$0x2600] =	vst v63  }
0x86: {  	s24 =	sand.u32 $0x1FFFFFF0, s30  }
0x87: {  	s31 =	rddreg [dreg:$0x11];
	s24 =	sadd.s32 s2, s24;
	s25 =	spop (v2sf);
	(v2sf) =	vpush v51, $0x8  }
0x88: {  	[tilespmem:s31], [sflag:$0x6] =	stream.linear.gather [hbm4b:s24+s1], $0x80, $0x38;
	[tilespmem:$0x2600] =	vst v63  }
0x89: {  	s24 =	sand.u32 $0x1FFFFFF0, s25;
	s28 =	spop (v2sf);
	(v2sf) =	vpush v1, $0x9  }
0x8a: {  	s26 =	rddreg [dreg:$0x12];
	s24 =	sadd.s32 s3, s24  }
0x8b: {  	[tilespmem:s26], [sflag:$0x7] =	stream.linear.gather [hbm4b:s24+s1], $0x80, $0x38;
	[tilespmem:$0x2600] =	vst v63  }
0x8c: {  	s30 =	spop (v2sf);
	(v2sf) =	vpush v51, $0x9;
	s24 =	sand.u32 $0x1FFFFFF0, s28  }
0x8d: {  	s29 =	rddreg [dreg:$0x13];
	s24 =	sadd.s32 s2, s24  }
0x8e: {  	[tilespmem:s29], [sflag:$0x8] =	stream.linear.gather [hbm4b:s24+s1], $0x80, $0x38;
	[tilespmem:$0x2600] =	vst v63  }
0x8f: {  	s24 =	sand.u32 $0x1FFFFFF0, s30  }
0x90: {  	s31 =	rddreg [dreg:$0x14];
	s24 =	sadd.s32 s3, s24  }
0x91: {  	[tilespmem:s31], [sflag:$0x9] =	stream.linear.gather [hbm4b:s24+s1], $0x80, $0x38;
	[tilespmem:$0x2600] =	vst v63  }
0x92: {  	s25 =	spop (v2sf)  }
0x93: {  	s24 =	sand.u32 $0x1FFFFFF0, s25  }
0x94: {  	s26 =	rddreg [dreg:$0x15];
	s24 =	sadd.s32 s2, s24  }
0x95: {  	[tilespmem:s26], [sflag:$0x2] =	stream.linear.gather [hbm4b:s24+s1], $0x80, $0x38;
	[tilespmem:$0x2600] =	vst v63  }
0x96: {  	s28 =	spop (v2sf)  }
0x97: {  	s24 =	sand.u32 $0x1FFFFFF0, s28  }
0x98: {  	s29 =	rddreg [dreg:$0x16];
	s30 =	spop (v2sf);
	s24 =	sadd.s32 s3, s24  }
0x99: {  	[tilespmem:s29], [sflag:$0x3] =	stream.linear.gather [hbm4b:s24+s1], $0x80, $0x38;
	[tilespmem:$0x2600] =	vst v63  }
0x9a: {  	s24 =	sand.u32 $0x1FFFFFF0, s30  }
0x9b: {  	s31 =	rddreg [dreg:$0x17];
	s25 =	spop (v2sf);
	s24 =	sadd.s32 s2, s24  }
0x9c: {  	[tilespmem:s31], [sflag:$0x4] =	stream.linear.gather [hbm4b:s24+s1], $0x80, $0x38;
	[tilespmem:$0x2600] =	vst v63  }
0x9d: {  	s24 =	sand.u32 $0x1FFFFFF0, s25  }
0x9e: {  	s26 =	rddreg [dreg:$0x18];
	s24 =	sadd.s32 s3, s24  }
0x9f: {  	[tilespmem:s26], [sflag:$0x5] =	stream.linear.gather [hbm4b:s24+s1], $0x80, $0x38;
	[tilespmem:$0x2600] =	vst v63  }
0xa0: {  	(v2sf) =	vpush v1, $0xA;
	_ =	sdelay $0x1  }
0xa1: {  	(v2sf) =	vpush v51, $0xA;
	_ =	sdelay $0x1  }
0xa2: {  	(v2sf) =	vpush v1, $0xB;
	_ =	sdelay $0x2  }
0xa3: {  	(v2sf) =	vpush v51, $0xB;
	_ =	sdelay $0x7  }
0xa4: {  	s28 =	spop (v2sf);
	(v2sf) =	vpush v1, $0xC;
	_ =	sdelay $0x1  }
0xa5: {  	s30 =	spop (v2sf);
	(v2sf) =	vpush v51, $0xC;
	_ =	sdelay $0x1  }
0xa6: {  	s24 =	sand.u32 $0x1FFFFFF0, s28;
	s25 =	spop (v2sf);
	(v2sf) =	vpush v1, $0xD  }
0xa7: {  	s29 =	rddreg [dreg:$0x19];
	s24 =	sadd.s32 s2, s24  }
0xa8: {  	[tilespmem:s29], [sflag:$0x6] =	stream.linear.gather [hbm4b:s24+s1], $0x80, $0x38;
	[tilespmem:$0x2600] =	vst v63  }
0xa9: {  	s28 =	spop (v2sf);
	(v2sf) =	vpush v51, $0xD  }
0xaa: {  	s24 =	sand.u32 $0x1FFFFFF0, s30  }
0xab: {  	s31 =	rddreg [dreg:$0x1a];
	s24 =	sadd.s32 s3, s24  }
0xac: {  	[tilespmem:s31], [sflag:$0x7] =	stream.linear.gather [hbm4b:s24+s1], $0x80, $0x38;
	[tilespmem:$0x2600] =	vst v63  }
0xad: {  	s24 =	sand.u32 $0x1FFFFFF0, s25  }
0xae: {  	s26 =	rddreg [dreg:$0x1b];
	s24 =	sadd.s32 s2, s24  }
0xaf: {  	[tilespmem:s26], [sflag:$0x8] =	stream.linear.gather [hbm4b:s24+s1], $0x80, $0x38;
	[tilespmem:$0x2600] =	vst v63  }
0xb0: {  	s24 =	sand.u32 $0x1FFFFFF0, s28  }
0xb1: {  	s29 =	rddreg [dreg:$0x1c];
	s24 =	sadd.s32 s3, s24;
	s30 =	spop (v2sf);
	(v2sf) =	vpush v1, $0xE  }
0xb2: {  	[tilespmem:s29], [sflag:$0x9] =	stream.linear.gather [hbm4b:s24+s1], $0x80, $0x38;
	[tilespmem:$0x2600] =	vst v63  }
0xb3: {  	s25 =	spop (v2sf);
	(v2sf) =	vpush v51, $0xE  }
0xb4: {  	s24 =	sand.u32 $0x1FFFFFF0, s30  }
0xb5: {  	s31 =	rddreg [dreg:$0x1d];
	s24 =	sadd.s32 s2, s24;
	s28 =	spop (v2sf)  }
0xb6: {  	(v2sf) =	vpush v1, $0xF;
	[tilespmem:s31], [sflag:$0x2] =	stream.linear.gather [hbm4b:s24+s1], $0x80, $0x38;
	[tilespmem:$0x2600] =	vst v63  }
0xb7: {  	s24 =	sand.u32 $0x1FFFFFF0, s25  }
0xb8: {  	s26 =	rddreg [dreg:$0x1e];
	s30 =	spop (v2sf);
	s24 =	sadd.s32 s3, s24  }
0xb9: {  	(v2sf) =	vpush v51, $0xF;
	[tilespmem:s26], [sflag:$0x3] =	stream.linear.gather [hbm4b:s24+s1], $0x80, $0x38;
	[tilespmem:$0x2600] =	vst v63  }
0xba: {  	s29 =	rddreg [dreg:$0x1f];
	s24 =	sand.u32 $0x1FFFFFF0, s28  }
0xbb: {  	s31 =	sld [smem:$0x7D9];
	s24 =	sadd.s32 s2, s24  }
0xbc: {  	[tilespmem:s29], [sflag:$0x4] =	stream.linear.gather [hbm4b:s24+s1], $0x80, $0x38;
	[tilespmem:$0x2600] =	vst v63  }
0xbd: {  	s24 =	sand.u32 $0x1FFFFFF0, s30  }
0xbe: {  	s24 =	sadd.s32 s3, s24  }
0xbf: {  	[tilespmem:s31], [sflag:$0x5] =	stream.linear.gather [hbm4b:s24+s1], $0x80, $0x38;
	[tilespmem:$0x2600] =	vst v63  }
0xc0: {  	s26 =	sld [smem:$0x7DA];
	s25 =	spop (v2sf)  }
0xc1: {  	s24 =	sand.u32 $0x1FFFFFF0, s25  }
0xc2: {  	s29 =	sld [smem:$0x7DB];
	s28 =	spop (v2sf);
	s24 =	sadd.s32 s2, s24  }
0xc3: {  	[tilespmem:s26], [sflag:$0x6] =	stream.linear.gather [hbm4b:s24+s1], $0x80, $0x38;
	[tilespmem:$0x2600] =	vst v63  }
0xc4: {  	s24 =	sand.u32 $0x1FFFFFF0, s28  }
0xc5: {  	s31 =	sld [smem:$0x7DC];
	s30 =	spop (v2sf);
	s24 =	sadd.s32 s3, s24  }
0xc6: {  	[tilespmem:s29], [sflag:$0x7] =	stream.linear.gather [hbm4b:s24+s1], $0x80, $0x38;
	[tilespmem:$0x2600] =	vst v63  }
0xc7: {  	s24 =	sand.u32 $0x1FFFFFF0, s30  }
0xc8: {  	s25 =	spop (v2sf);
	s26 =	sld [smem:$0x7DD];
	s24 =	sadd.s32 s2, s24  }
0xc9: {  	[tilespmem:s31], [sflag:$0x8] =	stream.linear.gather [hbm4b:s24+s1], $0x80, $0x38;
	[tilespmem:$0x2600] =	vst v63  }
0xca: {  	s24 =	sand.u32 $0x1FFFFFF0, s25  }
0xcb: {  	s24 =	sadd.s32 s3, s24  }
0xcc: {  	[tilespmem:s26], [sflag:$0x9] =	stream.linear.gather [hbm4b:s24+s1], $0x80, $0x38;
	[tilespmem:$0x2600] =	vst v63  }
0xcd: {  	v52 =	vld [tilespmem:s23+$0x10];
	_ =	sdelay $0x1  }
0xce: {  	v53 =	vld [tilespmem:s23+$0x210];
	_ =	sdelay $0x2  }
0xcf: {  	v54 =	vshll.u32 v52, $0x4  }
0xd0: {  	(v2sf) =	vpush v54, $0x0  }
0xd1: {  	v55 =	vshll.u32 v53, $0x4  }
0xd2: {  	(v2sf) =	vpush v55, $0x0;
	_ =	sdelay $0x1  }
0xd3: {  	(v2sf) =	vpush v54, $0x1;
	_ =	sdelay $0x2  }
0xd4: {  	(v2sf) =	vpush v55, $0x1;
	_ =	sdelay $0x7  }
0xd5: {  	s28 =	spop (v2sf);
	(v2sf) =	vpush v54, $0x2;
	_ =	sdelay $0x1  }
0xd6: {  	s30 =	spop (v2sf);
	(v2sf) =	vpush v55, $0x2;
	_ =	sdelay $0x1  }
0xd7: {  	s25 =	spop (v2sf);
	(v2sf) =	vpush v54, $0x3;
	_ =	sdelay $0x2  }
0xd8: {  	s24 =	sand.u32 $0x1FFFFFF0, s28;
	s28 =	spop (v2sf);
	(v2sf) =	vpush v55, $0x3  }
0xd9: {  	s29 =	sld [smem:$0x7DE];
	_ =	sdelay $0x1  }
0xda: {  	s31 =	sld [smem:$0x7DF];
	s24 =	sadd.s32 s2, s24  }
0xdb: {  	[tilespmem:s29], [sflag:$0x2] =	stream.linear.gather [hbm4b:s24+s1], $0x80, $0x38;
	[tilespmem:$0x2600] =	vst v63  }
0xdc: {  	s24 =	sand.u32 $0x1FFFFFF0, s30  }
0xdd: {  	s24 =	sadd.s32 s3, s24  }
0xde: {  	[tilespmem:s31], [sflag:$0x3] =	stream.linear.gather [hbm4b:s24+s1], $0x80, $0x38;
	[tilespmem:$0x2600] =	vst v63  }
0xdf: {  	s26 =	sld [smem:$0x7E0];
	s30 =	spop (v2sf);
	(v2sf) =	vpush v54, $0x4  }
0xe0: {  	s24 =	sand.u32 $0x1FFFFFF0, s25  }
0xe1: {  	s29 =	sld [smem:$0x7E1];
	s24 =	sadd.s32 s2, s24;
	s25 =	spop (v2sf);
	(v2sf) =	vpush v55, $0x4  }
0xe2: {  	[tilespmem:s26], [sflag:$0x4] =	stream.linear.gather [hbm4b:s24+s1], $0x80, $0x38;
	[tilespmem:$0x2600] =	vst v63  }
0xe3: {  	s24 =	sand.u32 $0x1FFFFFF0, s28;
	s28 =	spop (v2sf);
	(v2sf) =	vpush v54, $0x5  }
0xe4: {  	s24 =	sadd.s32 s3, s24  }
0xe5: {  	[tilespmem:s29], [sflag:$0x5] =	stream.linear.gather [hbm4b:s24+s1], $0x80, $0x38;
	[tilespmem:$0x2600] =	vst v63  }
0xe6: {  	s24 =	sand.u32 $0x1FFFFFF0, s30;
	s30 =	spop (v2sf);
	(v2sf) =	vpush v55, $0x5  }
0xe7: {  	s31 =	sld [smem:$0x7E2];
	_ =	sdelay $0x1  }
0xe8: {  	s26 =	sld [smem:$0x7E3];
	s24 =	sadd.s32 s2, s24  }
0xe9: {  	[tilespmem:s31], [sflag:$0x6] =	stream.linear.gather [hbm4b:s24+s1], $0x80, $0x38;
	[tilespmem:$0x2600] =	vst v63  }
0xea: {  	s24 =	sand.u32 $0x1FFFFFF0, s25  }
0xeb: {  	s24 =	sadd.s32 s3, s24  }
0xec: {  	[tilespmem:s26], [sflag:$0x7] =	stream.linear.gather [hbm4b:s24+s1], $0x80, $0x38;
	[tilespmem:$0x2600] =	vst v63  }
0xed: {  	s29 =	sld [smem:$0x7E4];
	s25 =	spop (v2sf);
	(v2sf) =	vpush v54, $0x6  }
0xee: {  	s24 =	sand.u32 $0x1FFFFFF0, s28  }
0xef: {  	s31 =	sld [smem:$0x7E5];
	s24 =	sadd.s32 s2, s24;
	s28 =	spop (v2sf);
	(v2sf) =	vpush v55, $0x6  }
0xf0: {  	[tilespmem:s29], [sflag:$0x8] =	stream.linear.gather [hbm4b:s24+s1], $0x80, $0x38;
	[tilespmem:$0x2600] =	vst v63  }
0xf1: {  	s24 =	sand.u32 $0x1FFFFFF0, s30;
	s30 =	spop (v2sf);
	(v2sf) =	vpush v54, $0x7  }
0xf2: {  	s24 =	sadd.s32 s3, s24  }
0xf3: {  	[tilespmem:s31], [sflag:$0x9] =	stream.linear.gather [hbm4b:s24+s1], $0x80, $0x38;
	[tilespmem:$0x2600] =	vst v63  }
0xf4: {  	s24 =	sand.u32 $0x1FFFFFF0, s25;
	s25 =	spop (v2sf);
	(v2sf) =	vpush v55, $0x7  }
0xf5: {  	s26 =	sld [smem:$0x7E6];
	_ =	sdelay $0x1  }
0xf6: {  	s29 =	sld [smem:$0x7E7];
	s24 =	sadd.s32 s2, s24  }
0xf7: {  	[tilespmem:s26], [sflag:$0x2] =	stream.linear.gather [hbm4b:s24+s1], $0x80, $0x38;
	[tilespmem:$0x2600] =	vst v63  }
0xf8: {  	s24 =	sand.u32 $0x1FFFFFF0, s28  }
0xf9: {  	s24 =	sadd.s32 s3, s24  }
0xfa: {  	[tilespmem:s29], [sflag:$0x3] =	stream.linear.gather [hbm4b:s24+s1], $0x80, $0x38;
	[tilespmem:$0x2600] =	vst v63  }
0xfb: {  	s31 =	sld [smem:$0x7E8];
	s28 =	spop (v2sf);
	(v2sf) =	vpush v54, $0x8  }
0xfc: {  	s24 =	sand.u32 $0x1FFFFFF0, s30  }
0xfd: {  	s26 =	sld [smem:$0x7E9];
	s24 =	sadd.s32 s2, s24;
	s30 =	spop (v2sf);
	(v2sf) =	vpush v55, $0x8  }
0xfe: {  	[tilespmem:s31], [sflag:$0x4] =	stream.linear.gather [hbm4b:s24+s1], $0x80, $0x38;
	[tilespmem:$0x2600] =	vst v63  }
0xff: {  	s24 =	sand.u32 $0x1FFFFFF0, s25;
	s25 =	spop (v2sf);
	(v2sf) =	vpush v54, $0x9  }
0x100: {  	s24 =	sadd.s32 s3, s24  }
0x101: {  	[tilespmem:s26], [sflag:$0x5] =	stream.linear.gather [hbm4b:s24+s1], $0x80, $0x38;
	[tilespmem:$0x2600] =	vst v63  }
0x102: {  	s29 =	sld [smem:$0x7EA];
	s24 =	sand.u32 $0x1FFFFFF0, s28;
	s28 =	spop (v2sf);
	(v2sf) =	vpush v55, $0x9  }
0x103: {  	_ = 	snop  }
0x104: {  	s31 =	sld [smem:$0x7EB];
	s24 =	sadd.s32 s2, s24  }
0x105: {  	[tilespmem:s29], [sflag:$0x6] =	stream.linear.gather [hbm4b:s24+s1], $0x80, $0x38;
	[tilespmem:$0x2600] =	vst v63  }
0x106: {  	s24 =	sand.u32 $0x1FFFFFF0, s30  }
0x107: {  	s26 =	sld [smem:$0x7EC];
	s24 =	sadd.s32 s3, s24  }
0x108: {  	[tilespmem:s31], [sflag:$0x7] =	stream.linear.gather [hbm4b:s24+s1], $0x80, $0x38;
	[tilespmem:$0x2600] =	vst v63  }
0x109: {  	s24 =	sand.u32 $0x1FFFFFF0, s25  }
0x10a: {  	s24 =	sadd.s32 s2, s24;
	s30 =	spop (v2sf);
	(v2sf) =	vpush v54, $0xA  }
0x10b: {  	[tilespmem:s26], [sflag:$0x8] =	stream.linear.gather [hbm4b:s24+s1], $0x80, $0x38;
	[tilespmem:$0x2600] =	vst v63  }
0x10c: {  	s29 =	sld [smem:$0x7ED];
	s25 =	spop (v2sf);
	(v2sf) =	vpush v55, $0xA  }
0x10d: {  	s24 =	sand.u32 $0x1FFFFFF0, s28  }
0x10e: {  	s31 =	sld [smem:$0x7EE];
	s24 =	sadd.s32 s3, s24;
	s28 =	spop (v2sf);
	(v2sf) =	vpush v54, $0xB  }
0x10f: {  	[tilespmem:s29], [sflag:$0x9] =	stream.linear.gather [hbm4b:s24+s1], $0x80, $0x38;
	[tilespmem:$0x2600] =	vst v63  }
0x110: {  	s24 =	sand.u32 $0x1FFFFFF0, s30  }
0x111: {  	s26 =	sld [smem:$0x7EF];
	s24 =	sadd.s32 s2, s24;
	s30 =	spop (v2sf);
	(v2sf) =	vpush v55, $0xB  }
0x112: {  	[tilespmem:s31], [sflag:$0x2] =	stream.linear.gather [hbm4b:s24+s1], $0x80, $0x38;
	[tilespmem:$0x2600] =	vst v63  }
0x113: {  	s24 =	sand.u32 $0x1FFFFFF0, s25  }
0x114: {  	s29 =	sld [smem:$0x7F0];
	s24 =	sadd.s32 s3, s24  }
0x115: {  	[tilespmem:s26], [sflag:$0x3] =	stream.linear.gather [hbm4b:s24+s1], $0x80, $0x38;
	[tilespmem:$0x2600] =	vst v63  }
0x116: {  	s24 =	sand.u32 $0x1FFFFFF0, s28  }
0x117: {  	s24 =	sadd.s32 s2, s24  }
0x118: {  	[tilespmem:s29], [sflag:$0x4] =	stream.linear.gather [hbm4b:s24+s1], $0x80, $0x38;
	[tilespmem:$0x2600] =	vst v63  }
0x119: {  	s31 =	sld [smem:$0x7F1];
	s25 =	spop (v2sf);
	(v2sf) =	vpush v54, $0xC  }
0x11a: {  	s24 =	sand.u32 $0x1FFFFFF0, s30  }
0x11b: {  	s26 =	sld [smem:$0x7F2];
	s24 =	sadd.s32 s3, s24;
	s28 =	spop (v2sf);
	(v2sf) =	vpush v55, $0xC  }
0x11c: {  	[tilespmem:s31], [sflag:$0x5] =	stream.linear.gather [hbm4b:s24+s1], $0x80, $0x38;
	[tilespmem:$0x2600] =	vst v63  }
0x11d: {  	s24 =	sand.u32 $0x1FFFFFF0, s25;
	s30 =	spop (v2sf);
	(v2sf) =	vpush v54, $0xD  }
0x11e: {  	s24 =	sadd.s32 s2, s24  }
0x11f: {  	[tilespmem:s26], [sflag:$0x6] =	stream.linear.gather [hbm4b:s24+s1], $0x80, $0x38;
	[tilespmem:$0x2600] =	vst v63  }
0x120: {  	s29 =	sld [smem:$0x7F3];
	s25 =	spop (v2sf);
	(v2sf) =	vpush v55, $0xD  }
0x121: {  	s24 =	sand.u32 $0x1FFFFFF0, s28  }
0x122: {  	s31 =	sld [smem:$0x7F4];
	s24 =	sadd.s32 s3, s24  }
0x123: {  	[tilespmem:s29], [sflag:$0x7] =	stream.linear.gather [hbm4b:s24+s1], $0x80, $0x38;
	[tilespmem:$0x2600] =	vst v63  }
0x124: {  	s24 =	sand.u32 $0x1FFFFFF0, s30  }
0x125: {  	s26 =	sld [smem:$0x7F5];
	s24 =	sadd.s32 s2, s24  }
0x126: {  	[tilespmem:s31], [sflag:$0x8] =	stream.linear.gather [hbm4b:s24+s1], $0x80, $0x38;
	[tilespmem:$0x2600] =	vst v63  }
0x127: {  	s24 =	sand.u32 $0x1FFFFFF0, s25  }
0x128: {  	s24 =	sadd.s32 s3, s24;
	s28 =	spop (v2sf);
	(v2sf) =	vpush v54, $0xE  }
0x129: {  	[tilespmem:s26], [sflag:$0x9] =	stream.linear.gather [hbm4b:s24+s1], $0x80, $0x38;
	[tilespmem:$0x2600] =	vst v63  }
0x12a: {  	s29 =	sld [smem:$0x7F6];
	s30 =	spop (v2sf);
	(v2sf) =	vpush v55, $0xE  }
0x12b: {  	s24 =	sand.u32 $0x1FFFFFF0, s28  }
0x12c: {  	s31 =	sld [smem:$0x7F7];
	s24 =	sadd.s32 s2, s24;
	s25 =	spop (v2sf)  }
0x12d: {  	(v2sf) =	vpush v54, $0xF;
	[tilespmem:s29], [sflag:$0x2] =	stream.linear.gather [hbm4b:s24+s1], $0x80, $0x38;
	[tilespmem:$0x2600] =	vst v63  }
0x12e: {  	s24 =	sand.u32 $0x1FFFFFF0, s30  }
0x12f: {  	s26 =	sld [smem:$0x7F8];
	s28 =	spop (v2sf);
	s24 =	sadd.s32 s3, s24  }
0x130: {  	(v2sf) =	vpush v55, $0xF;
	[tilespmem:s31], [sflag:$0x3] =	stream.linear.gather [hbm4b:s24+s1], $0x80, $0x38;
	[tilespmem:$0x2600] =	vst v63  }
0x131: {  	s24 =	sand.u32 $0x1FFFFFF0, s25  }
0x132: {  	s29 =	sld [smem:$0x7F9];
	s24 =	sadd.s32 s2, s24  }
0x133: {  	[tilespmem:s26], [sflag:$0x4] =	stream.linear.gather [hbm4b:s24+s1], $0x80, $0x38;
	[tilespmem:$0x2600] =	vst v63  }
0x134: {  	s24 =	sand.u32 $0x1FFFFFF0, s28  }
0x135: {  	s24 =	sadd.s32 s3, s24  }
0x136: {  	[tilespmem:s29], [sflag:$0x5] =	stream.linear.gather [hbm4b:s24+s1], $0x80, $0x38;
	[tilespmem:$0x2600] =	vst v63  }
0x137: {  	s31 =	sld [smem:$0x7FA];
	s30 =	spop (v2sf)  }
0x138: {  	s24 =	sand.u32 $0x1FFFFFF0, s30  }
0x139: {  	s26 =	sld [smem:$0x7FB];
	s25 =	spop (v2sf);
	s24 =	sadd.s32 s2, s24  }
0x13a: {  	[tilespmem:s31], [sflag:$0x6] =	stream.linear.gather [hbm4b:s24+s1], $0x80, $0x38;
	[tilespmem:$0x2600] =	vst v63  }
0x13b: {  	s24 =	sand.u32 $0x1FFFFFF0, s25  }
0x13c: {  	s29 =	sld [smem:$0x7FC];
	s28 =	spop (v2sf);
	s24 =	sadd.s32 s3, s24  }
0x13d: {  	[tilespmem:s26], [sflag:$0x7] =	stream.linear.gather [hbm4b:s24+s1], $0x80, $0x38;
	[tilespmem:$0x2600] =	vst v63  }
0x13e: {  	s24 =	sand.u32 $0x1FFFFFF0, s28  }
0x13f: {  	s30 =	spop (v2sf);
	s31 =	sld [smem:$0x7FD];
	s24 =	sadd.s32 s2, s24  }
0x140: {  	[tilespmem:s29], [sflag:$0x8] =	stream.linear.gather [hbm4b:s24+s1], $0x80, $0x38;
	[tilespmem:$0x2600] =	vst v63  }
0x141: {  	s24 =	sand.u32 $0x1FFFFFF0, s30  }
0x142: {  	s24 =	sadd.s32 s3, s24  }
0x143: {  	[tilespmem:s31], [sflag:$0x9] =	stream.linear.gather [hbm4b:s24+s1], $0x80, $0x38;
	[tilespmem:$0x2600] =	vst v63  }
0x144: {  	_ =	swait.ge [sflag:s11], $0x80  }
0x145: {  	[sflag:s11] =	ssyncset.done $0x0  }
0x146: {  	[sflag:s11] =	ssyncadd.s32 $0xFFFFFF80  }
0x147: {  	_ =	swait.ge [sflag:s12], $0x80  }
0x148: {  	[sflag:s12] =	ssyncset.done $0x0  }
0x149: {  	[sflag:s12] =	ssyncadd.s32 $0xFFFFFF80  }
0x14a: {  	_ =	swait.ge [sflag:s13], $0x80  }
0x14b: {  	[sflag:s13] =	ssyncset.done $0x0  }
0x14c: {  	[sflag:s13] =	ssyncadd.s32 $0xFFFFFF80  }
0x14d: {  	_ =	swait.ge [sflag:s14], $0x80  }
0x14e: {  	[sflag:s14] =	ssyncset.done $0x0  }
0x14f: {  	[sflag:s14] =	ssyncadd.s32 $0xFFFFFF80  }
0x150: {  	_ =	swait.ge [sflag:s15], $0x80  }
0x151: {  	[sflag:s15] =	ssyncset.done $0x0  }
0x152: {  	[sflag:s15] =	ssyncadd.s32 $0xFFFFFF80  }
0x153: {  	_ =	swait.ge [sflag:s16], $0x80  }
0x154: {  	[sflag:s16] =	ssyncset.done $0x0  }
0x155: {  	[sflag:s16] =	ssyncadd.s32 $0xFFFFFF80  }
0x156: {  	_ =	swait.ge [sflag:s17], $0x80  }
0x157: {  	[sflag:s17] =	ssyncset.done $0x0  }
0x158: {  	[sflag:s17] =	ssyncadd.s32 $0xFFFFFF80  }
0x159: {  	_ =	swait.ge [sflag:s18], $0x80  }
0x15a: {  	[sflag:s18] =	ssyncset.done $0x0  }
0x15b: {  	[sflag:s18] =	ssyncadd.s32 $0xFFFFFF80  }
0x15c: {  	_ =	swait.ge [sflag:s11], $0x80  }
0x15d: {  	[sflag:s11] =	ssyncset.done $0x0  }
0x15e: {  	[sflag:s11] =	ssyncadd.s32 $0xFFFFFF80  }
0x15f: {  	_ =	swait.ge [sflag:s12], $0x80  }
0x160: {  	[sflag:s12] =	ssyncset.done $0x0  }
0x161: {  	[sflag:s12] =	ssyncadd.s32 $0xFFFFFF80  }
0x162: {  	_ =	swait.ge [sflag:s13], $0x80  }
0x163: {  	[sflag:s13] =	ssyncset.done $0x0  }
0x164: {  	[sflag:s13] =	ssyncadd.s32 $0xFFFFFF80  }
0x165: {  	_ =	swait.ge [sflag:s14], $0x80  }
0x166: {  	[sflag:s14] =	ssyncset.done $0x0  }
0x167: {  	[sflag:s14] =	ssyncadd.s32 $0xFFFFFF80  }
0x168: {  	_ =	swait.ge [sflag:s15], $0x80  }
0x169: {  	[sflag:s15] =	ssyncset.done $0x0  }
0x16a: {  	[sflag:s15] =	ssyncadd.s32 $0xFFFFFF80  }
0x16b: {  	_ =	swait.ge [sflag:s16], $0x80  }
0x16c: {  	[sflag:s16] =	ssyncset.done $0x0  }
0x16d: {  	[sflag:s16] =	ssyncadd.s32 $0xFFFFFF80  }
0x16e: {  	_ =	swait.ge [sflag:s17], $0x80  }
0x16f: {  	[sflag:s17] =	ssyncset.done $0x0  }
0x170: {  	[sflag:s17] =	ssyncadd.s32 $0xFFFFFF80  }
0x171: {  	_ =	swait.ge [sflag:s18], $0x80  }
0x172: {  	[sflag:s18] =	ssyncset.done $0x0  }
0x173: {  	[sflag:s18] =	ssyncadd.s32 $0xFFFFFF80  }
0x174: {  	_ =	swait.ge [sflag:s11], $0x80  }
0x175: {  	[sflag:s11] =	ssyncset.done $0x0  }
0x176: {  	[sflag:s11] =	ssyncadd.s32 $0xFFFFFF80  }
0x177: {  	_ =	swait.ge [sflag:s12], $0x80  }
0x178: {  	[sflag:s12] =	ssyncset.done $0x0  }
0x179: {  	[sflag:s12] =	ssyncadd.s32 $0xFFFFFF80  }
0x17a: {  	_ =	swait.ge [sflag:s13], $0x80  }
0x17b: {  	[sflag:s13] =	ssyncset.done $0x0  }
0x17c: {  	[sflag:s13] =	ssyncadd.s32 $0xFFFFFF80  }
0x17d: {  	_ =	swait.ge [sflag:s14], $0x80  }
0x17e: {  	[sflag:s14] =	ssyncset.done $0x0  }
0x17f: {  	[sflag:s14] =	ssyncadd.s32 $0xFFFFFF80  }
0x180: {  	_ =	swait.ge [sflag:s15], $0x80  }
0x181: {  	[sflag:s15] =	ssyncset.done $0x0  }
0x182: {  	[sflag:s15] =	ssyncadd.s32 $0xFFFFFF80  }
0x183: {  	_ =	swait.ge [sflag:s16], $0x80  }
0x184: {  	[sflag:s16] =	ssyncset.done $0x0  }
0x185: {  	[sflag:s16] =	ssyncadd.s32 $0xFFFFFF80  }
0x186: {  	_ =	swait.ge [sflag:s17], $0x80  }
0x187: {  	[sflag:s17] =	ssyncset.done $0x0  }
0x188: {  	[sflag:s17] =	ssyncadd.s32 $0xFFFFFF80  }
0x189: {  	_ =	swait.ge [sflag:s18], $0x80  }
0x18a: {  	[sflag:s18] =	ssyncset.done $0x0  }
0x18b: {  	[sflag:s18] =	ssyncadd.s32 $0xFFFFFF80  }
0x18c: {  	_ =	swait.ge [sflag:s11], $0x80  }
0x18d: {  	[sflag:s11] =	ssyncset.done $0x0  }
0x18e: {  	[sflag:s11] =	ssyncadd.s32 $0xFFFFFF80  }
0x18f: {  	_ =	swait.ge [sflag:s12], $0x80  }
0x190: {  	[sflag:s12] =	ssyncset.done $0x0  }
0x191: {  	[sflag:s12] =	ssyncadd.s32 $0xFFFFFF80  }
0x192: {  	_ =	swait.ge [sflag:s13], $0x80  }
0x193: {  	[sflag:s13] =	ssyncset.done $0x0  }
0x194: {  	[sflag:s13] =	ssyncadd.s32 $0xFFFFFF80  }
0x195: {  	_ =	swait.ge [sflag:s14], $0x80  }
0x196: {  	[sflag:s14] =	ssyncset.done $0x0  }
0x197: {  	[sflag:s14] =	ssyncadd.s32 $0xFFFFFF80  }
0x198: {  	_ =	swait.ge [sflag:s15], $0x80  }
0x199: {  	[sflag:s15] =	ssyncset.done $0x0  }
0x19a: {  	[sflag:s15] =	ssyncadd.s32 $0xFFFFFF80  }
0x19b: {  	_ =	swait.ge [sflag:s16], $0x80  }
0x19c: {  	[sflag:s16] =	ssyncset.done $0x0  }
0x19d: {  	[sflag:s16] =	ssyncadd.s32 $0xFFFFFF80  }
0x19e: {  	_ =	swait.ge [sflag:s17], $0x80  }
0x19f: {  	[sflag:s17] =	ssyncset.done $0x0  }
0x1a0: {  	[sflag:s17] =	ssyncadd.s32 $0xFFFFFF80  }
0x1a1: {  	_ =	swait.ge [sflag:s18], $0x80  }
0x1a2: {  	[sflag:s18] =	ssyncset.done $0x0  }
0x1a3: {  	[sflag:s18] =	ssyncadd.s32 $0xFFFFFF80  }
0x1a4: {  	_ =	swait.ge [sflag:s11], $0x80  }
0x1a5: {  	[sflag:s11] =	ssyncset.done $0x0  }
0x1a6: {  	[sflag:s11] =	ssyncadd.s32 $0xFFFFFF80  }
0x1a7: {  	_ =	swait.ge [sflag:s12], $0x80  }
0x1a8: {  	[sflag:s12] =	ssyncset.done $0x0  }
0x1a9: {  	[sflag:s12] =	ssyncadd.s32 $0xFFFFFF80  }
0x1aa: {  	_ =	swait.ge [sflag:s13], $0x80  }
0x1ab: {  	[sflag:s13] =	ssyncset.done $0x0  }
0x1ac: {  	[sflag:s13] =	ssyncadd.s32 $0xFFFFFF80  }
0x1ad: {  	_ =	swait.ge [sflag:s14], $0x80  }
0x1ae: {  	[sflag:s14] =	ssyncset.done $0x0  }
0x1af: {  	[sflag:s14] =	ssyncadd.s32 $0xFFFFFF80  }
0x1b0: {  	_ =	swait.ge [sflag:s15], $0x80  }
0x1b1: {  	[sflag:s15] =	ssyncset.done $0x0  }
0x1b2: {  	[sflag:s15] =	ssyncadd.s32 $0xFFFFFF80  }
0x1b3: {  	_ =	swait.ge [sflag:s16], $0x80  }
0x1b4: {  	[sflag:s16] =	ssyncset.done $0x0  }
0x1b5: {  	[sflag:s16] =	ssyncadd.s32 $0xFFFFFF80  }
0x1b6: {  	_ =	swait.ge [sflag:s17], $0x80  }
0x1b7: {  	[sflag:s17] =	ssyncset.done $0x0  }
0x1b8: {  	[sflag:s17] =	ssyncadd.s32 $0xFFFFFF80  }
0x1b9: {  	_ =	swait.ge [sflag:s18], $0x80  }
0x1ba: {  	[sflag:s18] =	ssyncset.done $0x0  }
0x1bb: {  	[sflag:s18] =	ssyncadd.s32 $0xFFFFFF80  }
0x1bc: {  	_ =	swait.ge [sflag:s11], $0x80  }
0x1bd: {  	[sflag:s11] =	ssyncset.done $0x0  }
0x1be: {  	[sflag:s11] =	ssyncadd.s32 $0xFFFFFF80  }
0x1bf: {  	_ =	swait.ge [sflag:s12], $0x80  }
0x1c0: {  	[sflag:s12] =	ssyncset.done $0x0  }
0x1c1: {  	[sflag:s12] =	ssyncadd.s32 $0xFFFFFF80  }
0x1c2: {  	_ =	swait.ge [sflag:s13], $0x80  }
0x1c3: {  	[sflag:s13] =	ssyncset.done $0x0  }
0x1c4: {  	[sflag:s13] =	ssyncadd.s32 $0xFFFFFF80  }
0x1c5: {  	_ =	swait.ge [sflag:s14], $0x80  }
0x1c6: {  	[sflag:s14] =	ssyncset.done $0x0  }
0x1c7: {  	[sflag:s14] =	ssyncadd.s32 $0xFFFFFF80  }
0x1c8: {  	_ =	swait.ge [sflag:s15], $0x80  }
0x1c9: {  	[sflag:s15] =	ssyncset.done $0x0  }
0x1ca: {  	[sflag:s15] =	ssyncadd.s32 $0xFFFFFF80  }
0x1cb: {  	_ =	swait.ge [sflag:s16], $0x80  }
0x1cc: {  	[sflag:s16] =	ssyncset.done $0x0  }
0x1cd: {  	[sflag:s16] =	ssyncadd.s32 $0xFFFFFF80  }
0x1ce: {  	_ =	swait.ge [sflag:s17], $0x80  }
0x1cf: {  	[sflag:s17] =	ssyncset.done $0x0  }
0x1d0: {  	[sflag:s17] =	ssyncadd.s32 $0xFFFFFF80  }
0x1d1: {  	_ =	swait.ge [sflag:s18], $0x80  }
0x1d2: {  	[sflag:s18] =	ssyncset.done $0x0  }
0x1d3: {  	[sflag:s18] =	ssyncadd.s32 $0xFFFFFF80  }
0x1d4: {  	_ =	swait.ge [sflag:s11], $0x80  }
0x1d5: {  	[sflag:s11] =	ssyncset.done $0x0  }
0x1d6: {  	[sflag:s11] =	ssyncadd.s32 $0xFFFFFF80  }
0x1d7: {  	_ =	swait.ge [sflag:s12], $0x80  }
0x1d8: {  	[sflag:s12] =	ssyncset.done $0x0  }
0x1d9: {  	[sflag:s12] =	ssyncadd.s32 $0xFFFFFF80  }
0x1da: {  	_ =	swait.ge [sflag:s13], $0x80  }
0x1db: {  	[sflag:s13] =	ssyncset.done $0x0  }
0x1dc: {  	[sflag:s13] =	ssyncadd.s32 $0xFFFFFF80  }
0x1dd: {  	_ =	swait.ge [sflag:s14], $0x80  }
0x1de: {  	[sflag:s14] =	ssyncset.done $0x0  }
0x1df: {  	[sflag:s14] =	ssyncadd.s32 $0xFFFFFF80  }
0x1e0: {  	_ =	swait.ge [sflag:s15], $0x80  }
0x1e1: {  	[sflag:s15] =	ssyncset.done $0x0  }
0x1e2: {  	[sflag:s15] =	ssyncadd.s32 $0xFFFFFF80  }
0x1e3: {  	_ =	swait.ge [sflag:s16], $0x80  }
0x1e4: {  	[sflag:s16] =	ssyncset.done $0x0  }
0x1e5: {  	[sflag:s16] =	ssyncadd.s32 $0xFFFFFF80  }
0x1e6: {  	_ =	swait.ge [sflag:s17], $0x80  }
0x1e7: {  	[sflag:s17] =	ssyncset.done $0x0  }
0x1e8: {  	[sflag:s17] =	ssyncadd.s32 $0xFFFFFF80  }
0x1e9: {  	_ =	swait.ge [sflag:s18], $0x80  }
0x1ea: {  	[sflag:s18] =	ssyncset.done $0x0  }
0x1eb: {  	[sflag:s18] =	ssyncadd.s32 $0xFFFFFF80  }
0x1ec: {  	_ =	swait.ge [sflag:s11], $0x80  }
0x1ed: {  	[sflag:s11] =	ssyncset.done $0x0  }
0x1ee: {  	[sflag:s11] =	ssyncadd.s32 $0xFFFFFF80  }
0x1ef: {  	_ =	swait.ge [sflag:s12], $0x80  }
0x1f0: {  	[sflag:s12] =	ssyncset.done $0x0  }
0x1f1: {  	[sflag:s12] =	ssyncadd.s32 $0xFFFFFF80  }
0x1f2: {  	_ =	swait.ge [sflag:s13], $0x80  }
0x1f3: {  	[sflag:s13] =	ssyncset.done $0x0  }
0x1f4: {  	[sflag:s13] =	ssyncadd.s32 $0xFFFFFF80  }
0x1f5: {  	_ =	swait.ge [sflag:s14], $0x80  }
0x1f6: {  	[sflag:s14] =	ssyncset.done $0x0  }
0x1f7: {  	[sflag:s14] =	ssyncadd.s32 $0xFFFFFF80  }
0x1f8: {  	_ =	swait.ge [sflag:s15], $0x80  }
0x1f9: {  	[sflag:s15] =	ssyncset.done $0x0  }
0x1fa: {  	[sflag:s15] =	ssyncadd.s32 $0xFFFFFF80  }
0x1fb: {  	_ =	swait.ge [sflag:s16], $0x80  }
0x1fc: {  	[sflag:s16] =	ssyncset.done $0x0  }
0x1fd: {  	[sflag:s16] =	ssyncadd.s32 $0xFFFFFF80  }
0x1fe: {  	_ =	swait.ge [sflag:s17], $0x80  }
0x1ff: {  	[sflag:s17] =	ssyncset.done $0x0  }
0x200: {  	[sflag:s17] =	ssyncadd.s32 $0xFFFFFF80  }
0x201: {  	_ =	swait.ge [sflag:s18], $0x80  }
0x202: {  	[sflag:s18] =	ssyncset.done $0x0  }
0x203: {  	[sflag:s18] =	ssyncadd.s32 $0xFFFFFF80  }
0x204: {  	v56 =	vld [tilespmem:$0x400]  }
0x205: {  	v57 =	vld [tilespmem:$0x410]  }
0x206: {  	v58 =	vld [tilespmem:$0x1400]  }
0x207: {  	v3 =	vld [tilespmem:$0x1410]  }
0x208: {  	v4 =	vld [tilespmem:$0x480]  }
0x209: {  	v5 =	vld [tilespmem:$0x490]  }
0x20a: {  	v6 =	vld [tilespmem:$0x1480]  }
0x20b: {  	v7 =	vld [tilespmem:$0x1490]  }
0x20c: {  	v8 =	vld [tilespmem:$0x500]  }
0x20d: {  	v9 =	vld [tilespmem:$0x510]  }
0x20e: {  	v10 =	vld [tilespmem:$0x1500]  }
0x20f: {  	v11 =	vld [tilespmem:$0x1510]  }
0x210: {  	v12 =	vld [tilespmem:$0x580]  }
0x211: {  	v13 =	vld [tilespmem:$0x590]  }
0x212: {  	v14 =	vld [tilespmem:$0x1580]  }
0x213: {  	v15 =	vld [tilespmem:$0x1590]  }
0x214: {  	v16 =	vld [tilespmem:$0x600]  }
0x215: {  	v17 =	vld [tilespmem:$0x610]  }
0x216: {  	v18 =	vld [tilespmem:$0x1600]  }
0x217: {  	v19 =	vld [tilespmem:$0x1610]  }
0x218: {  	v20 =	vld [tilespmem:$0x680]  }
0x219: {  	v21 =	vld [tilespmem:$0x690]  }
0x21a: {  	v22 =	vld [tilespmem:$0x1680]  }
0x21b: {  	v23 =	vld [tilespmem:$0x1690]  }
0x21c: {  	v24 =	vld [tilespmem:$0x700]  }
0x21d: {  	v25 =	vld [tilespmem:$0x710]  }
0x21e: {  	v26 =	vld [tilespmem:$0x1700]  }
0x21f: {  	v27 =	vld [tilespmem:$0x1710]  }
0x220: {  	v28 =	vld [tilespmem:$0x780]  }
0x221: {  	v29 =	vld [tilespmem:$0x790]  }
0x222: {  	v30 =	vld [tilespmem:$0x1780]  }
0x223: {  	v31 =	vld [tilespmem:$0x1790]  }
0x224: {  	v32 =	vld [tilespmem:$0x800]  }
0x225: {  	v33 =	vld [tilespmem:$0x810]  }
0x226: {  	v34 =	vld [tilespmem:$0x1800]  }
0x227: {  	v35 =	vld [tilespmem:$0x1810]  }
0x228: {  	v36 =	vld [tilespmem:$0x880]  }
0x229: {  	v37 =	vld [tilespmem:$0x890]  }
0x22a: {  	v38 =	vld [tilespmem:$0x1880]  }
0x22b: {  	v39 =	vld [tilespmem:$0x1890]  }
0x22c: {  	v40 =	vld [tilespmem:$0x900]  }
0x22d: {  	v41 =	vld [tilespmem:$0x910]  }
0x22e: {  	v42 =	vld [tilespmem:$0x1900]  }
0x22f: {  	v43 =	vld [tilespmem:$0x1910]  }
0x230: {  	v44 =	vld [tilespmem:$0x980]  }
0x231: {  	v45 =	vld [tilespmem:$0x990]  }
0x232: {  	v46 =	vld [tilespmem:$0x1980]  }
0x233: {  	v47 =	vld [tilespmem:$0x1990]  }
0x234: {  	v48 =	vld [tilespmem:$0xA00]  }
0x235: {  	v49 =	vld [tilespmem:$0xA10]  }
0x236: {  	v2 =	vld [tilespmem:$0x1A00];
	v0 =	vmul.f32 v58, v56;
	v1 =	vmul.f32 v3, v57  }
0x237: {  	v51 =	vld [tilespmem:$0x1B10];
	v59 =	vmul.f32 v6, v4;
	v60 =	vmul.f32 v7, v5  }
0x238: {  	v5 =	vld [tilespmem:$0x1A10];
	v61 =	vmul.f32 v10, v8;
	v62 =	vmul.f32 v11, v9;
	v0 =	vadd.f32 v1, v0  }
0x239: {  	v7 =	vld [tilespmem:$0xA80];
	v3 =	vadd.f32 v60, v59  }
0x23a: {  	v4 =	vld [tilespmem:$0xA90];
	v14 =	vmul.f32 v14, v12;
	v15 =	vmul.f32 v15, v13;
	v63 =	vadd.f32 v62, v61;
	(xrf2) =	vadd.scan.msk.f32 $0xffff, v0  }
0x23b: {  	v8 =	vld [tilespmem:$0x1A80];
	v16 =	vmul.f32 v18, v16;
	v18 =	vmul.f32 v19, v17;
	(xrf2) =	vadd.scan.msk.f32 $0xffff, v3  }
0x23c: {  	v10 =	vld [tilespmem:$0x1A90];
	v22 =	vmul.f32 v22, v20;
	v23 =	vmul.f32 v23, v21;
	v19 =	vadd.f32 v15, v14;
	(xrf2) =	vadd.scan.msk.f32 $0xffff, v63  }
0x23d: {  	v11 =	vld [tilespmem:$0xB00];
	v24 =	vmul.f32 v26, v24;
	v25 =	vmul.f32 v27, v25;
	v3 =	vadd.f32 v18, v16  }
0x23e: {  	v26 =	vld [tilespmem:$0xB10];
	v28 =	vmul.f32 v30, v28;
	v29 =	vmul.f32 v31, v29;
	v27 =	vadd.f32 v23, v22;
	(xrf2) =	vadd.scan.msk.f32 $0xffff, v19  }
0x23f: {  	v30 =	vld [tilespmem:$0x1B00];
	v34 =	vmul.f32 v34, v32;
	v50 =	vmul.f32 v35, v33;
	v31 =	vadd.f32 v25, v24;
	(xrf2) =	vadd.scan.msk.f32 $0xffff, v3  }
0x240: {  	v53 =	vmul.f32 v38, v36;
	v54 =	vmul.f32 v39, v37;
	v20 =	vld [tilespmem:$0x1B90];
	v52 =	vadd.f32 v29, v28;
	(xrf2) =	vadd.scan.msk.f32 $0xffff, v27  }
0x241: {  	v57 =	vmul.f32 v42, v40;
	v58 =	vmul.f32 v43, v41;
	v56 =	vadd.f32 v50, v34;
	v59 =	vld [tilespmem:$0xB90];
	(xrf2) =	vadd.scan.msk.f32 $0xffff, v31  }
0x242: {  	v55 =	vld [tilespmem:$0xB80];
	v60 =	vadd.f32 v54, v53;
	v61 =	vmul.f32 v46, v44;
	v62 =	vmul.f32 v47, v45;
	(xrf2) =	vadd.scan.msk.f32 $0xffff, v52  }
0x243: {  	v2 =	vmul.f32 v2, v48;
	v5 =	vmul.f32 v5, v49;
	v63 =	vld [tilespmem:$0x1B80];
	v19 =	vadd.f32 v58, v57;
	(xrf2) =	vadd.scan.msk.f32 $0xffff, v56  }
0x244: {  	v22 =	vadd.f32 v62, v61;
	v23 =	vmul.f32 v8, v7;
	v4 =	vmul.f32 v10, v4;
	v21, _, _ =	vpop (xrf2);
	(xrf2) =	vadd.scan.msk.f32 $0xffff, v60  }
0x245: {  	v25 =	vmul.f32 v30, v11;
	v26 =	vmul.f32 v51, v26;
	v2 =	vadd.f32 v5, v2;
	v24, _, _ =	vpop (xrf2);
	(xrf2) =	vadd.scan.msk.f32 $0xffff, v19  }
0x246: {  	v29 =	vadd.f32 v4, v23;
	v35 =	vmul.f32 v20, v59;
	v28, _, _ =	vpop (xrf2);
	(xrf2) =	vadd.scan.msk.f32 $0xffff, v22  }
0x247: {  	v32 =	vadd.f32 v26, v25;
	v27 =	vbroadcast v21, $0xF;
	v30 =	vbroadcast v24, $0xF;
	(xrf2) =	vadd.scan.msk.f32 $0xffff, v2  }
0x248: {  	v34 =	vmul.f32 v63, v55;
	v31 =	vbroadcast v28, $0xF;
	v33, _, _ =	vpop (xrf2);
	(xrf2) =	vadd.scan.msk.f32 $0xffff, v29  }
0x249: {  	v1 =	vsel vm0, v27, v30;
	v3 =	vbroadcast v33, $0xF;
	v36, _, _ =	vpop (xrf2);
	(xrf2) =	vadd.scan.msk.f32 $0xffff, v32  }
0x24a: {  	v0 =	vadd.f32 v35, v34;
	v1 =	vsel vm1, v1, v31;
	v37 =	vbroadcast v36, $0xF;
	v38, _, _ =	vpop (xrf2)  }
0x24b: {  	v1 =	vsel vm2, v1, v3;
	v39 =	vbroadcast v38, $0xF;
	v40, _, _ =	vpop (xrf2)  }
0x24c: {  	v1 =	vsel vm3, v1, v37;
	v41 =	vbroadcast v40, $0xF;
	v42, _, _ =	vpop (xrf2);
	(xrf2) =	vadd.scan.msk.f32 $0xffff, v0  }
0x24d: {  	v43 =	vsel vm4, v1, v39;
	v44 =	vbroadcast v42, $0xF;
	v45, _, _ =	vpop (xrf2)  }
0x24e: {  	v0 =	vsel vm5, v43, v41;
	v46 =	vbroadcast v45, $0xF;
	v47, _, _ =	vpop (xrf2)  }
0x24f: {  	v0 =	vsel vm6, v0, v44;
	v48 =	vbroadcast v47, $0xF;
	v49, _, _ =	vpop (xrf2)  }
0x250: {  	v0 =	vsel vm7, v0, v46;
	v50 =	vbroadcast v49, $0xF;
	v51, _, _ =	vpop (xrf2)  }
0x251: {  	v0 =	vsel vm8, v0, v48;
	v52 =	vbroadcast v51, $0xF;
	v53, _, _ =	vpop (xrf2)  }
0x252: {  	v0 =	vsel vm9, v0, v50;
	v54 =	vbroadcast v53, $0xF;
	v55, _, _ =	vpop (xrf2)  }
0x253: {  	v0 =	vsel vm10, v0, v52;
	v56 =	vbroadcast v55, $0xF;
	v57, _, _ =	vpop (xrf2)  }
0x254: {  	v0 =	vsel vm11, v0, v54;
	v58 =	vbroadcast v57, $0xF  }
0x255: {  	v0 =	vsel vm12, v0, v56  }
0x256: {  	v59, _, _ =	vpop (xrf2);
	v0 =	vsel vm13, v0, v58  }
0x257: {  	v0 =	vsel vm14, v0, v59  }
0x258: {  	[tilespmem:s23+$0x2400] =	vst v0  }
0x259: {  	v0 =	vld [tilespmem:$0xC00]  }
0x25a: {  	v1 =	vld [tilespmem:$0xC10]  }
0x25b: {  	v2 =	vld [tilespmem:$0x1C00]  }
0x25c: {  	v3 =	vld [tilespmem:$0x1C10]  }
0x25d: {  	v4 =	vld [tilespmem:$0xC80]  }
0x25e: {  	v5 =	vld [tilespmem:$0xC90]  }
0x25f: {  	v60 =	vld [tilespmem:$0x1C80]  }
0x260: {  	v61 =	vld [tilespmem:$0x1C90]  }
0x261: {  	v8 =	vld [tilespmem:$0xD00]  }
0x262: {  	v9 =	vld [tilespmem:$0xD10]  }
0x263: {  	v62 =	vld [tilespmem:$0x1D00]  }
0x264: {  	v63 =	vld [tilespmem:$0x1D10]  }
0x265: {  	v12 =	vld [tilespmem:$0xD80]  }
0x266: {  	v13 =	vld [tilespmem:$0xD90]  }
0x267: {  	v14 =	vld [tilespmem:$0x1D80]  }
0x268: {  	v15 =	vld [tilespmem:$0x1D90]  }
0x269: {  	v16 =	vld [tilespmem:$0xE00]  }
0x26a: {  	v17 =	vld [tilespmem:$0xE10]  }
0x26b: {  	v18 =	vld [tilespmem:$0x1E00]  }
0x26c: {  	v19 =	vld [tilespmem:$0x1E10]  }
0x26d: {  	v20 =	vld [tilespmem:$0xE80]  }
0x26e: {  	v21 =	vld [tilespmem:$0xE90]  }
0x26f: {  	v22 =	vld [tilespmem:$0x1E80]  }
0x270: {  	v23 =	vld [tilespmem:$0x1E90]  }
0x271: {  	v24 =	vld [tilespmem:$0xF00]  }
0x272: {  	v25 =	vld [tilespmem:$0xF10]  }
0x273: {  	v26 =	vld [tilespmem:$0x1F00]  }
0x274: {  	v27 =	vld [tilespmem:$0x1F10]  }
0x275: {  	v28 =	vld [tilespmem:$0xF80]  }
0x276: {  	v29 =	vld [tilespmem:$0xF90]  }
0x277: {  	v30 =	vld [tilespmem:$0x1F80]  }
0x278: {  	v52 =	vld [tilespmem:$0x1F90]  }
0x279: {  	v53 =	vld [tilespmem:$0x1000]  }
0x27a: {  	v54 =	vld [tilespmem:$0x1010]  }
0x27b: {  	v55 =	vld [tilespmem:$0x2000]  }
0x27c: {  	v56 =	vld [tilespmem:$0x2010]  }
0x27d: {  	v57 =	vld [tilespmem:$0x1080]  }
0x27e: {  	v37 =	vld [tilespmem:$0x1090]  }
0x27f: {  	v58 =	vld [tilespmem:$0x2080]  }
0x280: {  	v59 =	vld [tilespmem:$0x2090]  }
0x281: {  	v40 =	vld [tilespmem:$0x1100]  }
0x282: {  	v41 =	vld [tilespmem:$0x1110]  }
0x283: {  	v42 =	vld [tilespmem:$0x2100]  }
0x284: {  	v43 =	vld [tilespmem:$0x2110]  }
0x285: {  	v44 =	vld [tilespmem:$0x1180]  }
0x286: {  	v45 =	vld [tilespmem:$0x1190]  }
0x287: {  	v46 =	vld [tilespmem:$0x2180]  }
0x288: {  	v47 =	vld [tilespmem:$0x2190]  }
0x289: {  	v48 =	vld [tilespmem:$0x1200]  }
0x28a: {  	v49 =	vld [tilespmem:$0x1210]  }
0x28b: {  	v50 =	vld [tilespmem:$0x2200];
	v0 =	vmul.f32 v2, v0  }
0x28c: {  	v7 =	vld [tilespmem:$0x1290];
	v1 =	vmul.f32 v3, v1;
	v60 =	vmul.f32 v60, v4  }
0x28d: {  	v10 =	vld [tilespmem:$0x2290];
	v61 =	vmul.f32 v61, v5;
	v62 =	vmul.f32 v62, v8  }
0x28e: {  	v11 =	vld [tilespmem:$0x1300];
	v63 =	vmul.f32 v63, v9;
	v12 =	vmul.f32 v14, v12;
	v0 =	vadd.f32 v1, v0  }
0x28f: {  	v51 =	vld [tilespmem:$0x2300];
	v14 =	vmul.f32 v15, v13;
	v16 =	vmul.f32 v18, v16;
	v3 =	vadd.f32 v61, v60  }
0x290: {  	v2 =	vld [tilespmem:$0x2210];
	v18 =	vmul.f32 v19, v17;
	v20 =	vmul.f32 v22, v20;
	v15 =	vadd.f32 v63, v62;
	(xrf2) =	vadd.scan.msk.f32 $0xffff, v0  }
0x291: {  	v5 =	vld [tilespmem:$0x1280];
	v22 =	vmul.f32 v23, v21;
	v24 =	vmul.f32 v26, v24;
	v19 =	vadd.f32 v14, v12;
	(xrf2) =	vadd.scan.msk.f32 $0xffff, v3  }
0x292: {  	v9 =	vld [tilespmem:$0x2280];
	v26 =	vmul.f32 v27, v25;
	v30 =	vmul.f32 v30, v28;
	v23 =	vadd.f32 v18, v16;
	(xrf2) =	vadd.scan.msk.f32 $0xffff, v15  }
0x293: {  	v31 =	vmul.f32 v52, v29;
	v53 =	vmul.f32 v55, v53;
	v55 =	vld [tilespmem:$0x2310];
	v27 =	vadd.f32 v22, v20;
	(xrf2) =	vadd.scan.msk.f32 $0xffff, v19  }
0x294: {  	v54 =	vmul.f32 v56, v54;
	v12 =	vld [tilespmem:$0x1310];
	v52 =	vadd.f32 v26, v24;
	(xrf2) =	vadd.scan.msk.f32 $0xffff, v23  }
0x295: {  	v57 =	vmul.f32 v58, v57;
	v58 =	vmul.f32 v59, v37;
	v56 =	vadd.f32 v31, v30;
	v63 =	vld [tilespmem:$0x1390];
	(xrf2) =	vadd.scan.msk.f32 $0xffff, v27  }
0x296: {  	v60 =	vadd.f32 v54, v53;
	v61 =	vmul.f32 v42, v40;
	v62 =	vmul.f32 v43, v41;
	v26 =	vld [tilespmem:$0x2390];
	(xrf2) =	vadd.scan.msk.f32 $0xffff, v52  }
0x297: {  	v59 =	vld [tilespmem:$0x1380];
	v21 =	vmul.f32 v46, v44;
	v20 =	vadd.f32 v58, v57;
	v22 =	vmul.f32 v47, v45;
	(xrf2) =	vadd.scan.msk.f32 $0xffff, v56  }
0x298: {  	v25 =	vmul.f32 v50, v48;
	v24 =	vadd.f32 v62, v61;
	v2 =	vmul.f32 v2, v49;
	v23 =	vld [tilespmem:$0x2380];
	(xrf2) =	vadd.scan.msk.f32 $0xffff, v60  }
0x299: {  	v29 =	vmul.f32 v10, v7;
	v28 =	vmul.f32 v9, v5;
	v27 =	vadd.f32 v22, v21;
	(xrf2) =	vadd.scan.msk.f32 $0xffff, v20  }
0x29a: {  	v32 =	vmul.f32 v51, v11;
	v31 =	vadd.f32 v2, v25;
	v33 =	vmul.f32 v55, v12;
	v30, _, _ =	vpop (xrf2);
	(xrf2) =	vadd.scan.msk.f32 $0xffff, v24  }
0x29b: {  	v4 =	vadd.f32 v29, v28;
	v41 =	vmul.f32 v26, v63;
	v34, _, _ =	vpop (xrf2);
	(xrf2) =	vadd.scan.msk.f32 $0xffff, v27  }
0x29c: {  	v37 =	vadd.f32 v33, v32;
	v35 =	vbroadcast v30, $0xF;
	v36, _, _ =	vpop (xrf2);
	(xrf2) =	vadd.scan.msk.f32 $0xffff, v31;
	v38 =	vbroadcast v34, $0xF  }
0x29d: {  	v39 =	vmul.f32 v23, v59;
	v40, _, _ =	vpop (xrf2);
	(xrf2) =	vadd.scan.msk.f32 $0xffff, v4;
	v5 =	vbroadcast v36, $0xF  }
0x29e: {  	v1 =	vsel vm0, v35, v38;
	v42 =	vbroadcast v40, $0xF;
	v43, _, _ =	vpop (xrf2);
	(xrf2) =	vadd.scan.msk.f32 $0xffff, v37  }
0x29f: {  	v2 =	vadd.f32 v41, v39;
	v44, _, _ =	vpop (xrf2);
	v1 =	vsel vm1, v1, v5;
	v45 =	vbroadcast v43, $0xF  }
0x2a0: {  	v46, _, _ =	vpop (xrf2);
	v1 =	vsel vm2, v1, v42;
	v0 =	vbroadcast v44, $0xF  }
0x2a1: {  	(xrf2) =	vadd.scan.msk.f32 $0xffff, v2;
	v1 =	vsel vm3, v1, v45;
	v47 =	vbroadcast v46, $0xF;
	v48, _, _ =	vpop (xrf2)  }
0x2a2: {  	v49, _, _ =	vpop (xrf2);
	v0 =	vsel vm4, v1, v0;
	v50 =	vbroadcast v48, $0xF  }
0x2a3: {  	v51, _, _ =	vpop (xrf2);
	v0 =	vsel vm5, v0, v47;
	v2 =	vbroadcast v49, $0xF  }
0x2a4: {  	v52, _, _ =	vpop (xrf2);
	v0 =	vsel vm6, v0, v50;
	v53 =	vbroadcast v51, $0xF  }
0x2a5: {  	v54, _, _ =	vpop (xrf2);
	v0 =	vsel vm7, v0, v2;
	v55 =	vbroadcast v52, $0xF  }
0x2a6: {  	v56, _, _ =	vpop (xrf2);
	v0 =	vsel vm8, v0, v53;
	v57 =	vbroadcast v54, $0xF  }
0x2a7: {  	v58, _, _ =	vpop (xrf2);
	v0 =	vsel vm9, v0, v55;
	v59 =	vbroadcast v56, $0xF  }
0x2a8: {  	p0 =	sne.s32 s22, $0x780;
	v60, _, _ =	vpop (xrf2);
	v0 =	vsel vm10, v0, v57;
	v61 =	vbroadcast v58, $0xF  }
.Ltmp0:
0x2a9: {  	v0 =	vsel vm11, v0, v59;
	v62 =	vbroadcast v60, $0xF;
	(pc) =	sbr.rel @p0 .LBB2_2-.Ltmp0, $4  }
0x2aa: {  	v0 =	vsel vm12, v0, v61  }
0x2ab: {  	v63, _, _ =	vpop (xrf2);
	v0 =	vsel vm13, v0, v62  }
0x2ac: {  	v0 =	vsel vm14, v0, v63  }
0x2ad: {  	s22 =	sadd.s32 $0x80, s22;
	[tilespmem:s23+$0x2410] =	vst v0  }
0x2ae: {  	s21 =	sadd.s32 $0x1, s21  }
0x2af: {  	p0 =	sne.s32 s21, s8  }
.Ltmp1:
0x2b0: {  	_ = 	snop;
	(pc) =	sbr.rel @p0 .LBB2_1-.Ltmp1, $4  }
0x2b1: {  	[hbm4b:s7+s1] =	stream.linear.scatter [tilespmem:s19], [sflag:$0xA], $0x200, $0x38;
	[tilespmem:$0x2600] =	vst v63  }
0x2b2: {  	_ =	swait.ge [sflag:s20], $0x200  }
0x2b3: {  	[sflag:s20] =	ssyncset.done $0x0  }
0x2b4: {  	[sflag:s20] =	ssyncadd.s32 $0xFFFFFE00  }
0x2b5: {  	_ =	sfence.sel $0x180000  }
0x2b6: {  	[bflag:$0x0] =	sbarrier.arrive $0xFFFF  }
0x2b7: {  	p0 =	sne.s32 s4, $0x0;
	_ =	strace $0x90000047  }
0x2b8: {  	s0 =	sadd.s32 @!p0 $0x100000, s0;
	[bflag:$0x2] =	sbarrier.arrive $0xFFFF  }
0x2b9: {  	[sflag:s0] =	ssyncadd.tile.s32 @!p0 $0x1;
	_ =	shalt  }
.Lfunc_end2:
_tile_overlayer_lowered:
.L_overlay_start_2:
0x2ba: {  	(tag) =	ssettag $0x2  }
0x2bb: {  	s0 =	rddreg [dreg:$0x0];
	s2 =	stileid.u32  }
0x2bc: {  	s1 =	rddreg [dreg:$0x1];
	p0 =	sne.s32 s2, $0x0  }
0x2bd: {  	s3 =	rddreg [dreg:$0x2];
	[bflag:$0x3] =	sbarrier.arrive $0xFFFF;
	s2 =	simm.s32 @!p0 $0x1C0A  }
0x2be: {  	[timem:s3], [sflag:s2] =	dma.local @!p0 [hbm:s0], s1  }
0x2bf: {  	s0 =	simm.s32 @!p0 $0xA  }
0x2c0: {  	_ =	swait.ge @!p0 [sflag:s0], s1  }
0x2c1: {  	s1 =	ssub.s32 @!p0 $0x0, s1;
	[sflag:s0] =	ssyncset.done @!p0 $0x0  }
0x2c2: {  	[sflag:s0] =	ssyncadd.s32 @!p0 s1  }
0x2c3: {  	[bflag:$0x3] =	sbarrier.arrive $0xFFFF  }
0x2c4: {  	_ =	shalt  }

</sc_bundles>
